<compile_context>
chip_gen: v7x
topology: tpu7x:2x2x1
jax: 0.10.2.dev20260603
libtpu: 0.0.44.dev20260713+nightly
codegen_flags: <defaults>
</compile_context>

<pallas_src>
import functools

import jax
import jax.numpy as jnp
from jax import lax
from jax.experimental import pallas as pl
from jax.experimental.pallas import tpu as pltpu
from jax.experimental.pallas import tpu_sc as plsc

N = 2048
NC = 512
K = 16
F = 128
H = 256

NWORK = 32
CHUNK = 128


def _fps_kernel(s_ref, out_ref):
    B3, _ = s_ref.shape
    B = B3 // 3
    S = s_ref[...]
    iota = lax.broadcasted_iota(jnp.int32, (B, N), 1)
    islot = lax.broadcasted_iota(jnp.int32, (B, NC), 1)
    L0 = S[:, 0:1]
    dmin0 = jnp.full((B, N), 1e10, jnp.float32)
    slots0 = jnp.zeros((B, NC), jnp.int32)

    def step(i, carry):
        dmin, L, slots = carry
        dS = (S - L) ** 2
        d2 = (dS[0:B] + dS[B:2 * B]) + dS[2 * B:3 * B]
        dmin = jnp.minimum(dmin, d2)
        m = jnp.max(dmin, axis=1, keepdims=True)
        idx = jnp.min(jnp.where(dmin == m, iota, N), axis=1, keepdims=True)
        slots = jnp.where(islot == i, idx, slots)
        self = jnp.where(iota == idx, 1.0, 0.0)
        self3 = jnp.concatenate([self, self, self], axis=0)
        L = jnp.sum(S * self3, axis=1, keepdims=True)
        return dmin, L, slots

    carry = lax.fori_loop(1, NC, step, (dmin0, L0, slots0), unroll=8)
    out_ref[...] = carry[2]


def _split(v):
    hi = v.astype(jnp.bfloat16)
    lo = (v - hi.astype(jnp.float32)).astype(jnp.bfloat16)
    return hi, lo


def _knn_kernel(pos_r_ref, pos_c_ref, feat_ref, cent_ref,
                w1f_ref, w1p_ref, b1_ref,
                posq_ref, a_ref, cadd_ref, nbr_ref):
    f32 = jnp.float32
    bf16 = jnp.bfloat16
    b = pl.program_id(0)
    x = pos_r_ref[0, 0:1, :]
    y = pos_r_ref[0, 1:2, :]
    z = pos_r_ref[0, 2:3, :]
    xc = pos_c_ref[0, :, 0:1]
    yc = pos_c_ref[0, :, 1:2]
    zc = pos_c_ref[0, :, 2:3]
    feat = feat_ref[0]
    cent = cent_ref[0]

    P = (xc * w1p_ref[0:1, :] + yc * w1p_ref[1:2, :] + zc * w1p_ref[2:3, :])
    A = jnp.dot(feat, w1f_ref[...], preferred_element_type=f32) + P
    a_ref[0] = A

    iota = lax.broadcasted_iota(jnp.int32, (NC, N), 1)
    ohc = (iota == cent)
    qx = jnp.sum(jnp.where(ohc, x, 0.0), axis=1, keepdims=True)
    qy = jnp.sum(jnp.where(ohc, y, 0.0), axis=1, keepdims=True)
    qz = jnp.sum(jnp.where(ohc, z, 0.0), axis=1, keepdims=True)
    ohcb = ohc.astype(bf16)
    Phi, Plo = _split(P)
    qproj = (jnp.dot(ohcb, Phi, preferred_element_type=f32)
             + jnp.dot(ohcb, Plo, preferred_element_type=f32))
    cadd_ref[0] = b1_ref[...] - qproj

    D = (qx - x) ** 2 + (qy - y) ** 2 + (qz - z) ** 2

    for j in range(K):
        mn = jnp.min(D, axis=1, keepdims=True)
        idx = jnp.min(jnp.where(D == mn, iota, N), axis=1, keepdims=True)
        nbr_ref[0, j] = idx + b * N
        D = jnp.where(iota == idx, jnp.inf, D)

    lane = lax.broadcasted_iota(jnp.int32, (NC, 128), 1)
    pq = jnp.where(lane == 0, qx, jnp.where(lane == 1, qy,
                                            jnp.where(lane == 2, qz, 0.0)))
    posq_ref[0] = pq


def _sc_gather_body(table_hbm, idx_hbm, out_hbm,
                    idx_v0, idx_v1, rows_v0, rows_v1,
                    gsem0, gsem1, wsem0, wsem1):
    wid = lax.axis_index("s") * 2 + lax.axis_index("c")
    nrows = idx_hbm.shape[0]
    per_w = nrows // NWORK
    base = wid * per_w
    nchunks = per_w // CHUNK
    idx_bufs = (idx_v0, idx_v1)
    rows_bufs = (rows_v0, rows_v1)
    gsems = (gsem0, gsem1)
    wsems = (wsem0, wsem1)

    pltpu.sync_copy(idx_hbm.at[pl.ds(base, CHUNK)], idx_v0)
    gather0 = pltpu.async_copy(table_hbm.at[idx_v0], rows_v0, gsem0)
    writes = [None, None]
    gathers = [gather0, None]
    for c in range(1, nchunks):
        p, q = c % 2, (c - 1) % 2
        if writes[p] is not None:
            writes[p].wait()
        off = base + c * CHUNK
        pltpu.sync_copy(idx_hbm.at[pl.ds(off, CHUNK)], idx_bufs[p])
        gathers[p] = pltpu.async_copy(table_hbm.at[idx_bufs[p]], rows_bufs[p],
                                      gsems[p])
        gathers[q].wait()
        woff = base + (c - 1) * CHUNK
        writes[q] = pltpu.async_copy(rows_bufs[q],
                                     out_hbm.at[pl.ds(woff, CHUNK)], wsems[q])
    last = nchunks - 1
    gathers[last % 2].wait()
    woff = base + last * CHUNK
    writes[last % 2] = pltpu.async_copy(rows_bufs[last % 2],
                                        out_hbm.at[pl.ds(woff, CHUNK)],
                                        wsems[last % 2])
    for w in writes:
        if w is not None:
            w.wait()


def _sc_gather(table, idx):
    nrows = idx.shape[0]
    f = functools.partial(
        pl.kernel,
        mesh=plsc.VectorSubcoreMesh(core_axis_name="c", subcore_axis_name="s"),
        out_type=jax.ShapeDtypeStruct((nrows, H), jnp.float32),
        scratch_types=[
            pltpu.VMEM((CHUNK,), jnp.int32),
            pltpu.VMEM((CHUNK,), jnp.int32),
            pltpu.VMEM((CHUNK, H), jnp.float32),
            pltpu.VMEM((CHUNK, H), jnp.float32),
            pltpu.SemaphoreType.DMA,
            pltpu.SemaphoreType.DMA,
            pltpu.SemaphoreType.DMA,
            pltpu.SemaphoreType.DMA,
        ],
    )(_sc_gather_body)
    return f(table, idx)


def _mlp_kernel(g_ref, cadd_ref, w2hi_ref, w2lo_ref, b2_ref, out_ref):
    f32 = jnp.float32
    cadd = cadd_ref[0]
    w2hi = w2hi_ref[...]
    w2lo = w2lo_ref[...]
    b2 = b2_ref[...]
    acc = jnp.full((NC, H), -jnp.inf, f32)
    for j in range(K):
        h1 = jnp.maximum(g_ref[0, j] + cadd, 0.0)
        h1hi, h1lo = _split(h1)
        h2 = (jnp.dot(h1hi, w2hi, preferred_element_type=f32)
              + jnp.dot(h1hi, w2lo, preferred_element_type=f32)
              + jnp.dot(h1lo, w2hi, preferred_element_type=f32)) + b2
        acc = jnp.maximum(acc, h2)
    out_ref[0] = jnp.maximum(acc, 0.0)


@jax.jit
def kernel(feat, pos, W1, b1, W2, b2):
    b = feat.shape[0]
    f32 = jnp.float32
    pos_r = jnp.transpose(pos, (0, 2, 1))

    s_stack = jnp.concatenate([pos_r[:, 0, :], pos_r[:, 1, :], pos_r[:, 2, :]],
                              axis=0)
    cent = pl.pallas_call(
        _fps_kernel,
        out_shape=jax.ShapeDtypeStruct((b, NC), jnp.int32),
    )(s_stack)
    cent = cent.reshape(b, NC, 1)

    w1f = W1[:F]
    w1p = jnp.zeros((8, H), f32).at[:3].set(W1[F:])
    b1r = b1.reshape(1, H)
    b2r = b2.reshape(1, H)

    posq, A, cadd, nbr = pl.pallas_call(
        _knn_kernel,
        grid=(b,),
        in_specs=[
            pl.BlockSpec((1, 3, N), lambda i: (i, 0, 0)),
            pl.BlockSpec((1, N, 3), lambda i: (i, 0, 0)),
            pl.BlockSpec((1, N, F), lambda i: (i, 0, 0)),
            pl.BlockSpec((1, NC, 1), lambda i: (i, 0, 0)),
            pl.BlockSpec((F, H), lambda i: (0, 0)),
            pl.BlockSpec((8, H), lambda i: (0, 0)),
            pl.BlockSpec((1, H), lambda i: (0, 0)),
        ],
        out_specs=[
            pl.BlockSpec((1, NC, 128), lambda i: (i, 0, 0)),
            pl.BlockSpec((1, N, H), lambda i: (i, 0, 0)),
            pl.BlockSpec((1, NC, H), lambda i: (i, 0, 0)),
            pl.BlockSpec((1, K, NC, 1), lambda i: (i, 0, 0, 0)),
        ],
        out_shape=[
            jax.ShapeDtypeStruct((b, NC, 128), f32),
            jax.ShapeDtypeStruct((b, N, H), f32),
            jax.ShapeDtypeStruct((b, NC, H), f32),
            jax.ShapeDtypeStruct((b, K, NC, 1), jnp.int32),
        ],
        compiler_params=pltpu.CompilerParams(
            dimension_semantics=("parallel",)),
    )(pos_r, pos, feat, cent, w1f, w1p, b1r)

    g = _sc_gather(A.reshape(b * N, H), nbr.reshape(b * K * NC))
    g = g.reshape(b, K, NC, H)

    w2hi = W2.astype(jnp.bfloat16)
    w2lo = (W2 - w2hi.astype(f32)).astype(jnp.bfloat16)

    featq = pl.pallas_call(
        _mlp_kernel,
        grid=(b,),
        in_specs=[
            pl.BlockSpec((1, K, NC, H), lambda i: (i, 0, 0, 0)),
            pl.BlockSpec((1, NC, H), lambda i: (i, 0, 0)),
            pl.BlockSpec((H, H), lambda i: (0, 0)),
            pl.BlockSpec((H, H), lambda i: (0, 0)),
            pl.BlockSpec((1, H), lambda i: (0, 0)),
        ],
        out_specs=pl.BlockSpec((1, NC, H), lambda i: (i, 0, 0)),
        out_shape=jax.ShapeDtypeStruct((b, NC, H), f32),
        compiler_params=pltpu.CompilerParams(
            dimension_semantics=("parallel",)),
    )(g, cadd, w2hi, w2lo, b2r)

    return posq[:, :, :3], featq

# --- scband reference (transcript-rebuilt; emitter-appended) ---
"""Pipeline reference for scband-transition-down-51694226375250 (READ-ONLY COPY).

The authoritative reference and input builder live on the scoring server;
editing this copy changes nothing except your own understanding.
"""

import jax, jax.numpy as jnp
import numpy as np

MLP_SIZES = [131, 256, 256]
BATCH = 4
N_POINTS = 2048
FEAT_DIM = 128
N_NEIGHBORS = 16
DOWNSAMPLING = 4


def setup_inputs(seed: int = 0):
    key = jax.random.key(seed)
    ks = jax.random.split(key, 6)
    feat = jax.random.normal(ks[0], (BATCH, N_POINTS, FEAT_DIM), dtype=jnp.float32)
    pos = jax.random.normal(ks[1], (BATCH, N_POINTS, 3), dtype=jnp.float32)
    W1 = jax.random.normal(ks[2], (MLP_SIZES[0], MLP_SIZES[1]), dtype=jnp.float32) / np.sqrt(MLP_SIZES[0])
    b1 = jnp.zeros((MLP_SIZES[1],), dtype=jnp.float32)
    W2 = jax.random.normal(ks[3], (MLP_SIZES[1], MLP_SIZES[2]), dtype=jnp.float32) / np.sqrt(MLP_SIZES[1])
    b2 = jnp.zeros((MLP_SIZES[2],), dtype=jnp.float32)
    return {"feat": feat, "pos": pos, "W1": W1, "b1": b1, "W2": W2, "b2": b2}


def farthest_point_sampler(pos, n_samples):
    b, n, d = pos.shape
    start = jnp.zeros((b,), dtype=jnp.int32)
    dists = jnp.full((b, n), 1e10, dtype=pos.dtype)

    def step(carry, _):
        dmin, last = carry
        last_pos = jnp.take_along_axis(pos, last[:, None, None], axis=1)
        d2 = jnp.sum((pos - last_pos) ** 2, axis=-1)
        dmin = jnp.minimum(dmin, d2)
        nxt = jnp.argmax(dmin, axis=-1).astype(jnp.int32)
        return (dmin, nxt), nxt

    _, rest = jax.lax.scan(step, (dists, start), None, length=n_samples - 1)
    return jnp.concatenate([start[:, None], jnp.transpose(rest)], axis=1)


def knn_indices(pos, k):
    d2 = jnp.sum((pos[:, :, None, :] - pos[:, None, :, :]) ** 2, axis=-1)
    _, idx = jax.lax.top_k(-d2, k)
    return idx


def reference(feat, pos, W1, b1, W2, b2):
    b, n, c = feat.shape
    n_centroids = n // DOWNSAMPLING
    pos_c = jax.lax.stop_gradient(pos)
    centroids = farthest_point_sampler(pos_c, n_centroids)
    nbr = knn_indices(pos_c, N_NEIGHBORS)
    gather = jax.vmap(lambda a, i: a[i])
    feat_nbr = gather(feat, nbr)
    pos_nbr = gather(pos, nbr)
    rel = pos_nbr - pos[:, :, None, :]
    msg = jnp.concatenate([feat_nbr, rel], axis=-1)
    h = jax.nn.relu(jnp.einsum('bnkc,cd->bnkd', msg, W1) + b1)
    h = jax.nn.relu(jnp.einsum('bnkc,cd->bnkd', h, W2) + b2)
    new_feat = jnp.max(h, axis=2)
    pos_res = gather(pos, centroids)
    feat_res = gather(new_feat, centroids)
    return (pos_res, feat_res)

if __name__ == "__main__":
    import jax
    _d = setup_inputs()
    print(jax.jit(kernel)(*tuple(_d.values())))

</pallas_src>

<mosaic_0001>
#map = affine_map<(d0, d1) -> (0, 0)>
#map1 = affine_map<(d0, d1) -> (0)>
module attributes {stable_mosaic.version = 14 : i64} {
  func.func @_sc_gather_body(%arg0: i32, %arg1: i32, %arg2: memref<8192x256xf32, #tpu.memory_space<hbm>>, %arg3: memref<32768xi32, #tpu.memory_space<hbm>>, %arg4: memref<32768x256xf32, #tpu.memory_space<hbm>>, %arg5: memref<128xi32, #tpu.memory_space<vmem>>, %arg6: memref<128xi32, #tpu.memory_space<vmem>>, %arg7: memref<128x256xf32, #tpu.memory_space<vmem>>, %arg8: memref<128x256xf32, #tpu.memory_space<vmem>>, %arg9: memref<!tpu.dma_semaphore, #tpu.memory_space<semaphore_mem>>, %arg10: memref<!tpu.dma_semaphore, #tpu.memory_space<semaphore_mem>>, %arg11: memref<!tpu.dma_semaphore, #tpu.memory_space<semaphore_mem>>, %arg12: memref<!tpu.dma_semaphore, #tpu.memory_space<semaphore_mem>>) attributes {dimension_semantics = [#tpu.dimension_semantics<core_parallel>, #tpu.dimension_semantics<subcore_parallel>], iteration_bounds = array<i64: 2, 16>, scalar_prefetch = 0 : i64, scratch_operands = 8 : i64, tpu.core_type = #tpu.core_type<sc_vector_subcore>, window_params = [{transform_indices = #map}, {transform_indices = #map1}, {transform_indices = #map}]} {
    %mul3A = arith.constant 2 : i32
    %mul3A_0 = arith.muli %arg1, %mul3A : i32
    %add3A = arith.addi %mul3A_0, %arg0 : i32
    %mul3A_1 = arith.constant 1024 : i32
    %mul3A_2 = arith.muli %add3A, %mul3A_1 : i32
    "tpu.region"() ({
      %run_scoped3A = tpu.sem_alloc : memref<!tpu.dma_semaphore, #tpu.memory_space<semaphore_mem>>
      %dma_start3A_143 = tpu.memref_slice %arg3[%mul3A_2] : memref<32768xi32, #tpu.memory_space<hbm>> -> memref<128xi32, #tpu.memory_space<hbm>>
      %dma_start3A_144 = tpu.memref_slice %arg3[%mul3A_2] : memref<32768xi32, #tpu.memory_space<hbm>> -> memref<128xi32, #tpu.memory_space<hbm>>
      tpu.enqueue_dma source(%dma_start3A_144 : memref<128xi32, #tpu.memory_space<hbm>>) target(%arg5 : memref<128xi32, #tpu.memory_space<vmem>>) target_semaphore(%run_scoped3A : memref<!tpu.dma_semaphore, #tpu.memory_space<semaphore_mem>>)
      %dma_wait3A_145 = tpu.memref_slice %arg3[%mul3A_2] : memref<32768xi32, #tpu.memory_space<hbm>> -> memref<128xi32, #tpu.memory_space<hbm>>
      %dma_wait3A_146 = tpu.memref_slice %arg3[%mul3A_2] : memref<32768xi32, #tpu.memory_space<hbm>> -> memref<128xi32, #tpu.memory_space<hbm>>
      tpu.wait_dma2 semaphore(%run_scoped3A : memref<!tpu.dma_semaphore, #tpu.memory_space<semaphore_mem>>) src(%dma_wait3A_146 : memref<128xi32, #tpu.memory_space<hbm>>) dst(%arg5 : memref<128xi32, #tpu.memory_space<vmem>>)
      tpu.yield
    }) : () -> ()
    %dma_start3A = arith.constant 0 : i32
    %dma_start3A_3 = arith.constant 0 : i32
    %dma_start3A_4 = tpu.memref_slice %arg2[%dma_start3A, %dma_start3A_3] : memref<8192x256xf32, #tpu.memory_space<hbm>> -> memref<8192x256xf32, #tpu.memory_space<hbm>>
    tpu.enqueue_indirect_dma source(%dma_start3A_4 : memref<8192x256xf32, #tpu.memory_space<hbm>>) target(%arg7 : memref<128x256xf32, #tpu.memory_space<vmem>>) offsets(%arg5 : memref<128xi32, #tpu.memory_space<vmem>>) semaphore(%arg9 : memref<!tpu.dma_semaphore, #tpu.memory_space<semaphore_mem>>)
    %add3A_5 = arith.constant 128 : i32
    %add3A_6 = arith.addi %mul3A_2, %add3A_5 : i32
    "tpu.region"() ({
      %run_scoped3A = tpu.sem_alloc : memref<!tpu.dma_semaphore, #tpu.memory_space<semaphore_mem>>
      %dma_start3A_143 = tpu.memref_slice %arg3[%add3A_6] : memref<32768xi32, #tpu.memory_space<hbm>> -> memref<128xi32, #tpu.memory_space<hbm>>
      %dma_start3A_144 = tpu.memref_slice %arg3[%add3A_6] : memref<32768xi32, #tpu.memory_space<hbm>> -> memref<128xi32, #tpu.memory_space<hbm>>
      tpu.enqueue_dma source(%dma_start3A_144 : memref<128xi32, #tpu.memory_space<hbm>>) target(%arg6 : memref<128xi32, #tpu.memory_space<vmem>>) target_semaphore(%run_scoped3A : memref<!tpu.dma_semaphore, #tpu.memory_space<semaphore_mem>>)
      %dma_wait3A_145 = tpu.memref_slice %arg3[%add3A_6] : memref<32768xi32, #tpu.memory_space<hbm>> -> memref<128xi32, #tpu.memory_space<hbm>>
      %dma_wait3A_146 = tpu.memref_slice %arg3[%add3A_6] : memref<32768xi32, #tpu.memory_space<hbm>> -> memref<128xi32, #tpu.memory_space<hbm>>
      tpu.wait_dma2 semaphore(%run_scoped3A : memref<!tpu.dma_semaphore, #tpu.memory_space<semaphore_mem>>) src(%dma_wait3A_146 : memref<128xi32, #tpu.memory_space<hbm>>) dst(%arg6 : memref<128xi32, #tpu.memory_space<vmem>>)
      tpu.yield
    }) : () -> ()
    %dma_start3A_7 = arith.constant 0 : i32
    %dma_start3A_8 = arith.constant 0 : i32
    %dma_start3A_9 = tpu.memref_slice %arg2[%dma_start3A_7, %dma_start3A_8] : memref<8192x256xf32, #tpu.memory_space<hbm>> -> memref<8192x256xf32, #tpu.memory_space<hbm>>
    tpu.enqueue_indirect_dma source(%dma_start3A_9 : memref<8192x256xf32, #tpu.memory_space<hbm>>) target(%arg8 : memref<128x256xf32, #tpu.memory_space<vmem>>) offsets(%arg6 : memref<128xi32, #tpu.memory_space<vmem>>) semaphore(%arg10 : memref<!tpu.dma_semaphore, #tpu.memory_space<semaphore_mem>>)
    %dma_wait3A = arith.constant 0 : i32
    %dma_wait3A_10 = arith.constant 0 : i32
    %dma_wait3A_11 = tpu.memref_slice %arg2[%dma_wait3A, %dma_wait3A_10] : memref<8192x256xf32, #tpu.memory_space<hbm>> -> memref<8192x256xf32, #tpu.memory_space<hbm>>
    tpu.wait_indirect_dma semaphore(%arg9 : memref<!tpu.dma_semaphore, #tpu.memory_space<semaphore_mem>>) src(%dma_wait3A_11 : memref<8192x256xf32, #tpu.memory_space<hbm>>) dst(%arg7 : memref<128x256xf32, #tpu.memory_space<vmem>>)
    %add3A_12 = arith.constant 0 : i32
    %add3A_13 = arith.addi %mul3A_2, %add3A_12 : i32
    %dma_start3A_14 = arith.constant 0 : i32
    %dma_start3A_15 = tpu.memref_slice %arg4[%add3A_13, %dma_start3A_14] : memref<32768x256xf32, #tpu.memory_space<hbm>> -> memref<128x256xf32, #tpu.memory_space<hbm>>
    %dma_start3A_16 = arith.constant 0 : i32
    %dma_start3A_17 = tpu.memref_slice %arg4[%add3A_13, %dma_start3A_16] : memref<32768x256xf32, #tpu.memory_space<hbm>> -> memref<128x256xf32, #tpu.memory_space<hbm>>
    tpu.enqueue_dma source(%arg7 : memref<128x256xf32, #tpu.memory_space<vmem>>) target(%dma_start3A_17 : memref<128x256xf32, #tpu.memory_space<hbm>>) target_semaphore(%arg11 : memref<!tpu.dma_semaphore, #tpu.memory_space<semaphore_mem>>)
    %dma_wait3A_18 = arith.constant 0 : i32
    %dma_wait3A_19 = tpu.memref_slice %arg4[%add3A_13, %dma_wait3A_18] : memref<32768x256xf32, #tpu.memory_space<hbm>> -> memref<128x256xf32, #tpu.memory_space<hbm>>
    %dma_wait3A_20 = arith.constant 0 : i32
    %dma_wait3A_21 = tpu.memref_slice %arg4[%add3A_13, %dma_wait3A_20] : memref<32768x256xf32, #tpu.memory_space<hbm>> -> memref<128x256xf32, #tpu.memory_space<hbm>>
    tpu.wait_dma2 semaphore(%arg11 : memref<!tpu.dma_semaphore, #tpu.memory_space<semaphore_mem>>) src(%arg7 : memref<128x256xf32, #tpu.memory_space<vmem>>) dst(%dma_wait3A_21 : memref<128x256xf32, #tpu.memory_space<hbm>>)
    %add3A_22 = arith.constant 256 : i32
    %add3A_23 = arith.addi %mul3A_2, %add3A_22 : i32
    "tpu.region"() ({
      %run_scoped3A = tpu.sem_alloc : memref<!tpu.dma_semaphore, #tpu.memory_space<semaphore_mem>>
      %dma_start3A_143 = tpu.memref_slice %arg3[%add3A_23] : memref<32768xi32, #tpu.memory_space<hbm>> -> memref<128xi32, #tpu.memory_space<hbm>>
      %dma_start3A_144 = tpu.memref_slice %arg3[%add3A_23] : memref<32768xi32, #tpu.memory_space<hbm>> -> memref<128xi32, #tpu.memory_space<hbm>>
      tpu.enqueue_dma source(%dma_start3A_144 : memref<128xi32, #tpu.memory_space<hbm>>) target(%arg5 : memref<128xi32, #tpu.memory_space<vmem>>) target_semaphore(%run_scoped3A : memref<!tpu.dma_semaphore, #tpu.memory_space<semaphore_mem>>)
      %dma_wait3A_145 = tpu.memref_slice %arg3[%add3A_23] : memref<32768xi32, #tpu.memory_space<hbm>> -> memref<128xi32, #tpu.memory_space<hbm>>
      %dma_wait3A_146 = tpu.memref_slice %arg3[%add3A_23] : memref<32768xi32, #tpu.memory_space<hbm>> -> memref<128xi32, #tpu.memory_space<hbm>>
      tpu.wait_dma2 semaphore(%run_scoped3A : memref<!tpu.dma_semaphore, #tpu.memory_space<semaphore_mem>>) src(%dma_wait3A_146 : memref<128xi32, #tpu.memory_space<hbm>>) dst(%arg5 : memref<128xi32, #tpu.memory_space<vmem>>)
      tpu.yield
    }) : () -> ()
    %dma_start3A_24 = arith.constant 0 : i32
    %dma_start3A_25 = arith.constant 0 : i32
    %dma_start3A_26 = tpu.memref_slice %arg2[%dma_start3A_24, %dma_start3A_25] : memref<8192x256xf32, #tpu.memory_space<hbm>> -> memref<8192x256xf32, #tpu.memory_space<hbm>>
    tpu.enqueue_indirect_dma source(%dma_start3A_26 : memref<8192x256xf32, #tpu.memory_space<hbm>>) target(%arg7 : memref<128x256xf32, #tpu.memory_space<vmem>>) offsets(%arg5 : memref<128xi32, #tpu.memory_space<vmem>>) semaphore(%arg9 : memref<!tpu.dma_semaphore, #tpu.memory_space<semaphore_mem>>)
    %dma_wait3A_27 = arith.constant 0 : i32
    %dma_wait3A_28 = arith.constant 0 : i32
    %dma_wait3A_29 = tpu.memref_slice %arg2[%dma_wait3A_27, %dma_wait3A_28] : memref<8192x256xf32, #tpu.memory_space<hbm>> -> memref<8192x256xf32, #tpu.memory_space<hbm>>
    tpu.wait_indirect_dma semaphore(%arg10 : memref<!tpu.dma_semaphore, #tpu.memory_space<semaphore_mem>>) src(%dma_wait3A_29 : memref<8192x256xf32, #tpu.memory_space<hbm>>) dst(%arg8 : memref<128x256xf32, #tpu.memory_space<vmem>>)
    %add3A_30 = arith.constant 128 : i32
    %add3A_31 = arith.addi %mul3A_2, %add3A_30 : i32
    %dma_start3A_32 = arith.constant 0 : i32
    %dma_start3A_33 = tpu.memref_slice %arg4[%add3A_31, %dma_start3A_32] : memref<32768x256xf32, #tpu.memory_space<hbm>> -> memref<128x256xf32, #tpu.memory_space<hbm>>
    %dma_start3A_34 = arith.constant 0 : i32
    %dma_start3A_35 = tpu.memref_slice %arg4[%add3A_31, %dma_start3A_34] : memref<32768x256xf32, #tpu.memory_space<hbm>> -> memref<128x256xf32, #tpu.memory_space<hbm>>
    tpu.enqueue_dma source(%arg8 : memref<128x256xf32, #tpu.memory_space<vmem>>) target(%dma_start3A_35 : memref<128x256xf32, #tpu.memory_space<hbm>>) target_semaphore(%arg12 : memref<!tpu.dma_semaphore, #tpu.memory_space<semaphore_mem>>)
    %dma_wait3A_36 = arith.constant 0 : i32
    %dma_wait3A_37 = tpu.memref_slice %arg4[%add3A_31, %dma_wait3A_36] : memref<32768x256xf32, #tpu.memory_space<hbm>> -> memref<128x256xf32, #tpu.memory_space<hbm>>
    %dma_wait3A_38 = arith.constant 0 : i32
    %dma_wait3A_39 = tpu.memref_slice %arg4[%add3A_31, %dma_wait3A_38] : memref<32768x256xf32, #tpu.memory_space<hbm>> -> memref<128x256xf32, #tpu.memory_space<hbm>>
    tpu.wait_dma2 semaphore(%arg12 : memref<!tpu.dma_semaphore, #tpu.memory_space<semaphore_mem>>) src(%arg8 : memref<128x256xf32, #tpu.memory_space<vmem>>) dst(%dma_wait3A_39 : memref<128x256xf32, #tpu.memory_space<hbm>>)
    %add3A_40 = arith.constant 384 : i32
    %add3A_41 = arith.addi %mul3A_2, %add3A_40 : i32
    "tpu.region"() ({
      %run_scoped3A = tpu.sem_alloc : memref<!tpu.dma_semaphore, #tpu.memory_space<semaphore_mem>>
      %dma_start3A_143 = tpu.memref_slice %arg3[%add3A_41] : memref<32768xi32, #tpu.memory_space<hbm>> -> memref<128xi32, #tpu.memory_space<hbm>>
      %dma_start3A_144 = tpu.memref_slice %arg3[%add3A_41] : memref<32768xi32, #tpu.memory_space<hbm>> -> memref<128xi32, #tpu.memory_space<hbm>>
      tpu.enqueue_dma source(%dma_start3A_144 : memref<128xi32, #tpu.memory_space<hbm>>) target(%arg6 : memref<128xi32, #tpu.memory_space<vmem>>) target_semaphore(%run_scoped3A : memref<!tpu.dma_semaphore, #tpu.memory_space<semaphore_mem>>)
      %dma_wait3A_145 = tpu.memref_slice %arg3[%add3A_41] : memref<32768xi32, #tpu.memory_space<hbm>> -> memref<128xi32, #tpu.memory_space<hbm>>
      %dma_wait3A_146 = tpu.memref_slice %arg3[%add3A_41] : memref<32768xi32, #tpu.memory_space<hbm>> -> memref<128xi32, #tpu.memory_space<hbm>>
      tpu.wait_dma2 semaphore(%run_scoped3A : memref<!tpu.dma_semaphore, #tpu.memory_space<semaphore_mem>>) src(%dma_wait3A_146 : memref<128xi32, #tpu.memory_space<hbm>>) dst(%arg6 : memref<128xi32, #tpu.memory_space<vmem>>)
      tpu.yield
    }) : () -> ()
    %dma_start3A_42 = arith.constant 0 : i32
    %dma_start3A_43 = arith.constant 0 : i32
    %dma_start3A_44 = tpu.memref_slice %arg2[%dma_start3A_42, %dma_start3A_43] : memref<8192x256xf32, #tpu.memory_space<hbm>> -> memref<8192x256xf32, #tpu.memory_space<hbm>>
    tpu.enqueue_indirect_dma source(%dma_start3A_44 : memref<8192x256xf32, #tpu.memory_space<hbm>>) target(%arg8 : memref<128x256xf32, #tpu.memory_space<vmem>>) offsets(%arg6 : memref<128xi32, #tpu.memory_space<vmem>>) semaphore(%arg10 : memref<!tpu.dma_semaphore, #tpu.memory_space<semaphore_mem>>)
    %dma_wait3A_45 = arith.constant 0 : i32
    %dma_wait3A_46 = arith.constant 0 : i32
    %dma_wait3A_47 = tpu.memref_slice %arg2[%dma_wait3A_45, %dma_wait3A_46] : memref<8192x256xf32, #tpu.memory_space<hbm>> -> memref<8192x256xf32, #tpu.memory_space<hbm>>
    tpu.wait_indirect_dma semaphore(%arg9 : memref<!tpu.dma_semaphore, #tpu.memory_space<semaphore_mem>>) src(%dma_wait3A_47 : memref<8192x256xf32, #tpu.memory_space<hbm>>) dst(%arg7 : memref<128x256xf32, #tpu.memory_space<vmem>>)
    %add3A_48 = arith.constant 256 : i32
    %add3A_49 = arith.addi %mul3A_2, %add3A_48 : i32
    %dma_start3A_50 = arith.constant 0 : i32
    %dma_start3A_51 = tpu.memref_slice %arg4[%add3A_49, %dma_start3A_50] : memref<32768x256xf32, #tpu.memory_space<hbm>> -> memref<128x256xf32, #tpu.memory_space<hbm>>
    %dma_start3A_52 = arith.constant 0 : i32
    %dma_start3A_53 = tpu.memref_slice %arg4[%add3A_49, %dma_start3A_52] : memref<32768x256xf32, #tpu.memory_space<hbm>> -> memref<128x256xf32, #tpu.memory_space<hbm>>
    tpu.enqueue_dma source(%arg7 : memref<128x256xf32, #tpu.memory_space<vmem>>) target(%dma_start3A_53 : memref<128x256xf32, #tpu.memory_space<hbm>>) target_semaphore(%arg11 : memref<!tpu.dma_semaphore, #tpu.memory_space<semaphore_mem>>)
    %dma_wait3A_54 = arith.constant 0 : i32
    %dma_wait3A_55 = tpu.memref_slice %arg4[%add3A_49, %dma_wait3A_54] : memref<32768x256xf32, #tpu.memory_space<hbm>> -> memref<128x256xf32, #tpu.memory_space<hbm>>
    %dma_wait3A_56 = arith.constant 0 : i32
    %dma_wait3A_57 = tpu.memref_slice %arg4[%add3A_49, %dma_wait3A_56] : memref<32768x256xf32, #tpu.memory_space<hbm>> -> memref<128x256xf32, #tpu.memory_space<hbm>>
    tpu.wait_dma2 semaphore(%arg11 : memref<!tpu.dma_semaphore, #tpu.memory_space<semaphore_mem>>) src(%arg7 : memref<128x256xf32, #tpu.memory_space<vmem>>) dst(%dma_wait3A_57 : memref<128x256xf32, #tpu.memory_space<hbm>>)
    %add3A_58 = arith.constant 512 : i32
    %add3A_59 = arith.addi %mul3A_2, %add3A_58 : i32
    "tpu.region"() ({
      %run_scoped3A = tpu.sem_alloc : memref<!tpu.dma_semaphore, #tpu.memory_space<semaphore_mem>>
      %dma_start3A_143 = tpu.memref_slice %arg3[%add3A_59] : memref<32768xi32, #tpu.memory_space<hbm>> -> memref<128xi32, #tpu.memory_space<hbm>>
      %dma_start3A_144 = tpu.memref_slice %arg3[%add3A_59] : memref<32768xi32, #tpu.memory_space<hbm>> -> memref<128xi32, #tpu.memory_space<hbm>>
      tpu.enqueue_dma source(%dma_start3A_144 : memref<128xi32, #tpu.memory_space<hbm>>) target(%arg5 : memref<128xi32, #tpu.memory_space<vmem>>) target_semaphore(%run_scoped3A : memref<!tpu.dma_semaphore, #tpu.memory_space<semaphore_mem>>)
      %dma_wait3A_145 = tpu.memref_slice %arg3[%add3A_59] : memref<32768xi32, #tpu.memory_space<hbm>> -> memref<128xi32, #tpu.memory_space<hbm>>
      %dma_wait3A_146 = tpu.memref_slice %arg3[%add3A_59] : memref<32768xi32, #tpu.memory_space<hbm>> -> memref<128xi32, #tpu.memory_space<hbm>>
      tpu.wait_dma2 semaphore(%run_scoped3A : memref<!tpu.dma_semaphore, #tpu.memory_space<semaphore_mem>>) src(%dma_wait3A_146 : memref<128xi32, #tpu.memory_space<hbm>>) dst(%arg5 : memref<128xi32, #tpu.memory_space<vmem>>)
      tpu.yield
    }) : () -> ()
    %dma_start3A_60 = arith.constant 0 : i32
    %dma_start3A_61 = arith.constant 0 : i32
    %dma_start3A_62 = tpu.memref_slice %arg2[%dma_start3A_60, %dma_start3A_61] : memref<8192x256xf32, #tpu.memory_space<hbm>> -> memref<8192x256xf32, #tpu.memory_space<hbm>>
    tpu.enqueue_indirect_dma source(%dma_start3A_62 : memref<8192x256xf32, #tpu.memory_space<hbm>>) target(%arg7 : memref<128x256xf32, #tpu.memory_space<vmem>>) offsets(%arg5 : memref<128xi32, #tpu.memory_space<vmem>>) semaphore(%arg9 : memref<!tpu.dma_semaphore, #tpu.memory_space<semaphore_mem>>)
    %dma_wait3A_63 = arith.constant 0 : i32
    %dma_wait3A_64 = arith.constant 0 : i32
    %dma_wait3A_65 = tpu.memref_slice %arg2[%dma_wait3A_63, %dma_wait3A_64] : memref<8192x256xf32, #tpu.memory_space<hbm>> -> memref<8192x256xf32, #tpu.memory_space<hbm>>
    tpu.wait_indirect_dma semaphore(%arg10 : memref<!tpu.dma_semaphore, #tpu.memory_space<semaphore_mem>>) src(%dma_wait3A_65 : memref<8192x256xf32, #tpu.memory_space<hbm>>) dst(%arg8 : memref<128x256xf32, #tpu.memory_space<vmem>>)
    %add3A_66 = arith.constant 384 : i32
    %add3A_67 = arith.addi %mul3A_2, %add3A_66 : i32
    %dma_start3A_68 = arith.constant 0 : i32
    %dma_start3A_69 = tpu.memref_slice %arg4[%add3A_67, %dma_start3A_68] : memref<32768x256xf32, #tpu.memory_space<hbm>> -> memref<128x256xf32, #tpu.memory_space<hbm>>
    %dma_start3A_70 = arith.constant 0 : i32
    %dma_start3A_71 = tpu.memref_slice %arg4[%add3A_67, %dma_start3A_70] : memref<32768x256xf32, #tpu.memory_space<hbm>> -> memref<128x256xf32, #tpu.memory_space<hbm>>
    tpu.enqueue_dma source(%arg8 : memref<128x256xf32, #tpu.memory_space<vmem>>) target(%dma_start3A_71 : memref<128x256xf32, #tpu.memory_space<hbm>>) target_semaphore(%arg12 : memref<!tpu.dma_semaphore, #tpu.memory_space<semaphore_mem>>)
    %dma_wait3A_72 = arith.constant 0 : i32
    %dma_wait3A_73 = tpu.memref_slice %arg4[%add3A_67, %dma_wait3A_72] : memref<32768x256xf32, #tpu.memory_space<hbm>> -> memref<128x256xf32, #tpu.memory_space<hbm>>
    %dma_wait3A_74 = arith.constant 0 : i32
    %dma_wait3A_75 = tpu.memref_slice %arg4[%add3A_67, %dma_wait3A_74] : memref<32768x256xf32, #tpu.memory_space<hbm>> -> memref<128x256xf32, #tpu.memory_space<hbm>>
    tpu.wait_dma2 semaphore(%arg12 : memref<!tpu.dma_semaphore, #tpu.memory_space<semaphore_mem>>) src(%arg8 : memref<128x256xf32, #tpu.memory_space<vmem>>) dst(%dma_wait3A_75 : memref<128x256xf32, #tpu.memory_space<hbm>>)
    %add3A_76 = arith.constant 640 : i32
    %add3A_77 = arith.addi %mul3A_2, %add3A_76 : i32
    "tpu.region"() ({
      %run_scoped3A = tpu.sem_alloc : memref<!tpu.dma_semaphore, #tpu.memory_space<semaphore_mem>>
      %dma_start3A_143 = tpu.memref_slice %arg3[%add3A_77] : memref<32768xi32, #tpu.memory_space<hbm>> -> memref<128xi32, #tpu.memory_space<hbm>>
      %dma_start3A_144 = tpu.memref_slice %arg3[%add3A_77] : memref<32768xi32, #tpu.memory_space<hbm>> -> memref<128xi32, #tpu.memory_space<hbm>>
      tpu.enqueue_dma source(%dma_start3A_144 : memref<128xi32, #tpu.memory_space<hbm>>) target(%arg6 : memref<128xi32, #tpu.memory_space<vmem>>) target_semaphore(%run_scoped3A : memref<!tpu.dma_semaphore, #tpu.memory_space<semaphore_mem>>)
      %dma_wait3A_145 = tpu.memref_slice %arg3[%add3A_77] : memref<32768xi32, #tpu.memory_space<hbm>> -> memref<128xi32, #tpu.memory_space<hbm>>
      %dma_wait3A_146 = tpu.memref_slice %arg3[%add3A_77] : memref<32768xi32, #tpu.memory_space<hbm>> -> memref<128xi32, #tpu.memory_space<hbm>>
      tpu.wait_dma2 semaphore(%run_scoped3A : memref<!tpu.dma_semaphore, #tpu.memory_space<semaphore_mem>>) src(%dma_wait3A_146 : memref<128xi32, #tpu.memory_space<hbm>>) dst(%arg6 : memref<128xi32, #tpu.memory_space<vmem>>)
      tpu.yield
    }) : () -> ()
    %dma_start3A_78 = arith.constant 0 : i32
    %dma_start3A_79 = arith.constant 0 : i32
    %dma_start3A_80 = tpu.memref_slice %arg2[%dma_start3A_78, %dma_start3A_79] : memref<8192x256xf32, #tpu.memory_space<hbm>> -> memref<8192x256xf32, #tpu.memory_space<hbm>>
    tpu.enqueue_indirect_dma source(%dma_start3A_80 : memref<8192x256xf32, #tpu.memory_space<hbm>>) target(%arg8 : memref<128x256xf32, #tpu.memory_space<vmem>>) offsets(%arg6 : memref<128xi32, #tpu.memory_space<vmem>>) semaphore(%arg10 : memref<!tpu.dma_semaphore, #tpu.memory_space<semaphore_mem>>)
    %dma_wait3A_81 = arith.constant 0 : i32
    %dma_wait3A_82 = arith.constant 0 : i32
    %dma_wait3A_83 = tpu.memref_slice %arg2[%dma_wait3A_81, %dma_wait3A_82] : memref<8192x256xf32, #tpu.memory_space<hbm>> -> memref<8192x256xf32, #tpu.memory_space<hbm>>
    tpu.wait_indirect_dma semaphore(%arg9 : memref<!tpu.dma_semaphore, #tpu.memory_space<semaphore_mem>>) src(%dma_wait3A_83 : memref<8192x256xf32, #tpu.memory_space<hbm>>) dst(%arg7 : memref<128x256xf32, #tpu.memory_space<vmem>>)
    %add3A_84 = arith.constant 512 : i32
    %add3A_85 = arith.addi %mul3A_2, %add3A_84 : i32
    %dma_start3A_86 = arith.constant 0 : i32
    %dma_start3A_87 = tpu.memref_slice %arg4[%add3A_85, %dma_start3A_86] : memref<32768x256xf32, #tpu.memory_space<hbm>> -> memref<128x256xf32, #tpu.memory_space<hbm>>
    %dma_start3A_88 = arith.constant 0 : i32
    %dma_start3A_89 = tpu.memref_slice %arg4[%add3A_85, %dma_start3A_88] : memref<32768x256xf32, #tpu.memory_space<hbm>> -> memref<128x256xf32, #tpu.memory_space<hbm>>
    tpu.enqueue_dma source(%arg7 : memref<128x256xf32, #tpu.memory_space<vmem>>) target(%dma_start3A_89 : memref<128x256xf32, #tpu.memory_space<hbm>>) target_semaphore(%arg11 : memref<!tpu.dma_semaphore, #tpu.memory_space<semaphore_mem>>)
    %dma_wait3A_90 = arith.constant 0 : i32
    %dma_wait3A_91 = tpu.memref_slice %arg4[%add3A_85, %dma_wait3A_90] : memref<32768x256xf32, #tpu.memory_space<hbm>> -> memref<128x256xf32, #tpu.memory_space<hbm>>
    %dma_wait3A_92 = arith.constant 0 : i32
    %dma_wait3A_93 = tpu.memref_slice %arg4[%add3A_85, %dma_wait3A_92] : memref<32768x256xf32, #tpu.memory_space<hbm>> -> memref<128x256xf32, #tpu.memory_space<hbm>>
    tpu.wait_dma2 semaphore(%arg11 : memref<!tpu.dma_semaphore, #tpu.memory_space<semaphore_mem>>) src(%arg7 : memref<128x256xf32, #tpu.memory_space<vmem>>) dst(%dma_wait3A_93 : memref<128x256xf32, #tpu.memory_space<hbm>>)
    %add3A_94 = arith.constant 768 : i32
    %add3A_95 = arith.addi %mul3A_2, %add3A_94 : i32
    "tpu.region"() ({
      %run_scoped3A = tpu.sem_alloc : memref<!tpu.dma_semaphore, #tpu.memory_space<semaphore_mem>>
      %dma_start3A_143 = tpu.memref_slice %arg3[%add3A_95] : memref<32768xi32, #tpu.memory_space<hbm>> -> memref<128xi32, #tpu.memory_space<hbm>>
      %dma_start3A_144 = tpu.memref_slice %arg3[%add3A_95] : memref<32768xi32, #tpu.memory_space<hbm>> -> memref<128xi32, #tpu.memory_space<hbm>>
      tpu.enqueue_dma source(%dma_start3A_144 : memref<128xi32, #tpu.memory_space<hbm>>) target(%arg5 : memref<128xi32, #tpu.memory_space<vmem>>) target_semaphore(%run_scoped3A : memref<!tpu.dma_semaphore, #tpu.memory_space<semaphore_mem>>)
      %dma_wait3A_145 = tpu.memref_slice %arg3[%add3A_95] : memref<32768xi32, #tpu.memory_space<hbm>> -> memref<128xi32, #tpu.memory_space<hbm>>
      %dma_wait3A_146 = tpu.memref_slice %arg3[%add3A_95] : memref<32768xi32, #tpu.memory_space<hbm>> -> memref<128xi32, #tpu.memory_space<hbm>>
      tpu.wait_dma2 semaphore(%run_scoped3A : memref<!tpu.dma_semaphore, #tpu.memory_space<semaphore_mem>>) src(%dma_wait3A_146 : memref<128xi32, #tpu.memory_space<hbm>>) dst(%arg5 : memref<128xi32, #tpu.memory_space<vmem>>)
      tpu.yield
    }) : () -> ()
    %dma_start3A_96 = arith.constant 0 : i32
    %dma_start3A_97 = arith.constant 0 : i32
    %dma_start3A_98 = tpu.memref_slice %arg2[%dma_start3A_96, %dma_start3A_97] : memref<8192x256xf32, #tpu.memory_space<hbm>> -> memref<8192x256xf32, #tpu.memory_space<hbm>>
    tpu.enqueue_indirect_dma source(%dma_start3A_98 : memref<8192x256xf32, #tpu.memory_space<hbm>>) target(%arg7 : memref<128x256xf32, #tpu.memory_space<vmem>>) offsets(%arg5 : memref<128xi32, #tpu.memory_space<vmem>>) semaphore(%arg9 : memref<!tpu.dma_semaphore, #tpu.memory_space<semaphore_mem>>)
    %dma_wait3A_99 = arith.constant 0 : i32
    %dma_wait3A_100 = arith.constant 0 : i32
    %dma_wait3A_101 = tpu.memref_slice %arg2[%dma_wait3A_99, %dma_wait3A_100] : memref<8192x256xf32, #tpu.memory_space<hbm>> -> memref<8192x256xf32, #tpu.memory_space<hbm>>
    tpu.wait_indirect_dma semaphore(%arg10 : memref<!tpu.dma_semaphore, #tpu.memory_space<semaphore_mem>>) src(%dma_wait3A_101 : memref<8192x256xf32, #tpu.memory_space<hbm>>) dst(%arg8 : memref<128x256xf32, #tpu.memory_space<vmem>>)
    %add3A_102 = arith.constant 640 : i32
    %add3A_103 = arith.addi %mul3A_2, %add3A_102 : i32
    %dma_start3A_104 = arith.constant 0 : i32
    %dma_start3A_105 = tpu.memref_slice %arg4[%add3A_103, %dma_start3A_104] : memref<32768x256xf32, #tpu.memory_space<hbm>> -> memref<128x256xf32, #tpu.memory_space<hbm>>
    %dma_start3A_106 = arith.constant 0 : i32
    %dma_start3A_107 = tpu.memref_slice %arg4[%add3A_103, %dma_start3A_106] : memref<32768x256xf32, #tpu.memory_space<hbm>> -> memref<128x256xf32, #tpu.memory_space<hbm>>
    tpu.enqueue_dma source(%arg8 : memref<128x256xf32, #tpu.memory_space<vmem>>) target(%dma_start3A_107 : memref<128x256xf32, #tpu.memory_space<hbm>>) target_semaphore(%arg12 : memref<!tpu.dma_semaphore, #tpu.memory_space<semaphore_mem>>)
    %dma_wait3A_108 = arith.constant 0 : i32
    %dma_wait3A_109 = tpu.memref_slice %arg4[%add3A_103, %dma_wait3A_108] : memref<32768x256xf32, #tpu.memory_space<hbm>> -> memref<128x256xf32, #tpu.memory_space<hbm>>
    %dma_wait3A_110 = arith.constant 0 : i32
    %dma_wait3A_111 = tpu.memref_slice %arg4[%add3A_103, %dma_wait3A_110] : memref<32768x256xf32, #tpu.memory_space<hbm>> -> memref<128x256xf32, #tpu.memory_space<hbm>>
    tpu.wait_dma2 semaphore(%arg12 : memref<!tpu.dma_semaphore, #tpu.memory_space<semaphore_mem>>) src(%arg8 : memref<128x256xf32, #tpu.memory_space<vmem>>) dst(%dma_wait3A_111 : memref<128x256xf32, #tpu.memory_space<hbm>>)
    %add3A_112 = arith.constant 896 : i32
    %add3A_113 = arith.addi %mul3A_2, %add3A_112 : i32
    "tpu.region"() ({
      %run_scoped3A = tpu.sem_alloc : memref<!tpu.dma_semaphore, #tpu.memory_space<semaphore_mem>>
      %dma_start3A_143 = tpu.memref_slice %arg3[%add3A_113] : memref<32768xi32, #tpu.memory_space<hbm>> -> memref<128xi32, #tpu.memory_space<hbm>>
      %dma_start3A_144 = tpu.memref_slice %arg3[%add3A_113] : memref<32768xi32, #tpu.memory_space<hbm>> -> memref<128xi32, #tpu.memory_space<hbm>>
      tpu.enqueue_dma source(%dma_start3A_144 : memref<128xi32, #tpu.memory_space<hbm>>) target(%arg6 : memref<128xi32, #tpu.memory_space<vmem>>) target_semaphore(%run_scoped3A : memref<!tpu.dma_semaphore, #tpu.memory_space<semaphore_mem>>)
      %dma_wait3A_145 = tpu.memref_slice %arg3[%add3A_113] : memref<32768xi32, #tpu.memory_space<hbm>> -> memref<128xi32, #tpu.memory_space<hbm>>
      %dma_wait3A_146 = tpu.memref_slice %arg3[%add3A_113] : memref<32768xi32, #tpu.memory_space<hbm>> -> memref<128xi32, #tpu.memory_space<hbm>>
      tpu.wait_dma2 semaphore(%run_scoped3A : memref<!tpu.dma_semaphore, #tpu.memory_space<semaphore_mem>>) src(%dma_wait3A_146 : memref<128xi32, #tpu.memory_space<hbm>>) dst(%arg6 : memref<128xi32, #tpu.memory_space<vmem>>)
      tpu.yield
    }) : () -> ()
    %dma_start3A_114 = arith.constant 0 : i32
    %dma_start3A_115 = arith.constant 0 : i32
    %dma_start3A_116 = tpu.memref_slice %arg2[%dma_start3A_114, %dma_start3A_115] : memref<8192x256xf32, #tpu.memory_space<hbm>> -> memref<8192x256xf32, #tpu.memory_space<hbm>>
    tpu.enqueue_indirect_dma source(%dma_start3A_116 : memref<8192x256xf32, #tpu.memory_space<hbm>>) target(%arg8 : memref<128x256xf32, #tpu.memory_space<vmem>>) offsets(%arg6 : memref<128xi32, #tpu.memory_space<vmem>>) semaphore(%arg10 : memref<!tpu.dma_semaphore, #tpu.memory_space<semaphore_mem>>)
    %dma_wait3A_117 = arith.constant 0 : i32
    %dma_wait3A_118 = arith.constant 0 : i32
    %dma_wait3A_119 = tpu.memref_slice %arg2[%dma_wait3A_117, %dma_wait3A_118] : memref<8192x256xf32, #tpu.memory_space<hbm>> -> memref<8192x256xf32, #tpu.memory_space<hbm>>
    tpu.wait_indirect_dma semaphore(%arg9 : memref<!tpu.dma_semaphore, #tpu.memory_space<semaphore_mem>>) src(%dma_wait3A_119 : memref<8192x256xf32, #tpu.memory_space<hbm>>) dst(%arg7 : memref<128x256xf32, #tpu.memory_space<vmem>>)
    %add3A_120 = arith.constant 768 : i32
    %add3A_121 = arith.addi %mul3A_2, %add3A_120 : i32
    %dma_start3A_122 = arith.constant 0 : i32
    %dma_start3A_123 = tpu.memref_slice %arg4[%add3A_121, %dma_start3A_122] : memref<32768x256xf32, #tpu.memory_space<hbm>> -> memref<128x256xf32, #tpu.memory_space<hbm>>
    %dma_start3A_124 = arith.constant 0 : i32
    %dma_start3A_125 = tpu.memref_slice %arg4[%add3A_121, %dma_start3A_124] : memref<32768x256xf32, #tpu.memory_space<hbm>> -> memref<128x256xf32, #tpu.memory_space<hbm>>
    tpu.enqueue_dma source(%arg7 : memref<128x256xf32, #tpu.memory_space<vmem>>) target(%dma_start3A_125 : memref<128x256xf32, #tpu.memory_space<hbm>>) target_semaphore(%arg11 : memref<!tpu.dma_semaphore, #tpu.memory_space<semaphore_mem>>)
    %dma_wait3A_126 = arith.constant 0 : i32
    %dma_wait3A_127 = arith.constant 0 : i32
    %dma_wait3A_128 = tpu.memref_slice %arg2[%dma_wait3A_126, %dma_wait3A_127] : memref<8192x256xf32, #tpu.memory_space<hbm>> -> memref<8192x256xf32, #tpu.memory_space<hbm>>
    tpu.wait_indirect_dma semaphore(%arg10 : memref<!tpu.dma_semaphore, #tpu.memory_space<semaphore_mem>>) src(%dma_wait3A_128 : memref<8192x256xf32, #tpu.memory_space<hbm>>) dst(%arg8 : memref<128x256xf32, #tpu.memory_space<vmem>>)
    %add3A_129 = arith.constant 896 : i32
    %add3A_130 = arith.addi %mul3A_2, %add3A_129 : i32
    %dma_start3A_131 = arith.constant 0 : i32
    %dma_start3A_132 = tpu.memref_slice %arg4[%add3A_130, %dma_start3A_131] : memref<32768x256xf32, #tpu.memory_space<hbm>> -> memref<128x256xf32, #tpu.memory_space<hbm>>
    %dma_start3A_133 = arith.constant 0 : i32
    %dma_start3A_134 = tpu.memref_slice %arg4[%add3A_130, %dma_start3A_133] : memref<32768x256xf32, #tpu.memory_space<hbm>> -> memref<128x256xf32, #tpu.memory_space<hbm>>
    tpu.enqueue_dma source(%arg8 : memref<128x256xf32, #tpu.memory_space<vmem>>) target(%dma_start3A_134 : memref<128x256xf32, #tpu.memory_space<hbm>>) target_semaphore(%arg12 : memref<!tpu.dma_semaphore, #tpu.memory_space<semaphore_mem>>)
    %dma_wait3A_135 = arith.constant 0 : i32
    %dma_wait3A_136 = tpu.memref_slice %arg4[%add3A_121, %dma_wait3A_135] : memref<32768x256xf32, #tpu.memory_space<hbm>> -> memref<128x256xf32, #tpu.memory_space<hbm>>
    %dma_wait3A_137 = arith.constant 0 : i32
    %dma_wait3A_138 = tpu.memref_slice %arg4[%add3A_121, %dma_wait3A_137] : memref<32768x256xf32, #tpu.memory_space<hbm>> -> memref<128x256xf32, #tpu.memory_space<hbm>>
    tpu.wait_dma2 semaphore(%arg11 : memref<!tpu.dma_semaphore, #tpu.memory_space<semaphore_mem>>) src(%arg7 : memref<128x256xf32, #tpu.memory_space<vmem>>) dst(%dma_wait3A_138 : memref<128x256xf32, #tpu.memory_space<hbm>>)
    %dma_wait3A_139 = arith.constant 0 : i32
    %dma_wait3A_140 = tpu.memref_slice %arg4[%add3A_130, %dma_wait3A_139] : memref<32768x256xf32, #tpu.memory_space<hbm>> -> memref<128x256xf32, #tpu.memory_space<hbm>>
    %dma_wait3A_141 = arith.constant 0 : i32
    %dma_wait3A_142 = tpu.memref_slice %arg4[%add3A_130, %dma_wait3A_141] : memref<32768x256xf32, #tpu.memory_space<hbm>> -> memref<128x256xf32, #tpu.memory_space<hbm>>
    tpu.wait_dma2 semaphore(%arg12 : memref<!tpu.dma_semaphore, #tpu.memory_space<semaphore_mem>>) src(%arg8 : memref<128x256xf32, #tpu.memory_space<vmem>>) dst(%dma_wait3A_142 : memref<128x256xf32, #tpu.memory_space<hbm>>)
    return
  }
}

module attributes {stable_mosaic.version = 14 : i64} {
  func.func @_fps_kernel(%arg0: memref<12x2048xf32, #tpu.memory_space<vmem>>, %arg1: memref<4x512xi32, #tpu.memory_space<vmem>>) attributes {dimension_semantics = [], scalar_prefetch = 0 : i64, scratch_operands = 0 : i64, tpu.core_type = #tpu.core_type<tc>} {
    %get3A = arith.constant 0 : index
    %get3A_0 = arith.constant 0 : index
    %get3A_1 = vector.load %arg0[%get3A, %get3A_0] : memref<12x2048xf32, #tpu.memory_space<vmem>>, vector<12x2048xf32>
    %iota3A = tpu.iota {dimensions = array<i32: 1>} : vector<4x2048xi32>
    %iota3A_2 = tpu.iota {dimensions = array<i32: 1>} : vector<4x512xi32>
    %slice3A = vector.extract_strided_slice %get3A_1 {offsets = [0, 0], sizes = [12, 1], strides = [1, 1]} : vector<12x2048xf32> to vector<12x1xf32>
    %broadcast_in_dim3A = arith.constant 1.000000e+10 : f32
    %broadcast_in_dim3A_3 = vector.broadcast %broadcast_in_dim3A : f32 to vector<4x2048xf32>
    %broadcast_in_dim3A_4 = arith.constant 0 : i32
    %broadcast_in_dim3A_5 = vector.broadcast %broadcast_in_dim3A_4 : i32 to vector<4x512xi32>
    %scan3A = arith.constant 1 : i32
    %scan3A_6 = arith.constant 504 : i32
    %scan3A_7 = arith.addi %scan3A, %scan3A_6 : i32
    %scan3A_8 = arith.constant 8 : i32
    %scan3A_9:3 = scf.for %scan3A_274 = %scan3A to %scan3A_7 step %scan3A_8 iter_args(%scan3A_275 = %broadcast_in_dim3A_3, %scan3A_276 = %slice3A, %scan3A_277 = %broadcast_in_dim3A_5) -> (vector<4x2048xf32>, vector<12x1xf32>, vector<4x512xi32>)  : i32 {
      %sub3A_278 = vector.broadcast %scan3A_276 : vector<12x1xf32> to vector<12x2048xf32>
      %sub3A_279 = arith.subf %get3A_1, %sub3A_278 : vector<12x2048xf32>
      %integer_pow3A_280 = arith.mulf %sub3A_279, %sub3A_279 : vector<12x2048xf32>
      %slice3A_281 = vector.extract_strided_slice %integer_pow3A_280 {offsets = [0, 0], sizes = [4, 2048], strides = [1, 1]} : vector<12x2048xf32> to vector<4x2048xf32>
      %slice3A_282 = vector.extract_strided_slice %integer_pow3A_280 {offsets = [4, 0], sizes = [4, 2048], strides = [1, 1]} : vector<12x2048xf32> to vector<4x2048xf32>
      %add3A_283 = arith.addf %slice3A_281, %slice3A_282 : vector<4x2048xf32>
      %slice3A_284 = vector.extract_strided_slice %integer_pow3A_280 {offsets = [8, 0], sizes = [4, 2048], strides = [1, 1]} : vector<12x2048xf32> to vector<4x2048xf32>
      %add3A_285 = arith.addf %add3A_283, %slice3A_284 : vector<4x2048xf32>
      %min3A_286 = arith.minimumf %scan3A_275, %add3A_285 : vector<4x2048xf32>
      %reduce_max3A_287 = arith.constant dense<0xFF800000> : vector<4xf32>
      %reduce_max3A_288 = vector.multi_reduction <maximumf>, %min3A_286, %reduce_max3A_287 [1] : vector<4x2048xf32> to vector<4xf32>
      %broadcast_in_dim3A_289 = vector.shape_cast %reduce_max3A_288 : vector<4xf32> to vector<4x1xf32>
      %eq3A_290 = vector.broadcast %broadcast_in_dim3A_289 : vector<4x1xf32> to vector<4x2048xf32>
      %eq3A_291 = arith.cmpf oeq, %min3A_286, %eq3A_290 : vector<4x2048xf32>
      %jit3A_292 = arith.constant 2048 : i32
      %broadcast_in_dim3A_293 = vector.broadcast %jit3A_292 : i32 to vector<4x2048xi32>
      %select_n3A_294 = arith.select %eq3A_291, %iota3A, %broadcast_in_dim3A_293 : vector<4x2048xi1>, vector<4x2048xi32>
      %reduce_min3A_295 = arith.constant dense<2147483647> : vector<4xi32>
      %reduce_min3A_296 = vector.multi_reduction <minsi>, %select_n3A_294, %reduce_min3A_295 [1] : vector<4x2048xi32> to vector<4xi32>
      %broadcast_in_dim3A_297 = vector.shape_cast %reduce_min3A_296 : vector<4xi32> to vector<4x1xi32>
      %eq3A_298 = vector.broadcast %scan3A_274 : i32 to vector<4x512xi32>
      %eq3A_299 = arith.cmpi eq, %iota3A_2, %eq3A_298 : vector<4x512xi32>
      %broadcast_in_dim3A_300 = vector.shape_cast %broadcast_in_dim3A_297 : vector<4x1xi32> to vector<4x1xi32>
      %broadcast_in_dim3A_301 = vector.broadcast %broadcast_in_dim3A_300 : vector<4x1xi32> to vector<4x512xi32>
      %select_n3A_302 = arith.select %eq3A_299, %broadcast_in_dim3A_301, %scan3A_277 : vector<4x512xi1>, vector<4x512xi32>
      %eq3A_303 = vector.broadcast %broadcast_in_dim3A_297 : vector<4x1xi32> to vector<4x2048xi32>
      %eq3A_304 = arith.cmpi eq, %iota3A, %eq3A_303 : vector<4x2048xi32>
      %jit3A_305 = arith.constant 1.000000e+00 : f32
      %jit3A_306 = arith.constant 0.000000e+00 : f32
      %broadcast_in_dim3A_307 = vector.broadcast %jit3A_305 : f32 to vector<4x2048xf32>
      %broadcast_in_dim3A_308 = vector.broadcast %jit3A_306 : f32 to vector<4x2048xf32>
      %select_n3A_309 = arith.select %eq3A_304, %broadcast_in_dim3A_307, %broadcast_in_dim3A_308 : vector<4x2048xi1>, vector<4x2048xf32>
      %concatenate3A_310 = tpu.concatenate %select_n3A_309, %select_n3A_309, %select_n3A_309 in 0 : vector<4x2048xf32>, vector<4x2048xf32>, vector<4x2048xf32> -> vector<12x2048xf32>
      %mul3A_311 = arith.mulf %get3A_1, %concatenate3A_310 : vector<12x2048xf32>
      %reduce_sum3A_312 = arith.constant dense<0.000000e+00> : vector<12xf32>
      %reduce_sum3A_313 = vector.multi_reduction <add>, %mul3A_311, %reduce_sum3A_312 [1] : vector<12x2048xf32> to vector<12xf32>
      %broadcast_in_dim3A_314 = vector.shape_cast %reduce_sum3A_313 : vector<12xf32> to vector<12x1xf32>
      %scan3A_315 = arith.constant 1 : i32
      %scan3A_316 = arith.addi %scan3A_274, %scan3A_315 : i32
      %sub3A_317 = vector.broadcast %broadcast_in_dim3A_314 : vector<12x1xf32> to vector<12x2048xf32>
      %sub3A_318 = arith.subf %get3A_1, %sub3A_317 : vector<12x2048xf32>
      %integer_pow3A_319 = arith.mulf %sub3A_318, %sub3A_318 : vector<12x2048xf32>
      %slice3A_320 = vector.extract_strided_slice %integer_pow3A_319 {offsets = [0, 0], sizes = [4, 2048], strides = [1, 1]} : vector<12x2048xf32> to vector<4x2048xf32>
      %slice3A_321 = vector.extract_strided_slice %integer_pow3A_319 {offsets = [4, 0], sizes = [4, 2048], strides = [1, 1]} : vector<12x2048xf32> to vector<4x2048xf32>
      %add3A_322 = arith.addf %slice3A_320, %slice3A_321 : vector<4x2048xf32>
      %slice3A_323 = vector.extract_strided_slice %integer_pow3A_319 {offsets = [8, 0], sizes = [4, 2048], strides = [1, 1]} : vector<12x2048xf32> to vector<4x2048xf32>
      %add3A_324 = arith.addf %add3A_322, %slice3A_323 : vector<4x2048xf32>
      %min3A_325 = arith.minimumf %min3A_286, %add3A_324 : vector<4x2048xf32>
      %reduce_max3A_326 = arith.constant dense<0xFF800000> : vector<4xf32>
      %reduce_max3A_327 = vector.multi_reduction <maximumf>, %min3A_325, %reduce_max3A_326 [1] : vector<4x2048xf32> to vector<4xf32>
      %broadcast_in_dim3A_328 = vector.shape_cast %reduce_max3A_327 : vector<4xf32> to vector<4x1xf32>
      %eq3A_329 = vector.broadcast %broadcast_in_dim3A_328 : vector<4x1xf32> to vector<4x2048xf32>
      %eq3A_330 = arith.cmpf oeq, %min3A_325, %eq3A_329 : vector<4x2048xf32>
      %jit3A_331 = arith.constant 2048 : i32
      %broadcast_in_dim3A_332 = vector.broadcast %jit3A_331 : i32 to vector<4x2048xi32>
      %select_n3A_333 = arith.select %eq3A_330, %iota3A, %broadcast_in_dim3A_332 : vector<4x2048xi1>, vector<4x2048xi32>
      %reduce_min3A_334 = arith.constant dense<2147483647> : vector<4xi32>
      %reduce_min3A_335 = vector.multi_reduction <minsi>, %select_n3A_333, %reduce_min3A_334 [1] : vector<4x2048xi32> to vector<4xi32>
      %broadcast_in_dim3A_336 = vector.shape_cast %reduce_min3A_335 : vector<4xi32> to vector<4x1xi32>
      %eq3A_337 = vector.broadcast %scan3A_316 : i32 to vector<4x512xi32>
      %eq3A_338 = arith.cmpi eq, %iota3A_2, %eq3A_337 : vector<4x512xi32>
      %broadcast_in_dim3A_339 = vector.shape_cast %broadcast_in_dim3A_336 : vector<4x1xi32> to vector<4x1xi32>
      %broadcast_in_dim3A_340 = vector.broadcast %broadcast_in_dim3A_339 : vector<4x1xi32> to vector<4x512xi32>
      %select_n3A_341 = arith.select %eq3A_338, %broadcast_in_dim3A_340, %select_n3A_302 : vector<4x512xi1>, vector<4x512xi32>
      %eq3A_342 = vector.broadcast %broadcast_in_dim3A_336 : vector<4x1xi32> to vector<4x2048xi32>
      %eq3A_343 = arith.cmpi eq, %iota3A, %eq3A_342 : vector<4x2048xi32>
      %jit3A_344 = arith.constant 1.000000e+00 : f32
      %jit3A_345 = arith.constant 0.000000e+00 : f32
      %broadcast_in_dim3A_346 = vector.broadcast %jit3A_344 : f32 to vector<4x2048xf32>
      %broadcast_in_dim3A_347 = vector.broadcast %jit3A_345 : f32 to vector<4x2048xf32>
      %select_n3A_348 = arith.select %eq3A_343, %broadcast_in_dim3A_346, %broadcast_in_dim3A_347 : vector<4x2048xi1>, vector<4x2048xf32>
      %concatenate3A_349 = tpu.concatenate %select_n3A_348, %select_n3A_348, %select_n3A_348 in 0 : vector<4x2048xf32>, vector<4x2048xf32>, vector<4x2048xf32> -> vector<12x2048xf32>
      %mul3A_350 = arith.mulf %get3A_1, %concatenate3A_349 : vector<12x2048xf32>
      %reduce_sum3A_351 = arith.constant dense<0.000000e+00> : vector<12xf32>
      %reduce_sum3A_352 = vector.multi_reduction <add>, %mul3A_350, %reduce_sum3A_351 [1] : vector<12x2048xf32> to vector<12xf32>
      %broadcast_in_dim3A_353 = vector.shape_cast %reduce_sum3A_352 : vector<12xf32> to vector<12x1xf32>
      %scan3A_354 = arith.constant 2 : i32
      %scan3A_355 = arith.addi %scan3A_274, %scan3A_354 : i32
      %sub3A_356 = vector.broadcast %broadcast_in_dim3A_353 : vector<12x1xf32> to vector<12x2048xf32>
      %sub3A_357 = arith.subf %get3A_1, %sub3A_356 : vector<12x2048xf32>
      %integer_pow3A_358 = arith.mulf %sub3A_357, %sub3A_357 : vector<12x2048xf32>
      %slice3A_359 = vector.extract_strided_slice %integer_pow3A_358 {offsets = [0, 0], sizes = [4, 2048], strides = [1, 1]} : vector<12x2048xf32> to vector<4x2048xf32>
      %slice3A_360 = vector.extract_strided_slice %integer_pow3A_358 {offsets = [4, 0], sizes = [4, 2048], strides = [1, 1]} : vector<12x2048xf32> to vector<4x2048xf32>
      %add3A_361 = arith.addf %slice3A_359, %slice3A_360 : vector<4x2048xf32>
      %slice3A_362 = vector.extract_strided_slice %integer_pow3A_358 {offsets = [8, 0], sizes = [4, 2048], strides = [1, 1]} : vector<12x2048xf32> to vector<4x2048xf32>
      %add3A_363 = arith.addf %add3A_361, %slice3A_362 : vector<4x2048xf32>
      %min3A_364 = arith.minimumf %min3A_325, %add3A_363 : vector<4x2048xf32>
      %reduce_max3A_365 = arith.constant dense<0xFF800000> : vector<4xf32>
      %reduce_max3A_366 = vector.multi_reduction <maximumf>, %min3A_364, %reduce_max3A_365 [1] : vector<4x2048xf32> to vector<4xf32>
      %broadcast_in_dim3A_367 = vector.shape_cast %reduce_max3A_366 : vector<4xf32> to vector<4x1xf32>
      %eq3A_368 = vector.broadcast %broadcast_in_dim3A_367 : vector<4x1xf32> to vector<4x2048xf32>
      %eq3A_369 = arith.cmpf oeq, %min3A_364, %eq3A_368 : vector<4x2048xf32>
      %jit3A_370 = arith.constant 2048 : i32
      %broadcast_in_dim3A_371 = vector.broadcast %jit3A_370 : i32 to vector<4x2048xi32>
      %select_n3A_372 = arith.select %eq3A_369, %iota3A, %broadcast_in_dim3A_371 : vector<4x2048xi1>, vector<4x2048xi32>
      %reduce_min3A_373 = arith.constant dense<2147483647> : vector<4xi32>
      %reduce_min3A_374 = vector.multi_reduction <minsi>, %select_n3A_372, %reduce_min3A_373 [1] : vector<4x2048xi32> to vector<4xi32>
      %broadcast_in_dim3A_375 = vector.shape_cast %reduce_min3A_374 : vector<4xi32> to vector<4x1xi32>
      %eq3A_376 = vector.broadcast %scan3A_355 : i32 to vector<4x512xi32>
      %eq3A_377 = arith.cmpi eq, %iota3A_2, %eq3A_376 : vector<4x512xi32>
      %broadcast_in_dim3A_378 = vector.shape_cast %broadcast_in_dim3A_375 : vector<4x1xi32> to vector<4x1xi32>
      %broadcast_in_dim3A_379 = vector.broadcast %broadcast_in_dim3A_378 : vector<4x1xi32> to vector<4x512xi32>
      %select_n3A_380 = arith.select %eq3A_377, %broadcast_in_dim3A_379, %select_n3A_341 : vector<4x512xi1>, vector<4x512xi32>
      %eq3A_381 = vector.broadcast %broadcast_in_dim3A_375 : vector<4x1xi32> to vector<4x2048xi32>
      %eq3A_382 = arith.cmpi eq, %iota3A, %eq3A_381 : vector<4x2048xi32>
      %jit3A_383 = arith.constant 1.000000e+00 : f32
      %jit3A_384 = arith.constant 0.000000e+00 : f32
      %broadcast_in_dim3A_385 = vector.broadcast %jit3A_383 : f32 to vector<4x2048xf32>
      %broadcast_in_dim3A_386 = vector.broadcast %jit3A_384 : f32 to vector<4x2048xf32>
      %select_n3A_387 = arith.select %eq3A_382, %broadcast_in_dim3A_385, %broadcast_in_dim3A_386 : vector<4x2048xi1>, vector<4x2048xf32>
      %concatenate3A_388 = tpu.concatenate %select_n3A_387, %select_n3A_387, %select_n3A_387 in 0 : vector<4x2048xf32>, vector<4x2048xf32>, vector<4x2048xf32> -> vector<12x2048xf32>
      %mul3A_389 = arith.mulf %get3A_1, %concatenate3A_388 : vector<12x2048xf32>
      %reduce_sum3A_390 = arith.constant dense<0.000000e+00> : vector<12xf32>
      %reduce_sum3A_391 = vector.multi_reduction <add>, %mul3A_389, %reduce_sum3A_390 [1] : vector<12x2048xf32> to vector<12xf32>
      %broadcast_in_dim3A_392 = vector.shape_cast %reduce_sum3A_391 : vector<12xf32> to vector<12x1xf32>
      %scan3A_393 = arith.constant 3 : i32
      %scan3A_394 = arith.addi %scan3A_274, %scan3A_393 : i32
      %sub3A_395 = vector.broadcast %broadcast_in_dim3A_392 : vector<12x1xf32> to vector<12x2048xf32>
      %sub3A_396 = arith.subf %get3A_1, %sub3A_395 : vector<12x2048xf32>
      %integer_pow3A_397 = arith.mulf %sub3A_396, %sub3A_396 : vector<12x2048xf32>
      %slice3A_398 = vector.extract_strided_slice %integer_pow3A_397 {offsets = [0, 0], sizes = [4, 2048], strides = [1, 1]} : vector<12x2048xf32> to vector<4x2048xf32>
      %slice3A_399 = vector.extract_strided_slice %integer_pow3A_397 {offsets = [4, 0], sizes = [4, 2048], strides = [1, 1]} : vector<12x2048xf32> to vector<4x2048xf32>
      %add3A_400 = arith.addf %slice3A_398, %slice3A_399 : vector<4x2048xf32>
      %slice3A_401 = vector.extract_strided_slice %integer_pow3A_397 {offsets = [8, 0], sizes = [4, 2048], strides = [1, 1]} : vector<12x2048xf32> to vector<4x2048xf32>
      %add3A_402 = arith.addf %add3A_400, %slice3A_401 : vector<4x2048xf32>
      %min3A_403 = arith.minimumf %min3A_364, %add3A_402 : vector<4x2048xf32>
      %reduce_max3A_404 = arith.constant dense<0xFF800000> : vector<4xf32>
      %reduce_max3A_405 = vector.multi_reduction <maximumf>, %min3A_403, %reduce_max3A_404 [1] : vector<4x2048xf32> to vector<4xf32>
      %broadcast_in_dim3A_406 = vector.shape_cast %reduce_max3A_405 : vector<4xf32> to vector<4x1xf32>
      %eq3A_407 = vector.broadcast %broadcast_in_dim3A_406 : vector<4x1xf32> to vector<4x2048xf32>
      %eq3A_408 = arith.cmpf oeq, %min3A_403, %eq3A_407 : vector<4x2048xf32>
      %jit3A_409 = arith.constant 2048 : i32
      %broadcast_in_dim3A_410 = vector.broadcast %jit3A_409 : i32 to vector<4x2048xi32>
      %select_n3A_411 = arith.select %eq3A_408, %iota3A, %broadcast_in_dim3A_410 : vector<4x2048xi1>, vector<4x2048xi32>
      %reduce_min3A_412 = arith.constant dense<2147483647> : vector<4xi32>
      %reduce_min3A_413 = vector.multi_reduction <minsi>, %select_n3A_411, %reduce_min3A_412 [1] : vector<4x2048xi32> to vector<4xi32>
      %broadcast_in_dim3A_414 = vector.shape_cast %reduce_min3A_413 : vector<4xi32> to vector<4x1xi32>
      %eq3A_415 = vector.broadcast %scan3A_394 : i32 to vector<4x512xi32>
      %eq3A_416 = arith.cmpi eq, %iota3A_2, %eq3A_415 : vector<4x512xi32>
      %broadcast_in_dim3A_417 = vector.shape_cast %broadcast_in_dim3A_414 : vector<4x1xi32> to vector<4x1xi32>
      %broadcast_in_dim3A_418 = vector.broadcast %broadcast_in_dim3A_417 : vector<4x1xi32> to vector<4x512xi32>
      %select_n3A_419 = arith.select %eq3A_416, %broadcast_in_dim3A_418, %select_n3A_380 : vector<4x512xi1>, vector<4x512xi32>
      %eq3A_420 = vector.broadcast %broadcast_in_dim3A_414 : vector<4x1xi32> to vector<4x2048xi32>
      %eq3A_421 = arith.cmpi eq, %iota3A, %eq3A_420 : vector<4x2048xi32>
      %jit3A_422 = arith.constant 1.000000e+00 : f32
      %jit3A_423 = arith.constant 0.000000e+00 : f32
      %broadcast_in_dim3A_424 = vector.broadcast %jit3A_422 : f32 to vector<4x2048xf32>
      %broadcast_in_dim3A_425 = vector.broadcast %jit3A_423 : f32 to vector<4x2048xf32>
      %select_n3A_426 = arith.select %eq3A_421, %broadcast_in_dim3A_424, %broadcast_in_dim3A_425 : vector<4x2048xi1>, vector<4x2048xf32>
      %concatenate3A_427 = tpu.concatenate %select_n3A_426, %select_n3A_426, %select_n3A_426 in 0 : vector<4x2048xf32>, vector<4x2048xf32>, vector<4x2048xf32> -> vector<12x2048xf32>
      %mul3A_428 = arith.mulf %get3A_1, %concatenate3A_427 : vector<12x2048xf32>
      %reduce_sum3A_429 = arith.constant dense<0.000000e+00> : vector<12xf32>
      %reduce_sum3A_430 = vector.multi_reduction <add>, %mul3A_428, %reduce_sum3A_429 [1] : vector<12x2048xf32> to vector<12xf32>
      %broadcast_in_dim3A_431 = vector.shape_cast %reduce_sum3A_430 : vector<12xf32> to vector<12x1xf32>
      %scan3A_432 = arith.constant 4 : i32
      %scan3A_433 = arith.addi %scan3A_274, %scan3A_432 : i32
      %sub3A_434 = vector.broadcast %broadcast_in_dim3A_431 : vector<12x1xf32> to vector<12x2048xf32>
      %sub3A_435 = arith.subf %get3A_1, %sub3A_434 : vector<12x2048xf32>
      %integer_pow3A_436 = arith.mulf %sub3A_435, %sub3A_435 : vector<12x2048xf32>
      %slice3A_437 = vector.extract_strided_slice %integer_pow3A_436 {offsets = [0, 0], sizes = [4, 2048], strides = [1, 1]} : vector<12x2048xf32> to vector<4x2048xf32>
      %slice3A_438 = vector.extract_strided_slice %integer_pow3A_436 {offsets = [4, 0], sizes = [4, 2048], strides = [1, 1]} : vector<12x2048xf32> to vector<4x2048xf32>
      %add3A_439 = arith.addf %slice3A_437, %slice3A_438 : vector<4x2048xf32>
      %slice3A_440 = vector.extract_strided_slice %integer_pow3A_436 {offsets = [8, 0], sizes = [4, 2048], strides = [1, 1]} : vector<12x2048xf32> to vector<4x2048xf32>
      %add3A_441 = arith.addf %add3A_439, %slice3A_440 : vector<4x2048xf32>
      %min3A_442 = arith.minimumf %min3A_403, %add3A_441 : vector<4x2048xf32>
      %reduce_max3A_443 = arith.constant dense<0xFF800000> : vector<4xf32>
      %reduce_max3A_444 = vector.multi_reduction <maximumf>, %min3A_442, %reduce_max3A_443 [1] : vector<4x2048xf32> to vector<4xf32>
      %broadcast_in_dim3A_445 = vector.shape_cast %reduce_max3A_444 : vector<4xf32> to vector<4x1xf32>
      %eq3A_446 = vector.broadcast %broadcast_in_dim3A_445 : vector<4x1xf32> to vector<4x2048xf32>
      %eq3A_447 = arith.cmpf oeq, %min3A_442, %eq3A_446 : vector<4x2048xf32>
      %jit3A_448 = arith.constant 2048 : i32
      %broadcast_in_dim3A_449 = vector.broadcast %jit3A_448 : i32 to vector<4x2048xi32>
      %select_n3A_450 = arith.select %eq3A_447, %iota3A, %broadcast_in_dim3A_449 : vector<4x2048xi1>, vector<4x2048xi32>
      %reduce_min3A_451 = arith.constant dense<2147483647> : vector<4xi32>
      %reduce_min3A_452 = vector.multi_reduction <minsi>, %select_n3A_450, %reduce_min3A_451 [1] : vector<4x2048xi32> to vector<4xi32>
      %broadcast_in_dim3A_453 = vector.shape_cast %reduce_min3A_452 : vector<4xi32> to vector<4x1xi32>
      %eq3A_454 = vector.broadcast %scan3A_433 : i32 to vector<4x512xi32>
      %eq3A_455 = arith.cmpi eq, %iota3A_2, %eq3A_454 : vector<4x512xi32>
      %broadcast_in_dim3A_456 = vector.shape_cast %broadcast_in_dim3A_453 : vector<4x1xi32> to vector<4x1xi32>
      %broadcast_in_dim3A_457 = vector.broadcast %broadcast_in_dim3A_456 : vector<4x1xi32> to vector<4x512xi32>
      %select_n3A_458 = arith.select %eq3A_455, %broadcast_in_dim3A_457, %select_n3A_419 : vector<4x512xi1>, vector<4x512xi32>
      %eq3A_459 = vector.broadcast %broadcast_in_dim3A_453 : vector<4x1xi32> to vector<4x2048xi32>
      %eq3A_460 = arith.cmpi eq, %iota3A, %eq3A_459 : vector<4x2048xi32>
      %jit3A_461 = arith.constant 1.000000e+00 : f32
      %jit3A_462 = arith.constant 0.000000e+00 : f32
      %broadcast_in_dim3A_463 = vector.broadcast %jit3A_461 : f32 to vector<4x2048xf32>
      %broadcast_in_dim3A_464 = vector.broadcast %jit3A_462 : f32 to vector<4x2048xf32>
      %select_n3A_465 = arith.select %eq3A_460, %broadcast_in_dim3A_463, %broadcast_in_dim3A_464 : vector<4x2048xi1>, vector<4x2048xf32>
      %concatenate3A_466 = tpu.concatenate %select_n3A_465, %select_n3A_465, %select_n3A_465 in 0 : vector<4x2048xf32>, vector<4x2048xf32>, vector<4x2048xf32> -> vector<12x2048xf32>
      %mul3A_467 = arith.mulf %get3A_1, %concatenate3A_466 : vector<12x2048xf32>
      %reduce_sum3A_468 = arith.constant dense<0.000000e+00> : vector<12xf32>
      %reduce_sum3A_469 = vector.multi_reduction <add>, %mul3A_467, %reduce_sum3A_468 [1] : vector<12x2048xf32> to vector<12xf32>
      %broadcast_in_dim3A_470 = vector.shape_cast %reduce_sum3A_469 : vector<12xf32> to vector<12x1xf32>
      %scan3A_471 = arith.constant 5 : i32
      %scan3A_472 = arith.addi %scan3A_274, %scan3A_471 : i32
      %sub3A_473 = vector.broadcast %broadcast_in_dim3A_470 : vector<12x1xf32> to vector<12x2048xf32>
      %sub3A_474 = arith.subf %get3A_1, %sub3A_473 : vector<12x2048xf32>
      %integer_pow3A_475 = arith.mulf %sub3A_474, %sub3A_474 : vector<12x2048xf32>
      %slice3A_476 = vector.extract_strided_slice %integer_pow3A_475 {offsets = [0, 0], sizes = [4, 2048], strides = [1, 1]} : vector<12x2048xf32> to vector<4x2048xf32>
      %slice3A_477 = vector.extract_strided_slice %integer_pow3A_475 {offsets = [4, 0], sizes = [4, 2048], strides = [1, 1]} : vector<12x2048xf32> to vector<4x2048xf32>
      %add3A_478 = arith.addf %slice3A_476, %slice3A_477 : vector<4x2048xf32>
      %slice3A_479 = vector.extract_strided_slice %integer_pow3A_475 {offsets = [8, 0], sizes = [4, 2048], strides = [1, 1]} : vector<12x2048xf32> to vector<4x2048xf32>
      %add3A_480 = arith.addf %add3A_478, %slice3A_479 : vector<4x2048xf32>
      %min3A_481 = arith.minimumf %min3A_442, %add3A_480 : vector<4x2048xf32>
      %reduce_max3A_482 = arith.constant dense<0xFF800000> : vector<4xf32>
      %reduce_max3A_483 = vector.multi_reduction <maximumf>, %min3A_481, %reduce_max3A_482 [1] : vector<4x2048xf32> to vector<4xf32>
      %broadcast_in_dim3A_484 = vector.shape_cast %reduce_max3A_483 : vector<4xf32> to vector<4x1xf32>
      %eq3A_485 = vector.broadcast %broadcast_in_dim3A_484 : vector<4x1xf32> to vector<4x2048xf32>
      %eq3A_486 = arith.cmpf oeq, %min3A_481, %eq3A_485 : vector<4x2048xf32>
      %jit3A_487 = arith.constant 2048 : i32
      %broadcast_in_dim3A_488 = vector.broadcast %jit3A_487 : i32 to vector<4x2048xi32>
      %select_n3A_489 = arith.select %eq3A_486, %iota3A, %broadcast_in_dim3A_488 : vector<4x2048xi1>, vector<4x2048xi32>
      %reduce_min3A_490 = arith.constant dense<2147483647> : vector<4xi32>
      %reduce_min3A_491 = vector.multi_reduction <minsi>, %select_n3A_489, %reduce_min3A_490 [1] : vector<4x2048xi32> to vector<4xi32>
      %broadcast_in_dim3A_492 = vector.shape_cast %reduce_min3A_491 : vector<4xi32> to vector<4x1xi32>
      %eq3A_493 = vector.broadcast %scan3A_472 : i32 to vector<4x512xi32>
      %eq3A_494 = arith.cmpi eq, %iota3A_2, %eq3A_493 : vector<4x512xi32>
      %broadcast_in_dim3A_495 = vector.shape_cast %broadcast_in_dim3A_492 : vector<4x1xi32> to vector<4x1xi32>
      %broadcast_in_dim3A_496 = vector.broadcast %broadcast_in_dim3A_495 : vector<4x1xi32> to vector<4x512xi32>
      %select_n3A_497 = arith.select %eq3A_494, %broadcast_in_dim3A_496, %select_n3A_458 : vector<4x512xi1>, vector<4x512xi32>
      %eq3A_498 = vector.broadcast %broadcast_in_dim3A_492 : vector<4x1xi32> to vector<4x2048xi32>
      %eq3A_499 = arith.cmpi eq, %iota3A, %eq3A_498 : vector<4x2048xi32>
      %jit3A_500 = arith.constant 1.000000e+00 : f32
      %jit3A_501 = arith.constant 0.000000e+00 : f32
      %broadcast_in_dim3A_502 = vector.broadcast %jit3A_500 : f32 to vector<4x2048xf32>
      %broadcast_in_dim3A_503 = vector.broadcast %jit3A_501 : f32 to vector<4x2048xf32>
      %select_n3A_504 = arith.select %eq3A_499, %broadcast_in_dim3A_502, %broadcast_in_dim3A_503 : vector<4x2048xi1>, vector<4x2048xf32>
      %concatenate3A_505 = tpu.concatenate %select_n3A_504, %select_n3A_504, %select_n3A_504 in 0 : vector<4x2048xf32>, vector<4x2048xf32>, vector<4x2048xf32> -> vector<12x2048xf32>
      %mul3A_506 = arith.mulf %get3A_1, %concatenate3A_505 : vector<12x2048xf32>
      %reduce_sum3A_507 = arith.constant dense<0.000000e+00> : vector<12xf32>
      %reduce_sum3A_508 = vector.multi_reduction <add>, %mul3A_506, %reduce_sum3A_507 [1] : vector<12x2048xf32> to vector<12xf32>
      %broadcast_in_dim3A_509 = vector.shape_cast %reduce_sum3A_508 : vector<12xf32> to vector<12x1xf32>
      %scan3A_510 = arith.constant 6 : i32
      %scan3A_511 = arith.addi %scan3A_274, %scan3A_510 : i32
      %sub3A_512 = vector.broadcast %broadcast_in_dim3A_509 : vector<12x1xf32> to vector<12x2048xf32>
      %sub3A_513 = arith.subf %get3A_1, %sub3A_512 : vector<12x2048xf32>
      %integer_pow3A_514 = arith.mulf %sub3A_513, %sub3A_513 : vector<12x2048xf32>
      %slice3A_515 = vector.extract_strided_slice %integer_pow3A_514 {offsets = [0, 0], sizes = [4, 2048], strides = [1, 1]} : vector<12x2048xf32> to vector<4x2048xf32>
      %slice3A_516 = vector.extract_strided_slice %integer_pow3A_514 {offsets = [4, 0], sizes = [4, 2048], strides = [1, 1]} : vector<12x2048xf32> to vector<4x2048xf32>
      %add3A_517 = arith.addf %slice3A_515, %slice3A_516 : vector<4x2048xf32>
      %slice3A_518 = vector.extract_strided_slice %integer_pow3A_514 {offsets = [8, 0], sizes = [4, 2048], strides = [1, 1]} : vector<12x2048xf32> to vector<4x2048xf32>
      %add3A_519 = arith.addf %add3A_517, %slice3A_518 : vector<4x2048xf32>
      %min3A_520 = arith.minimumf %min3A_481, %add3A_519 : vector<4x2048xf32>
      %reduce_max3A_521 = arith.constant dense<0xFF800000> : vector<4xf32>
      %reduce_max3A_522 = vector.multi_reduction <maximumf>, %min3A_520, %reduce_max3A_521 [1] : vector<4x2048xf32> to vector<4xf32>
      %broadcast_in_dim3A_523 = vector.shape_cast %reduce_max3A_522 : vector<4xf32> to vector<4x1xf32>
      %eq3A_524 = vector.broadcast %broadcast_in_dim3A_523 : vector<4x1xf32> to vector<4x2048xf32>
      %eq3A_525 = arith.cmpf oeq, %min3A_520, %eq3A_524 : vector<4x2048xf32>
      %jit3A_526 = arith.constant 2048 : i32
      %broadcast_in_dim3A_527 = vector.broadcast %jit3A_526 : i32 to vector<4x2048xi32>
      %select_n3A_528 = arith.select %eq3A_525, %iota3A, %broadcast_in_dim3A_527 : vector<4x2048xi1>, vector<4x2048xi32>
      %reduce_min3A_529 = arith.constant dense<2147483647> : vector<4xi32>
      %reduce_min3A_530 = vector.multi_reduction <minsi>, %select_n3A_528, %reduce_min3A_529 [1] : vector<4x2048xi32> to vector<4xi32>
      %broadcast_in_dim3A_531 = vector.shape_cast %reduce_min3A_530 : vector<4xi32> to vector<4x1xi32>
      %eq3A_532 = vector.broadcast %scan3A_511 : i32 to vector<4x512xi32>
      %eq3A_533 = arith.cmpi eq, %iota3A_2, %eq3A_532 : vector<4x512xi32>
      %broadcast_in_dim3A_534 = vector.shape_cast %broadcast_in_dim3A_531 : vector<4x1xi32> to vector<4x1xi32>
      %broadcast_in_dim3A_535 = vector.broadcast %broadcast_in_dim3A_534 : vector<4x1xi32> to vector<4x512xi32>
      %select_n3A_536 = arith.select %eq3A_533, %broadcast_in_dim3A_535, %select_n3A_497 : vector<4x512xi1>, vector<4x512xi32>
      %eq3A_537 = vector.broadcast %broadcast_in_dim3A_531 : vector<4x1xi32> to vector<4x2048xi32>
      %eq3A_538 = arith.cmpi eq, %iota3A, %eq3A_537 : vector<4x2048xi32>
      %jit3A_539 = arith.constant 1.000000e+00 : f32
      %jit3A_540 = arith.constant 0.000000e+00 : f32
      %broadcast_in_dim3A_541 = vector.broadcast %jit3A_539 : f32 to vector<4x2048xf32>
      %broadcast_in_dim3A_542 = vector.broadcast %jit3A_540 : f32 to vector<4x2048xf32>
      %select_n3A_543 = arith.select %eq3A_538, %broadcast_in_dim3A_541, %broadcast_in_dim3A_542 : vector<4x2048xi1>, vector<4x2048xf32>
      %concatenate3A_544 = tpu.concatenate %select_n3A_543, %select_n3A_543, %select_n3A_543 in 0 : vector<4x2048xf32>, vector<4x2048xf32>, vector<4x2048xf32> -> vector<12x2048xf32>
      %mul3A_545 = arith.mulf %get3A_1, %concatenate3A_544 : vector<12x2048xf32>
      %reduce_sum3A_546 = arith.constant dense<0.000000e+00> : vector<12xf32>
      %reduce_sum3A_547 = vector.multi_reduction <add>, %mul3A_545, %reduce_sum3A_546 [1] : vector<12x2048xf32> to vector<12xf32>
      %broadcast_in_dim3A_548 = vector.shape_cast %reduce_sum3A_547 : vector<12xf32> to vector<12x1xf32>
      %scan3A_549 = arith.constant 7 : i32
      %scan3A_550 = arith.addi %scan3A_274, %scan3A_549 : i32
      %sub3A_551 = vector.broadcast %broadcast_in_dim3A_548 : vector<12x1xf32> to vector<12x2048xf32>
      %sub3A_552 = arith.subf %get3A_1, %sub3A_551 : vector<12x2048xf32>
      %integer_pow3A_553 = arith.mulf %sub3A_552, %sub3A_552 : vector<12x2048xf32>
      %slice3A_554 = vector.extract_strided_slice %integer_pow3A_553 {offsets = [0, 0], sizes = [4, 2048], strides = [1, 1]} : vector<12x2048xf32> to vector<4x2048xf32>
      %slice3A_555 = vector.extract_strided_slice %integer_pow3A_553 {offsets = [4, 0], sizes = [4, 2048], strides = [1, 1]} : vector<12x2048xf32> to vector<4x2048xf32>
      %add3A_556 = arith.addf %slice3A_554, %slice3A_555 : vector<4x2048xf32>
      %slice3A_557 = vector.extract_strided_slice %integer_pow3A_553 {offsets = [8, 0], sizes = [4, 2048], strides = [1, 1]} : vector<12x2048xf32> to vector<4x2048xf32>
      %add3A_558 = arith.addf %add3A_556, %slice3A_557 : vector<4x2048xf32>
      %min3A_559 = arith.minimumf %min3A_520, %add3A_558 : vector<4x2048xf32>
      %reduce_max3A_560 = arith.constant dense<0xFF800000> : vector<4xf32>
      %reduce_max3A_561 = vector.multi_reduction <maximumf>, %min3A_559, %reduce_max3A_560 [1] : vector<4x2048xf32> to vector<4xf32>
      %broadcast_in_dim3A_562 = vector.shape_cast %reduce_max3A_561 : vector<4xf32> to vector<4x1xf32>
      %eq3A_563 = vector.broadcast %broadcast_in_dim3A_562 : vector<4x1xf32> to vector<4x2048xf32>
      %eq3A_564 = arith.cmpf oeq, %min3A_559, %eq3A_563 : vector<4x2048xf32>
      %jit3A_565 = arith.constant 2048 : i32
      %broadcast_in_dim3A_566 = vector.broadcast %jit3A_565 : i32 to vector<4x2048xi32>
      %select_n3A_567 = arith.select %eq3A_564, %iota3A, %broadcast_in_dim3A_566 : vector<4x2048xi1>, vector<4x2048xi32>
      %reduce_min3A_568 = arith.constant dense<2147483647> : vector<4xi32>
      %reduce_min3A_569 = vector.multi_reduction <minsi>, %select_n3A_567, %reduce_min3A_568 [1] : vector<4x2048xi32> to vector<4xi32>
      %broadcast_in_dim3A_570 = vector.shape_cast %reduce_min3A_569 : vector<4xi32> to vector<4x1xi32>
      %eq3A_571 = vector.broadcast %scan3A_550 : i32 to vector<4x512xi32>
      %eq3A_572 = arith.cmpi eq, %iota3A_2, %eq3A_571 : vector<4x512xi32>
      %broadcast_in_dim3A_573 = vector.shape_cast %broadcast_in_dim3A_570 : vector<4x1xi32> to vector<4x1xi32>
      %broadcast_in_dim3A_574 = vector.broadcast %broadcast_in_dim3A_573 : vector<4x1xi32> to vector<4x512xi32>
      %select_n3A_575 = arith.select %eq3A_572, %broadcast_in_dim3A_574, %select_n3A_536 : vector<4x512xi1>, vector<4x512xi32>
      %eq3A_576 = vector.broadcast %broadcast_in_dim3A_570 : vector<4x1xi32> to vector<4x2048xi32>
      %eq3A_577 = arith.cmpi eq, %iota3A, %eq3A_576 : vector<4x2048xi32>
      %jit3A_578 = arith.constant 1.000000e+00 : f32
      %jit3A_579 = arith.constant 0.000000e+00 : f32
      %broadcast_in_dim3A_580 = vector.broadcast %jit3A_578 : f32 to vector<4x2048xf32>
      %broadcast_in_dim3A_581 = vector.broadcast %jit3A_579 : f32 to vector<4x2048xf32>
      %select_n3A_582 = arith.select %eq3A_577, %broadcast_in_dim3A_580, %broadcast_in_dim3A_581 : vector<4x2048xi1>, vector<4x2048xf32>
      %concatenate3A_583 = tpu.concatenate %select_n3A_582, %select_n3A_582, %select_n3A_582 in 0 : vector<4x2048xf32>, vector<4x2048xf32>, vector<4x2048xf32> -> vector<12x2048xf32>
      %mul3A_584 = arith.mulf %get3A_1, %concatenate3A_583 : vector<12x2048xf32>
      %reduce_sum3A_585 = arith.constant dense<0.000000e+00> : vector<12xf32>
      %reduce_sum3A_586 = vector.multi_reduction <add>, %mul3A_584, %reduce_sum3A_585 [1] : vector<12x2048xf32> to vector<12xf32>
      %broadcast_in_dim3A_587 = vector.shape_cast %reduce_sum3A_586 : vector<12xf32> to vector<12x1xf32>
      scf.yield %min3A_559, %broadcast_in_dim3A_587, %select_n3A_575 : vector<4x2048xf32>, vector<12x1xf32>, vector<4x512xi32>
    }
    %scan3A_10 = arith.constant 504 : i32
    %scan3A_11 = arith.addi %scan3A, %scan3A_10 : i32
    %sub3A = vector.broadcast %scan3A_9#1 : vector<12x1xf32> to vector<12x2048xf32>
    %sub3A_12 = arith.subf %get3A_1, %sub3A : vector<12x2048xf32>
    %integer_pow3A = arith.mulf %sub3A_12, %sub3A_12 : vector<12x2048xf32>
    %slice3A_13 = vector.extract_strided_slice %integer_pow3A {offsets = [0, 0], sizes = [4, 2048], strides = [1, 1]} : vector<12x2048xf32> to vector<4x2048xf32>
    %slice3A_14 = vector.extract_strided_slice %integer_pow3A {offsets = [4, 0], sizes = [4, 2048], strides = [1, 1]} : vector<12x2048xf32> to vector<4x2048xf32>
    %add3A = arith.addf %slice3A_13, %slice3A_14 : vector<4x2048xf32>
    %slice3A_15 = vector.extract_strided_slice %integer_pow3A {offsets = [8, 0], sizes = [4, 2048], strides = [1, 1]} : vector<12x2048xf32> to vector<4x2048xf32>
    %add3A_16 = arith.addf %add3A, %slice3A_15 : vector<4x2048xf32>
    %min3A = arith.minimumf %scan3A_9#0, %add3A_16 : vector<4x2048xf32>
    %reduce_max3A = arith.constant dense<0xFF800000> : vector<4xf32>
    %reduce_max3A_17 = vector.multi_reduction <maximumf>, %min3A, %reduce_max3A [1] : vector<4x2048xf32> to vector<4xf32>
    %broadcast_in_dim3A_18 = vector.shape_cast %reduce_max3A_17 : vector<4xf32> to vector<4x1xf32>
    %eq3A = vector.broadcast %broadcast_in_dim3A_18 : vector<4x1xf32> to vector<4x2048xf32>
    %eq3A_19 = arith.cmpf oeq, %min3A, %eq3A : vector<4x2048xf32>
    %jit3A = arith.constant 2048 : i32
    %broadcast_in_dim3A_20 = vector.broadcast %jit3A : i32 to vector<4x2048xi32>
    %select_n3A = arith.select %eq3A_19, %iota3A, %broadcast_in_dim3A_20 : vector<4x2048xi1>, vector<4x2048xi32>
    %reduce_min3A = arith.constant dense<2147483647> : vector<4xi32>
    %reduce_min3A_21 = vector.multi_reduction <minsi>, %select_n3A, %reduce_min3A [1] : vector<4x2048xi32> to vector<4xi32>
    %broadcast_in_dim3A_22 = vector.shape_cast %reduce_min3A_21 : vector<4xi32> to vector<4x1xi32>
    %eq3A_23 = vector.broadcast %scan3A_11 : i32 to vector<4x512xi32>
    %eq3A_24 = arith.cmpi eq, %iota3A_2, %eq3A_23 : vector<4x512xi32>
    %broadcast_in_dim3A_25 = vector.shape_cast %broadcast_in_dim3A_22 : vector<4x1xi32> to vector<4x1xi32>
    %broadcast_in_dim3A_26 = vector.broadcast %broadcast_in_dim3A_25 : vector<4x1xi32> to vector<4x512xi32>
    %select_n3A_27 = arith.select %eq3A_24, %broadcast_in_dim3A_26, %scan3A_9#2 : vector<4x512xi1>, vector<4x512xi32>
    %eq3A_28 = vector.broadcast %broadcast_in_dim3A_22 : vector<4x1xi32> to vector<4x2048xi32>
    %eq3A_29 = arith.cmpi eq, %iota3A, %eq3A_28 : vector<4x2048xi32>
    %jit3A_30 = arith.constant 1.000000e+00 : f32
    %jit3A_31 = arith.constant 0.000000e+00 : f32
    %broadcast_in_dim3A_32 = vector.broadcast %jit3A_30 : f32 to vector<4x2048xf32>
    %broadcast_in_dim3A_33 = vector.broadcast %jit3A_31 : f32 to vector<4x2048xf32>
    %select_n3A_34 = arith.select %eq3A_29, %broadcast_in_dim3A_32, %broadcast_in_dim3A_33 : vector<4x2048xi1>, vector<4x2048xf32>
    %concatenate3A = tpu.concatenate %select_n3A_34, %select_n3A_34, %select_n3A_34 in 0 : vector<4x2048xf32>, vector<4x2048xf32>, vector<4x2048xf32> -> vector<12x2048xf32>
    %mul3A = arith.mulf %get3A_1, %concatenate3A : vector<12x2048xf32>
    %reduce_sum3A = arith.constant dense<0.000000e+00> : vector<12xf32>
    %reduce_sum3A_35 = vector.multi_reduction <add>, %mul3A, %reduce_sum3A [1] : vector<12x2048xf32> to vector<12xf32>
    %broadcast_in_dim3A_36 = vector.shape_cast %reduce_sum3A_35 : vector<12xf32> to vector<12x1xf32>
    %scan3A_37 = arith.constant 505 : i32
    %scan3A_38 = arith.addi %scan3A, %scan3A_37 : i32
    %sub3A_39 = vector.broadcast %broadcast_in_dim3A_36 : vector<12x1xf32> to vector<12x2048xf32>
    %sub3A_40 = arith.subf %get3A_1, %sub3A_39 : vector<12x2048xf32>
    %integer_pow3A_41 = arith.mulf %sub3A_40, %sub3A_40 : vector<12x2048xf32>
    %slice3A_42 = vector.extract_strided_slice %integer_pow3A_41 {offsets = [0, 0], sizes = [4, 2048], strides = [1, 1]} : vector<12x2048xf32> to vector<4x2048xf32>
    %slice3A_43 = vector.extract_strided_slice %integer_pow3A_41 {offsets = [4, 0], sizes = [4, 2048], strides = [1, 1]} : vector<12x2048xf32> to vector<4x2048xf32>
    %add3A_44 = arith.addf %slice3A_42, %slice3A_43 : vector<4x2048xf32>
    %slice3A_45 = vector.extract_strided_slice %integer_pow3A_41 {offsets = [8, 0], sizes = [4, 2048], strides = [1, 1]} : vector<12x2048xf32> to vector<4x2048xf32>
    %add3A_46 = arith.addf %add3A_44, %slice3A_45 : vector<4x2048xf32>
    %min3A_47 = arith.minimumf %min3A, %add3A_46 : vector<4x2048xf32>
    %reduce_max3A_48 = arith.constant dense<0xFF800000> : vector<4xf32>
    %reduce_max3A_49 = vector.multi_reduction <maximumf>, %min3A_47, %reduce_max3A_48 [1] : vector<4x2048xf32> to vector<4xf32>
    %broadcast_in_dim3A_50 = vector.shape_cast %reduce_max3A_49 : vector<4xf32> to vector<4x1xf32>
    %eq3A_51 = vector.broadcast %broadcast_in_dim3A_50 : vector<4x1xf32> to vector<4x2048xf32>
    %eq3A_52 = arith.cmpf oeq, %min3A_47, %eq3A_51 : vector<4x2048xf32>
    %jit3A_53 = arith.constant 2048 : i32
    %broadcast_in_dim3A_54 = vector.broadcast %jit3A_53 : i32 to vector<4x2048xi32>
    %select_n3A_55 = arith.select %eq3A_52, %iota3A, %broadcast_in_dim3A_54 : vector<4x2048xi1>, vector<4x2048xi32>
    %reduce_min3A_56 = arith.constant dense<2147483647> : vector<4xi32>
    %reduce_min3A_57 = vector.multi_reduction <minsi>, %select_n3A_55, %reduce_min3A_56 [1] : vector<4x2048xi32> to vector<4xi32>
    %broadcast_in_dim3A_58 = vector.shape_cast %reduce_min3A_57 : vector<4xi32> to vector<4x1xi32>
    %eq3A_59 = vector.broadcast %scan3A_38 : i32 to vector<4x512xi32>
    %eq3A_60 = arith.cmpi eq, %iota3A_2, %eq3A_59 : vector<4x512xi32>
    %broadcast_in_dim3A_61 = vector.shape_cast %broadcast_in_dim3A_58 : vector<4x1xi32> to vector<4x1xi32>
    %broadcast_in_dim3A_62 = vector.broadcast %broadcast_in_dim3A_61 : vector<4x1xi32> to vector<4x512xi32>
    %select_n3A_63 = arith.select %eq3A_60, %broadcast_in_dim3A_62, %select_n3A_27 : vector<4x512xi1>, vector<4x512xi32>
    %eq3A_64 = vector.broadcast %broadcast_in_dim3A_58 : vector<4x1xi32> to vector<4x2048xi32>
    %eq3A_65 = arith.cmpi eq, %iota3A, %eq3A_64 : vector<4x2048xi32>
    %jit3A_66 = arith.constant 1.000000e+00 : f32
    %jit3A_67 = arith.constant 0.000000e+00 : f32
    %broadcast_in_dim3A_68 = vector.broadcast %jit3A_66 : f32 to vector<4x2048xf32>
    %broadcast_in_dim3A_69 = vector.broadcast %jit3A_67 : f32 to vector<4x2048xf32>
    %select_n3A_70 = arith.select %eq3A_65, %broadcast_in_dim3A_68, %broadcast_in_dim3A_69 : vector<4x2048xi1>, vector<4x2048xf32>
    %concatenate3A_71 = tpu.concatenate %select_n3A_70, %select_n3A_70, %select_n3A_70 in 0 : vector<4x2048xf32>, vector<4x2048xf32>, vector<4x2048xf32> -> vector<12x2048xf32>
    %mul3A_72 = arith.mulf %get3A_1, %concatenate3A_71 : vector<12x2048xf32>
    %reduce_sum3A_73 = arith.constant dense<0.000000e+00> : vector<12xf32>
    %reduce_sum3A_74 = vector.multi_reduction <add>, %mul3A_72, %reduce_sum3A_73 [1] : vector<12x2048xf32> to vector<12xf32>
    %broadcast_in_dim3A_75 = vector.shape_cast %reduce_sum3A_74 : vector<12xf32> to vector<12x1xf32>
    %scan3A_76 = arith.constant 506 : i32
    %scan3A_77 = arith.addi %scan3A, %scan3A_76 : i32
    %sub3A_78 = vector.broadcast %broadcast_in_dim3A_75 : vector<12x1xf32> to vector<12x2048xf32>
    %sub3A_79 = arith.subf %get3A_1, %sub3A_78 : vector<12x2048xf32>
    %integer_pow3A_80 = arith.mulf %sub3A_79, %sub3A_79 : vector<12x2048xf32>
    %slice3A_81 = vector.extract_strided_slice %integer_pow3A_80 {offsets = [0, 0], sizes = [4, 2048], strides = [1, 1]} : vector<12x2048xf32> to vector<4x2048xf32>
    %slice3A_82 = vector.extract_strided_slice %integer_pow3A_80 {offsets = [4, 0], sizes = [4, 2048], strides = [1, 1]} : vector<12x2048xf32> to vector<4x2048xf32>
    %add3A_83 = arith.addf %slice3A_81, %slice3A_82 : vector<4x2048xf32>
    %slice3A_84 = vector.extract_strided_slice %integer_pow3A_80 {offsets = [8, 0], sizes = [4, 2048], strides = [1, 1]} : vector<12x2048xf32> to vector<4x2048xf32>
    %add3A_85 = arith.addf %add3A_83, %slice3A_84 : vector<4x2048xf32>
    %min3A_86 = arith.minimumf %min3A_47, %add3A_85 : vector<4x2048xf32>
    %reduce_max3A_87 = arith.constant dense<0xFF800000> : vector<4xf32>
    %reduce_max3A_88 = vector.multi_reduction <maximumf>, %min3A_86, %reduce_max3A_87 [1] : vector<4x2048xf32> to vector<4xf32>
    %broadcast_in_dim3A_89 = vector.shape_cast %reduce_max3A_88 : vector<4xf32> to vector<4x1xf32>
    %eq3A_90 = vector.broadcast %broadcast_in_dim3A_89 : vector<4x1xf32> to vector<4x2048xf32>
    %eq3A_91 = arith.cmpf oeq, %min3A_86, %eq3A_90 : vector<4x2048xf32>
    %jit3A_92 = arith.constant 2048 : i32
    %broadcast_in_dim3A_93 = vector.broadcast %jit3A_92 : i32 to vector<4x2048xi32>
    %select_n3A_94 = arith.select %eq3A_91, %iota3A, %broadcast_in_dim3A_93 : vector<4x2048xi1>, vector<4x2048xi32>
    %reduce_min3A_95 = arith.constant dense<2147483647> : vector<4xi32>
    %reduce_min3A_96 = vector.multi_reduction <minsi>, %select_n3A_94, %reduce_min3A_95 [1] : vector<4x2048xi32> to vector<4xi32>
    %broadcast_in_dim3A_97 = vector.shape_cast %reduce_min3A_96 : vector<4xi32> to vector<4x1xi32>
    %eq3A_98 = vector.broadcast %scan3A_77 : i32 to vector<4x512xi32>
    %eq3A_99 = arith.cmpi eq, %iota3A_2, %eq3A_98 : vector<4x512xi32>
    %broadcast_in_dim3A_100 = vector.shape_cast %broadcast_in_dim3A_97 : vector<4x1xi32> to vector<4x1xi32>
    %broadcast_in_dim3A_101 = vector.broadcast %broadcast_in_dim3A_100 : vector<4x1xi32> to vector<4x512xi32>
    %select_n3A_102 = arith.select %eq3A_99, %broadcast_in_dim3A_101, %select_n3A_63 : vector<4x512xi1>, vector<4x512xi32>
    %eq3A_103 = vector.broadcast %broadcast_in_dim3A_97 : vector<4x1xi32> to vector<4x2048xi32>
    %eq3A_104 = arith.cmpi eq, %iota3A, %eq3A_103 : vector<4x2048xi32>
    %jit3A_105 = arith.constant 1.000000e+00 : f32
    %jit3A_106 = arith.constant 0.000000e+00 : f32
    %broadcast_in_dim3A_107 = vector.broadcast %jit3A_105 : f32 to vector<4x2048xf32>
    %broadcast_in_dim3A_108 = vector.broadcast %jit3A_106 : f32 to vector<4x2048xf32>
    %select_n3A_109 = arith.select %eq3A_104, %broadcast_in_dim3A_107, %broadcast_in_dim3A_108 : vector<4x2048xi1>, vector<4x2048xf32>
    %concatenate3A_110 = tpu.concatenate %select_n3A_109, %select_n3A_109, %select_n3A_109 in 0 : vector<4x2048xf32>, vector<4x2048xf32>, vector<4x2048xf32> -> vector<12x2048xf32>
    %mul3A_111 = arith.mulf %get3A_1, %concatenate3A_110 : vector<12x2048xf32>
    %reduce_sum3A_112 = arith.constant dense<0.000000e+00> : vector<12xf32>
    %reduce_sum3A_113 = vector.multi_reduction <add>, %mul3A_111, %reduce_sum3A_112 [1] : vector<12x2048xf32> to vector<12xf32>
    %broadcast_in_dim3A_114 = vector.shape_cast %reduce_sum3A_113 : vector<12xf32> to vector<12x1xf32>
    %scan3A_115 = arith.constant 507 : i32
    %scan3A_116 = arith.addi %scan3A, %scan3A_115 : i32
    %sub3A_117 = vector.broadcast %broadcast_in_dim3A_114 : vector<12x1xf32> to vector<12x2048xf32>
    %sub3A_118 = arith.subf %get3A_1, %sub3A_117 : vector<12x2048xf32>
    %integer_pow3A_119 = arith.mulf %sub3A_118, %sub3A_118 : vector<12x2048xf32>
    %slice3A_120 = vector.extract_strided_slice %integer_pow3A_119 {offsets = [0, 0], sizes = [4, 2048], strides = [1, 1]} : vector<12x2048xf32> to vector<4x2048xf32>
    %slice3A_121 = vector.extract_strided_slice %integer_pow3A_119 {offsets = [4, 0], sizes = [4, 2048], strides = [1, 1]} : vector<12x2048xf32> to vector<4x2048xf32>
    %add3A_122 = arith.addf %slice3A_120, %slice3A_121 : vector<4x2048xf32>
    %slice3A_123 = vector.extract_strided_slice %integer_pow3A_119 {offsets = [8, 0], sizes = [4, 2048], strides = [1, 1]} : vector<12x2048xf32> to vector<4x2048xf32>
    %add3A_124 = arith.addf %add3A_122, %slice3A_123 : vector<4x2048xf32>
    %min3A_125 = arith.minimumf %min3A_86, %add3A_124 : vector<4x2048xf32>
    %reduce_max3A_126 = arith.constant dense<0xFF800000> : vector<4xf32>
    %reduce_max3A_127 = vector.multi_reduction <maximumf>, %min3A_125, %reduce_max3A_126 [1] : vector<4x2048xf32> to vector<4xf32>
    %broadcast_in_dim3A_128 = vector.shape_cast %reduce_max3A_127 : vector<4xf32> to vector<4x1xf32>
    %eq3A_129 = vector.broadcast %broadcast_in_dim3A_128 : vector<4x1xf32> to vector<4x2048xf32>
    %eq3A_130 = arith.cmpf oeq, %min3A_125, %eq3A_129 : vector<4x2048xf32>
    %jit3A_131 = arith.constant 2048 : i32
    %broadcast_in_dim3A_132 = vector.broadcast %jit3A_131 : i32 to vector<4x2048xi32>
    %select_n3A_133 = arith.select %eq3A_130, %iota3A, %broadcast_in_dim3A_132 : vector<4x2048xi1>, vector<4x2048xi32>
    %reduce_min3A_134 = arith.constant dense<2147483647> : vector<4xi32>
    %reduce_min3A_135 = vector.multi_reduction <minsi>, %select_n3A_133, %reduce_min3A_134 [1] : vector<4x2048xi32> to vector<4xi32>
    %broadcast_in_dim3A_136 = vector.shape_cast %reduce_min3A_135 : vector<4xi32> to vector<4x1xi32>
    %eq3A_137 = vector.broadcast %scan3A_116 : i32 to vector<4x512xi32>
    %eq3A_138 = arith.cmpi eq, %iota3A_2, %eq3A_137 : vector<4x512xi32>
    %broadcast_in_dim3A_139 = vector.shape_cast %broadcast_in_dim3A_136 : vector<4x1xi32> to vector<4x1xi32>
    %broadcast_in_dim3A_140 = vector.broadcast %broadcast_in_dim3A_139 : vector<4x1xi32> to vector<4x512xi32>
    %select_n3A_141 = arith.select %eq3A_138, %broadcast_in_dim3A_140, %select_n3A_102 : vector<4x512xi1>, vector<4x512xi32>
    %eq3A_142 = vector.broadcast %broadcast_in_dim3A_136 : vector<4x1xi32> to vector<4x2048xi32>
    %eq3A_143 = arith.cmpi eq, %iota3A, %eq3A_142 : vector<4x2048xi32>
    %jit3A_144 = arith.constant 1.000000e+00 : f32
    %jit3A_145 = arith.constant 0.000000e+00 : f32
    %broadcast_in_dim3A_146 = vector.broadcast %jit3A_144 : f32 to vector<4x2048xf32>
    %broadcast_in_dim3A_147 = vector.broadcast %jit3A_145 : f32 to vector<4x2048xf32>
    %select_n3A_148 = arith.select %eq3A_143, %broadcast_in_dim3A_146, %broadcast_in_dim3A_147 : vector<4x2048xi1>, vector<4x2048xf32>
    %concatenate3A_149 = tpu.concatenate %select_n3A_148, %select_n3A_148, %select_n3A_148 in 0 : vector<4x2048xf32>, vector<4x2048xf32>, vector<4x2048xf32> -> vector<12x2048xf32>
    %mul3A_150 = arith.mulf %get3A_1, %concatenate3A_149 : vector<12x2048xf32>
    %reduce_sum3A_151 = arith.constant dense<0.000000e+00> : vector<12xf32>
    %reduce_sum3A_152 = vector.multi_reduction <add>, %mul3A_150, %reduce_sum3A_151 [1] : vector<12x2048xf32> to vector<12xf32>
    %broadcast_in_dim3A_153 = vector.shape_cast %reduce_sum3A_152 : vector<12xf32> to vector<12x1xf32>
    %scan3A_154 = arith.constant 508 : i32
    %scan3A_155 = arith.addi %scan3A, %scan3A_154 : i32
    %sub3A_156 = vector.broadcast %broadcast_in_dim3A_153 : vector<12x1xf32> to vector<12x2048xf32>
    %sub3A_157 = arith.subf %get3A_1, %sub3A_156 : vector<12x2048xf32>
    %integer_pow3A_158 = arith.mulf %sub3A_157, %sub3A_157 : vector<12x2048xf32>
    %slice3A_159 = vector.extract_strided_slice %integer_pow3A_158 {offsets = [0, 0], sizes = [4, 2048], strides = [1, 1]} : vector<12x2048xf32> to vector<4x2048xf32>
    %slice3A_160 = vector.extract_strided_slice %integer_pow3A_158 {offsets = [4, 0], sizes = [4, 2048], strides = [1, 1]} : vector<12x2048xf32> to vector<4x2048xf32>
    %add3A_161 = arith.addf %slice3A_159, %slice3A_160 : vector<4x2048xf32>
    %slice3A_162 = vector.extract_strided_slice %integer_pow3A_158 {offsets = [8, 0], sizes = [4, 2048], strides = [1, 1]} : vector<12x2048xf32> to vector<4x2048xf32>
    %add3A_163 = arith.addf %add3A_161, %slice3A_162 : vector<4x2048xf32>
    %min3A_164 = arith.minimumf %min3A_125, %add3A_163 : vector<4x2048xf32>
    %reduce_max3A_165 = arith.constant dense<0xFF800000> : vector<4xf32>
    %reduce_max3A_166 = vector.multi_reduction <maximumf>, %min3A_164, %reduce_max3A_165 [1] : vector<4x2048xf32> to vector<4xf32>
    %broadcast_in_dim3A_167 = vector.shape_cast %reduce_max3A_166 : vector<4xf32> to vector<4x1xf32>
    %eq3A_168 = vector.broadcast %broadcast_in_dim3A_167 : vector<4x1xf32> to vector<4x2048xf32>
    %eq3A_169 = arith.cmpf oeq, %min3A_164, %eq3A_168 : vector<4x2048xf32>
    %jit3A_170 = arith.constant 2048 : i32
    %broadcast_in_dim3A_171 = vector.broadcast %jit3A_170 : i32 to vector<4x2048xi32>
    %select_n3A_172 = arith.select %eq3A_169, %iota3A, %broadcast_in_dim3A_171 : vector<4x2048xi1>, vector<4x2048xi32>
    %reduce_min3A_173 = arith.constant dense<2147483647> : vector<4xi32>
    %reduce_min3A_174 = vector.multi_reduction <minsi>, %select_n3A_172, %reduce_min3A_173 [1] : vector<4x2048xi32> to vector<4xi32>
    %broadcast_in_dim3A_175 = vector.shape_cast %reduce_min3A_174 : vector<4xi32> to vector<4x1xi32>
    %eq3A_176 = vector.broadcast %scan3A_155 : i32 to vector<4x512xi32>
    %eq3A_177 = arith.cmpi eq, %iota3A_2, %eq3A_176 : vector<4x512xi32>
    %broadcast_in_dim3A_178 = vector.shape_cast %broadcast_in_dim3A_175 : vector<4x1xi32> to vector<4x1xi32>
    %broadcast_in_dim3A_179 = vector.broadcast %broadcast_in_dim3A_178 : vector<4x1xi32> to vector<4x512xi32>
    %select_n3A_180 = arith.select %eq3A_177, %broadcast_in_dim3A_179, %select_n3A_141 : vector<4x512xi1>, vector<4x512xi32>
    %eq3A_181 = vector.broadcast %broadcast_in_dim3A_175 : vector<4x1xi32> to vector<4x2048xi32>
    %eq3A_182 = arith.cmpi eq, %iota3A, %eq3A_181 : vector<4x2048xi32>
    %jit3A_183 = arith.constant 1.000000e+00 : f32
    %jit3A_184 = arith.constant 0.000000e+00 : f32
    %broadcast_in_dim3A_185 = vector.broadcast %jit3A_183 : f32 to vector<4x2048xf32>
    %broadcast_in_dim3A_186 = vector.broadcast %jit3A_184 : f32 to vector<4x2048xf32>
    %select_n3A_187 = arith.select %eq3A_182, %broadcast_in_dim3A_185, %broadcast_in_dim3A_186 : vector<4x2048xi1>, vector<4x2048xf32>
    %concatenate3A_188 = tpu.concatenate %select_n3A_187, %select_n3A_187, %select_n3A_187 in 0 : vector<4x2048xf32>, vector<4x2048xf32>, vector<4x2048xf32> -> vector<12x2048xf32>
    %mul3A_189 = arith.mulf %get3A_1, %concatenate3A_188 : vector<12x2048xf32>
    %reduce_sum3A_190 = arith.constant dense<0.000000e+00> : vector<12xf32>
    %reduce_sum3A_191 = vector.multi_reduction <add>, %mul3A_189, %reduce_sum3A_190 [1] : vector<12x2048xf32> to vector<12xf32>
    %broadcast_in_dim3A_192 = vector.shape_cast %reduce_sum3A_191 : vector<12xf32> to vector<12x1xf32>
    %scan3A_193 = arith.constant 509 : i32
    %scan3A_194 = arith.addi %scan3A, %scan3A_193 : i32
    %sub3A_195 = vector.broadcast %broadcast_in_dim3A_192 : vector<12x1xf32> to vector<12x2048xf32>
    %sub3A_196 = arith.subf %get3A_1, %sub3A_195 : vector<12x2048xf32>
    %integer_pow3A_197 = arith.mulf %sub3A_196, %sub3A_196 : vector<12x2048xf32>
    %slice3A_198 = vector.extract_strided_slice %integer_pow3A_197 {offsets = [0, 0], sizes = [4, 2048], strides = [1, 1]} : vector<12x2048xf32> to vector<4x2048xf32>
    %slice3A_199 = vector.extract_strided_slice %integer_pow3A_197 {offsets = [4, 0], sizes = [4, 2048], strides = [1, 1]} : vector<12x2048xf32> to vector<4x2048xf32>
    %add3A_200 = arith.addf %slice3A_198, %slice3A_199 : vector<4x2048xf32>
    %slice3A_201 = vector.extract_strided_slice %integer_pow3A_197 {offsets = [8, 0], sizes = [4, 2048], strides = [1, 1]} : vector<12x2048xf32> to vector<4x2048xf32>
    %add3A_202 = arith.addf %add3A_200, %slice3A_201 : vector<4x2048xf32>
    %min3A_203 = arith.minimumf %min3A_164, %add3A_202 : vector<4x2048xf32>
    %reduce_max3A_204 = arith.constant dense<0xFF800000> : vector<4xf32>
    %reduce_max3A_205 = vector.multi_reduction <maximumf>, %min3A_203, %reduce_max3A_204 [1] : vector<4x2048xf32> to vector<4xf32>
    %broadcast_in_dim3A_206 = vector.shape_cast %reduce_max3A_205 : vector<4xf32> to vector<4x1xf32>
    %eq3A_207 = vector.broadcast %broadcast_in_dim3A_206 : vector<4x1xf32> to vector<4x2048xf32>
    %eq3A_208 = arith.cmpf oeq, %min3A_203, %eq3A_207 : vector<4x2048xf32>
    %jit3A_209 = arith.constant 2048 : i32
    %broadcast_in_dim3A_210 = vector.broadcast %jit3A_209 : i32 to vector<4x2048xi32>
    %select_n3A_211 = arith.select %eq3A_208, %iota3A, %broadcast_in_dim3A_210 : vector<4x2048xi1>, vector<4x2048xi32>
    %reduce_min3A_212 = arith.constant dense<2147483647> : vector<4xi32>
    %reduce_min3A_213 = vector.multi_reduction <minsi>, %select_n3A_211, %reduce_min3A_212 [1] : vector<4x2048xi32> to vector<4xi32>
    %broadcast_in_dim3A_214 = vector.shape_cast %reduce_min3A_213 : vector<4xi32> to vector<4x1xi32>
    %eq3A_215 = vector.broadcast %scan3A_194 : i32 to vector<4x512xi32>
    %eq3A_216 = arith.cmpi eq, %iota3A_2, %eq3A_215 : vector<4x512xi32>
    %broadcast_in_dim3A_217 = vector.shape_cast %broadcast_in_dim3A_214 : vector<4x1xi32> to vector<4x1xi32>
    %broadcast_in_dim3A_218 = vector.broadcast %broadcast_in_dim3A_217 : vector<4x1xi32> to vector<4x512xi32>
    %select_n3A_219 = arith.select %eq3A_216, %broadcast_in_dim3A_218, %select_n3A_180 : vector<4x512xi1>, vector<4x512xi32>
    %eq3A_220 = vector.broadcast %broadcast_in_dim3A_214 : vector<4x1xi32> to vector<4x2048xi32>
    %eq3A_221 = arith.cmpi eq, %iota3A, %eq3A_220 : vector<4x2048xi32>
    %jit3A_222 = arith.constant 1.000000e+00 : f32
    %jit3A_223 = arith.constant 0.000000e+00 : f32
    %broadcast_in_dim3A_224 = vector.broadcast %jit3A_222 : f32 to vector<4x2048xf32>
    %broadcast_in_dim3A_225 = vector.broadcast %jit3A_223 : f32 to vector<4x2048xf32>
    %select_n3A_226 = arith.select %eq3A_221, %broadcast_in_dim3A_224, %broadcast_in_dim3A_225 : vector<4x2048xi1>, vector<4x2048xf32>
    %concatenate3A_227 = tpu.concatenate %select_n3A_226, %select_n3A_226, %select_n3A_226 in 0 : vector<4x2048xf32>, vector<4x2048xf32>, vector<4x2048xf32> -> vector<12x2048xf32>
    %mul3A_228 = arith.mulf %get3A_1, %concatenate3A_227 : vector<12x2048xf32>
    %reduce_sum3A_229 = arith.constant dense<0.000000e+00> : vector<12xf32>
    %reduce_sum3A_230 = vector.multi_reduction <add>, %mul3A_228, %reduce_sum3A_229 [1] : vector<12x2048xf32> to vector<12xf32>
    %broadcast_in_dim3A_231 = vector.shape_cast %reduce_sum3A_230 : vector<12xf32> to vector<12x1xf32>
    %scan3A_232 = arith.constant 510 : i32
    %scan3A_233 = arith.addi %scan3A, %scan3A_232 : i32
    %sub3A_234 = vector.broadcast %broadcast_in_dim3A_231 : vector<12x1xf32> to vector<12x2048xf32>
    %sub3A_235 = arith.subf %get3A_1, %sub3A_234 : vector<12x2048xf32>
    %integer_pow3A_236 = arith.mulf %sub3A_235, %sub3A_235 : vector<12x2048xf32>
    %slice3A_237 = vector.extract_strided_slice %integer_pow3A_236 {offsets = [0, 0], sizes = [4, 2048], strides = [1, 1]} : vector<12x2048xf32> to vector<4x2048xf32>
    %slice3A_238 = vector.extract_strided_slice %integer_pow3A_236 {offsets = [4, 0], sizes = [4, 2048], strides = [1, 1]} : vector<12x2048xf32> to vector<4x2048xf32>
    %add3A_239 = arith.addf %slice3A_237, %slice3A_238 : vector<4x2048xf32>
    %slice3A_240 = vector.extract_strided_slice %integer_pow3A_236 {offsets = [8, 0], sizes = [4, 2048], strides = [1, 1]} : vector<12x2048xf32> to vector<4x2048xf32>
    %add3A_241 = arith.addf %add3A_239, %slice3A_240 : vector<4x2048xf32>
    %min3A_242 = arith.minimumf %min3A_203, %add3A_241 : vector<4x2048xf32>
    %reduce_max3A_243 = arith.constant dense<0xFF800000> : vector<4xf32>
    %reduce_max3A_244 = vector.multi_reduction <maximumf>, %min3A_242, %reduce_max3A_243 [1] : vector<4x2048xf32> to vector<4xf32>
    %broadcast_in_dim3A_245 = vector.shape_cast %reduce_max3A_244 : vector<4xf32> to vector<4x1xf32>
    %eq3A_246 = vector.broadcast %broadcast_in_dim3A_245 : vector<4x1xf32> to vector<4x2048xf32>
    %eq3A_247 = arith.cmpf oeq, %min3A_242, %eq3A_246 : vector<4x2048xf32>
    %jit3A_248 = arith.constant 2048 : i32
    %broadcast_in_dim3A_249 = vector.broadcast %jit3A_248 : i32 to vector<4x2048xi32>
    %select_n3A_250 = arith.select %eq3A_247, %iota3A, %broadcast_in_dim3A_249 : vector<4x2048xi1>, vector<4x2048xi32>
    %reduce_min3A_251 = arith.constant dense<2147483647> : vector<4xi32>
    %reduce_min3A_252 = vector.multi_reduction <minsi>, %select_n3A_250, %reduce_min3A_251 [1] : vector<4x2048xi32> to vector<4xi32>
    %broadcast_in_dim3A_253 = vector.shape_cast %reduce_min3A_252 : vector<4xi32> to vector<4x1xi32>
    %eq3A_254 = vector.broadcast %scan3A_233 : i32 to vector<4x512xi32>
    %eq3A_255 = arith.cmpi eq, %iota3A_2, %eq3A_254 : vector<4x512xi32>
    %broadcast_in_dim3A_256 = vector.shape_cast %broadcast_in_dim3A_253 : vector<4x1xi32> to vector<4x1xi32>
    %broadcast_in_dim3A_257 = vector.broadcast %broadcast_in_dim3A_256 : vector<4x1xi32> to vector<4x512xi32>
    %select_n3A_258 = arith.select %eq3A_255, %broadcast_in_dim3A_257, %select_n3A_219 : vector<4x512xi1>, vector<4x512xi32>
    %eq3A_259 = vector.broadcast %broadcast_in_dim3A_253 : vector<4x1xi32> to vector<4x2048xi32>
    %eq3A_260 = arith.cmpi eq, %iota3A, %eq3A_259 : vector<4x2048xi32>
    %jit3A_261 = arith.constant 1.000000e+00 : f32
    %jit3A_262 = arith.constant 0.000000e+00 : f32
    %broadcast_in_dim3A_263 = vector.broadcast %jit3A_261 : f32 to vector<4x2048xf32>
    %broadcast_in_dim3A_264 = vector.broadcast %jit3A_262 : f32 to vector<4x2048xf32>
    %select_n3A_265 = arith.select %eq3A_260, %broadcast_in_dim3A_263, %broadcast_in_dim3A_264 : vector<4x2048xi1>, vector<4x2048xf32>
    %concatenate3A_266 = tpu.concatenate %select_n3A_265, %select_n3A_265, %select_n3A_265 in 0 : vector<4x2048xf32>, vector<4x2048xf32>, vector<4x2048xf32> -> vector<12x2048xf32>
    %mul3A_267 = arith.mulf %get3A_1, %concatenate3A_266 : vector<12x2048xf32>
    %reduce_sum3A_268 = arith.constant dense<0.000000e+00> : vector<12xf32>
    %reduce_sum3A_269 = vector.multi_reduction <add>, %mul3A_267, %reduce_sum3A_268 [1] : vector<12x2048xf32> to vector<12xf32>
    %broadcast_in_dim3A_270 = vector.shape_cast %reduce_sum3A_269 : vector<12xf32> to vector<12x1xf32>
    %scan3A_271 = arith.constant 511 : i32
    %swap3A = arith.constant 0 : index
    %swap3A_272 = arith.constant 0 : index
    %swap3A_273 = vector.load %arg1[%swap3A, %swap3A_272] : memref<4x512xi32, #tpu.memory_space<vmem>>, vector<4x512xi32>
    tpu.vector_store %arg1[%swap3A, %swap3A_272], %select_n3A_258 {strides = array<i32>} : memref<4x512xi32, #tpu.memory_space<vmem>>, vector<4x512xi32>,
    return
  }
}

module attributes {stable_mosaic.version = 14 : i64} {
  func.func @_knn_kernel(%arg0: i32, %arg1: memref<1x3x2048xf32, #tpu.memory_space<vmem>>, %arg2: memref<1x2048x3xf32, #tpu.memory_space<vmem>>, %arg3: memref<1x2048x128xf32, #tpu.memory_space<vmem>>, %arg4: memref<1x512x1xi32, #tpu.memory_space<vmem>>, %arg5: memref<128x256xf32, #tpu.memory_space<vmem>>, %arg6: memref<8x256xf32, #tpu.memory_space<vmem>>, %arg7: memref<1x256xf32, #tpu.memory_space<vmem>>, %arg8: memref<1x512x128xf32, #tpu.memory_space<vmem>>, %arg9: memref<1x2048x256xf32, #tpu.memory_space<vmem>>, %arg10: memref<1x512x256xf32, #tpu.memory_space<vmem>>, %arg11: memref<1x16x512x1xi32, #tpu.memory_space<vmem>>) attributes {dimension_semantics = [#tpu.dimension_semantics<parallel>], iteration_bounds = array<i64: 4>, scalar_prefetch = 0 : i64, scratch_operands = 0 : i64, tpu.core_type = #tpu.core_type<tc>, window_params = [{transform_indices = @transform_0, window_bounds = array<i64: 1, 3, 2048>}, {transform_indices = @transform_1, window_bounds = array<i64: 1, 2048, 3>}, {transform_indices = @transform_2, window_bounds = array<i64: 1, 2048, 128>}, {transform_indices = @transform_3, window_bounds = array<i64: 1, 512, 1>}, {pipeline_mode = #tpu.pipeline_mode<synchronous>, transform_indices = @transform_4, window_bounds = array<i64: 128, 256>}, {pipeline_mode = #tpu.pipeline_mode<synchronous>, transform_indices = @transform_5, window_bounds = array<i64: 8, 256>}, {pipeline_mode = #tpu.pipeline_mode<synchronous>, transform_indices = @transform_6, window_bounds = array<i64: 1, 256>}, {transform_indices = @transform_7, window_bounds = array<i64: 1, 512, 128>}, {transform_indices = @transform_8, window_bounds = array<i64: 1, 2048, 256>}, {transform_indices = @transform_9, window_bounds = array<i64: 1, 512, 256>}, {transform_indices = @transform_10, window_bounds = array<i64: 1, 16, 512, 1>}]} {
    %get3A = arith.constant 0 : index
    %get3A_0 = arith.constant 0 : index
    %get3A_1 = arith.constant 0 : index
    %get3A_2 = vector.load %arg1[%get3A, %get3A_0, %get3A_1] : memref<1x3x2048xf32, #tpu.memory_space<vmem>>, vector<1x1x2048xf32>
    %get3A_3 = vector.shape_cast %get3A_2 : vector<1x1x2048xf32> to vector<1x2048xf32>
    %get3A_4 = arith.constant 0 : index
    %get3A_5 = arith.constant 1 : index
    %get3A_6 = arith.constant 0 : index
    %get3A_7 = vector.load %arg1[%get3A_4, %get3A_5, %get3A_6] : memref<1x3x2048xf32, #tpu.memory_space<vmem>>, vector<1x1x2048xf32>
    %get3A_8 = vector.shape_cast %get3A_7 : vector<1x1x2048xf32> to vector<1x2048xf32>
    %get3A_9 = arith.constant 0 : index
    %get3A_10 = arith.constant 2 : index
    %get3A_11 = arith.constant 0 : index
    %get3A_12 = vector.load %arg1[%get3A_9, %get3A_10, %get3A_11] : memref<1x3x2048xf32, #tpu.memory_space<vmem>>, vector<1x1x2048xf32>
    %get3A_13 = vector.shape_cast %get3A_12 : vector<1x1x2048xf32> to vector<1x2048xf32>
    %get3A_14 = arith.constant 0 : index
    %get3A_15 = arith.constant 0 : index
    %get3A_16 = arith.constant 0 : index
    %get3A_17 = vector.load %arg2[%get3A_14, %get3A_15, %get3A_16] : memref<1x2048x3xf32, #tpu.memory_space<vmem>>, vector<1x2048x1xf32>
    %get3A_18 = vector.shape_cast %get3A_17 : vector<1x2048x1xf32> to vector<2048x1xf32>
    %get3A_19 = arith.constant 0 : index
    %get3A_20 = arith.constant 0 : index
    %get3A_21 = arith.constant 1 : index
    %get3A_22 = vector.load %arg2[%get3A_19, %get3A_20, %get3A_21] : memref<1x2048x3xf32, #tpu.memory_space<vmem>>, vector<1x2048x1xf32>
    %get3A_23 = vector.shape_cast %get3A_22 : vector<1x2048x1xf32> to vector<2048x1xf32>
    %get3A_24 = arith.constant 0 : index
    %get3A_25 = arith.constant 0 : index
    %get3A_26 = arith.constant 2 : index
    %get3A_27 = vector.load %arg2[%get3A_24, %get3A_25, %get3A_26] : memref<1x2048x3xf32, #tpu.memory_space<vmem>>, vector<1x2048x1xf32>
    %get3A_28 = vector.shape_cast %get3A_27 : vector<1x2048x1xf32> to vector<2048x1xf32>
    %get3A_29 = arith.constant 0 : index
    %get3A_30 = arith.constant 0 : index
    %get3A_31 = arith.constant 0 : index
    %get3A_32 = vector.load %arg3[%get3A_29, %get3A_30, %get3A_31] : memref<1x2048x128xf32, #tpu.memory_space<vmem>>, vector<1x2048x128xf32>
    %get3A_33 = vector.shape_cast %get3A_32 : vector<1x2048x128xf32> to vector<2048x128xf32>
    %get3A_34 = arith.constant 0 : index
    %get3A_35 = arith.constant 0 : index
    %get3A_36 = arith.constant 0 : index
    %get3A_37 = vector.load %arg4[%get3A_34, %get3A_35, %get3A_36] : memref<1x512x1xi32, #tpu.memory_space<vmem>>, vector<1x512x1xi32>
    %get3A_38 = vector.shape_cast %get3A_37 : vector<1x512x1xi32> to vector<512x1xi32>
    %get3A_39 = arith.constant 0 : index
    %get3A_40 = arith.constant 0 : index
    %get3A_41 = vector.load %arg6[%get3A_39, %get3A_40] : memref<8x256xf32, #tpu.memory_space<vmem>>, vector<1x256xf32>
    %mul3A = vector.broadcast %get3A_18 : vector<2048x1xf32> to vector<2048x256xf32>
    %mul3A_42 = vector.broadcast %get3A_41 : vector<1x256xf32> to vector<2048x256xf32>
    %mul3A_43 = arith.mulf %mul3A, %mul3A_42 : vector<2048x256xf32>
    %get3A_44 = arith.constant 1 : index
    %get3A_45 = arith.constant 0 : index
    %get3A_46 = vector.load %arg6[%get3A_44, %get3A_45] : memref<8x256xf32, #tpu.memory_space<vmem>>, vector<1x256xf32>
    %mul3A_47 = vector.broadcast %get3A_23 : vector<2048x1xf32> to vector<2048x256xf32>
    %mul3A_48 = vector.broadcast %get3A_46 : vector<1x256xf32> to vector<2048x256xf32>
    %mul3A_49 = arith.mulf %mul3A_47, %mul3A_48 : vector<2048x256xf32>
    %add3A = arith.addf %mul3A_43, %mul3A_49 : vector<2048x256xf32>
    %get3A_50 = arith.constant 2 : index
    %get3A_51 = arith.constant 0 : index
    %get3A_52 = vector.load %arg6[%get3A_50, %get3A_51] : memref<8x256xf32, #tpu.memory_space<vmem>>, vector<1x256xf32>
    %mul3A_53 = vector.broadcast %get3A_28 : vector<2048x1xf32> to vector<2048x256xf32>
    %mul3A_54 = vector.broadcast %get3A_52 : vector<1x256xf32> to vector<2048x256xf32>
    %mul3A_55 = arith.mulf %mul3A_53, %mul3A_54 : vector<2048x256xf32>
    %add3A_56 = arith.addf %add3A, %mul3A_55 : vector<2048x256xf32>
    %get3A_57 = arith.constant 0 : index
    %get3A_58 = arith.constant 0 : index
    %get3A_59 = vector.load %arg5[%get3A_57, %get3A_58] : memref<128x256xf32, #tpu.memory_space<vmem>>, vector<128x256xf32>
    %dot_general3A = arith.constant dense<0.000000e+00> : vector<2048x256xf32>
    %dot_general3A_60 = tpu.matmul %get3A_33, %get3A_59, %dot_general3A {dimension_numbers = #tpu.dot_dimension_numbers<[1], [0], [0], [1], [0, 0, 1, 1], [], []>, transpose_lhs_hint = false} : vector<2048x128xf32>, vector<128x256xf32>, vector<2048x256xf32> -> vector<2048x256xf32>
    %add3A_61 = arith.addf %dot_general3A_60, %add3A_56 : vector<2048x256xf32>
    %swap3A = arith.constant 0 : index
    %swap3A_62 = arith.constant 0 : index
    %swap3A_63 = arith.constant 0 : index
    %swap3A_64 = vector.load %arg9[%swap3A, %swap3A_62, %swap3A_63] : memref<1x2048x256xf32, #tpu.memory_space<vmem>>, vector<1x2048x256xf32>
    %swap3A_65 = vector.shape_cast %swap3A_64 : vector<1x2048x256xf32> to vector<2048x256xf32>
    %swap3A_66 = vector.shape_cast %add3A_61 : vector<2048x256xf32> to vector<1x2048x256xf32>
    tpu.vector_store %arg9[%swap3A, %swap3A_62, %swap3A_63], %swap3A_66 {strides = array<i32>} : memref<1x2048x256xf32, #tpu.memory_space<vmem>>, vector<1x2048x256xf32>,
    %iota3A = tpu.iota {dimensions = array<i32: 1>} : vector<512x2048xi32>
    %eq3A = vector.broadcast %get3A_38 : vector<512x1xi32> to vector<512x2048xi32>
    %eq3A_67 = arith.cmpi eq, %iota3A, %eq3A : vector<512x2048xi32>
    %jit3A = arith.constant 0.000000e+00 : f32
    %broadcast_in_dim3A = vector.shape_cast %get3A_3 : vector<1x2048xf32> to vector<1x2048xf32>
    %broadcast_in_dim3A_68 = vector.broadcast %broadcast_in_dim3A : vector<1x2048xf32> to vector<512x2048xf32>
    %broadcast_in_dim3A_69 = vector.broadcast %jit3A : f32 to vector<512x2048xf32>
    %select_n3A = arith.select %eq3A_67, %broadcast_in_dim3A_68, %broadcast_in_dim3A_69 : vector<512x2048xi1>, vector<512x2048xf32>
    %reduce_sum3A = arith.constant dense<0.000000e+00> : vector<512xf32>
    %reduce_sum3A_70 = vector.multi_reduction <add>, %select_n3A, %reduce_sum3A [1] : vector<512x2048xf32> to vector<512xf32>
    %broadcast_in_dim3A_71 = vector.shape_cast %reduce_sum3A_70 : vector<512xf32> to vector<512x1xf32>
    %jit3A_72 = arith.constant 0.000000e+00 : f32
    %broadcast_in_dim3A_73 = vector.shape_cast %get3A_8 : vector<1x2048xf32> to vector<1x2048xf32>
    %broadcast_in_dim3A_74 = vector.broadcast %broadcast_in_dim3A_73 : vector<1x2048xf32> to vector<512x2048xf32>
    %broadcast_in_dim3A_75 = vector.broadcast %jit3A_72 : f32 to vector<512x2048xf32>
    %select_n3A_76 = arith.select %eq3A_67, %broadcast_in_dim3A_74, %broadcast_in_dim3A_75 : vector<512x2048xi1>, vector<512x2048xf32>
    %reduce_sum3A_77 = arith.constant dense<0.000000e+00> : vector<512xf32>
    %reduce_sum3A_78 = vector.multi_reduction <add>, %select_n3A_76, %reduce_sum3A_77 [1] : vector<512x2048xf32> to vector<512xf32>
    %broadcast_in_dim3A_79 = vector.shape_cast %reduce_sum3A_78 : vector<512xf32> to vector<512x1xf32>
    %jit3A_80 = arith.constant 0.000000e+00 : f32
    %broadcast_in_dim3A_81 = vector.shape_cast %get3A_13 : vector<1x2048xf32> to vector<1x2048xf32>
    %broadcast_in_dim3A_82 = vector.broadcast %broadcast_in_dim3A_81 : vector<1x2048xf32> to vector<512x2048xf32>
    %broadcast_in_dim3A_83 = vector.broadcast %jit3A_80 : f32 to vector<512x2048xf32>
    %select_n3A_84 = arith.select %eq3A_67, %broadcast_in_dim3A_82, %broadcast_in_dim3A_83 : vector<512x2048xi1>, vector<512x2048xf32>
    %reduce_sum3A_85 = arith.constant dense<0.000000e+00> : vector<512xf32>
    %reduce_sum3A_86 = vector.multi_reduction <add>, %select_n3A_84, %reduce_sum3A_85 [1] : vector<512x2048xf32> to vector<512xf32>
    %broadcast_in_dim3A_87 = vector.shape_cast %reduce_sum3A_86 : vector<512xf32> to vector<512x1xf32>
    %convert_element_type3A = arith.extui %eq3A_67 : vector<512x2048xi1> to vector<512x2048xi32>
    %convert_element_type3A_88 = arith.sitofp %convert_element_type3A : vector<512x2048xi32> to vector<512x2048xf32>
    %convert_element_type3A_89 = arith.truncf %convert_element_type3A_88 : vector<512x2048xf32> to vector<512x2048xbf16>
    %convert_element_type3A_90 = arith.truncf %add3A_56 : vector<2048x256xf32> to vector<2048x256xbf16>
    %convert_element_type3A_91 = arith.extf %convert_element_type3A_90 : vector<2048x256xbf16> to vector<2048x256xf32>
    %sub3A = arith.subf %add3A_56, %convert_element_type3A_91 : vector<2048x256xf32>
    %convert_element_type3A_92 = arith.truncf %sub3A : vector<2048x256xf32> to vector<2048x256xbf16>
    %dot_general3A_93 = arith.constant dense<0.000000e+00> : vector<512x256xf32>
    %dot_general3A_94 = tpu.matmul %convert_element_type3A_89, %convert_element_type3A_90, %dot_general3A_93 {dimension_numbers = #tpu.dot_dimension_numbers<[1], [0], [0], [1], [0, 0, 1, 1], [], []>, transpose_lhs_hint = false} : vector<512x2048xbf16>, vector<2048x256xbf16>, vector<512x256xf32> -> vector<512x256xf32>
    %dot_general3A_95 = arith.constant dense<0.000000e+00> : vector<512x256xf32>
    %dot_general3A_96 = tpu.matmul %convert_element_type3A_89, %convert_element_type3A_92, %dot_general3A_95 {dimension_numbers = #tpu.dot_dimension_numbers<[1], [0], [0], [1], [0, 0, 1, 1], [], []>, transpose_lhs_hint = false} : vector<512x2048xbf16>, vector<2048x256xbf16>, vector<512x256xf32> -> vector<512x256xf32>
    %add3A_97 = arith.addf %dot_general3A_94, %dot_general3A_96 : vector<512x256xf32>
    %get3A_98 = arith.constant 0 : index
    %get3A_99 = arith.constant 0 : index
    %get3A_100 = vector.load %arg7[%get3A_98, %get3A_99] : memref<1x256xf32, #tpu.memory_space<vmem>>, vector<1x256xf32>
    %sub3A_101 = vector.broadcast %get3A_100 : vector<1x256xf32> to vector<512x256xf32>
    %sub3A_102 = arith.subf %sub3A_101, %add3A_97 : vector<512x256xf32>
    %swap3A_103 = arith.constant 0 : index
    %swap3A_104 = arith.constant 0 : index
    %swap3A_105 = arith.constant 0 : index
    %swap3A_106 = vector.load %arg10[%swap3A_103, %swap3A_104, %swap3A_105] : memref<1x512x256xf32, #tpu.memory_space<vmem>>, vector<1x512x256xf32>
    %swap3A_107 = vector.shape_cast %swap3A_106 : vector<1x512x256xf32> to vector<512x256xf32>
    %swap3A_108 = vector.shape_cast %sub3A_102 : vector<512x256xf32> to vector<1x512x256xf32>
    tpu.vector_store %arg10[%swap3A_103, %swap3A_104, %swap3A_105], %swap3A_108 {strides = array<i32>} : memref<1x512x256xf32, #tpu.memory_space<vmem>>, vector<1x512x256xf32>,
    %sub3A_109 = vector.broadcast %broadcast_in_dim3A_71 : vector<512x1xf32> to vector<512x2048xf32>
    %sub3A_110 = vector.broadcast %get3A_3 : vector<1x2048xf32> to vector<512x2048xf32>
    %sub3A_111 = arith.subf %sub3A_109, %sub3A_110 : vector<512x2048xf32>
    %integer_pow3A = arith.mulf %sub3A_111, %sub3A_111 : vector<512x2048xf32>
    %sub3A_112 = vector.broadcast %broadcast_in_dim3A_79 : vector<512x1xf32> to vector<512x2048xf32>
    %sub3A_113 = vector.broadcast %get3A_8 : vector<1x2048xf32> to vector<512x2048xf32>
    %sub3A_114 = arith.subf %sub3A_112, %sub3A_113 : vector<512x2048xf32>
    %integer_pow3A_115 = arith.mulf %sub3A_114, %sub3A_114 : vector<512x2048xf32>
    %add3A_116 = arith.addf %integer_pow3A, %integer_pow3A_115 : vector<512x2048xf32>
    %sub3A_117 = vector.broadcast %broadcast_in_dim3A_87 : vector<512x1xf32> to vector<512x2048xf32>
    %sub3A_118 = vector.broadcast %get3A_13 : vector<1x2048xf32> to vector<512x2048xf32>
    %sub3A_119 = arith.subf %sub3A_117, %sub3A_118 : vector<512x2048xf32>
    %integer_pow3A_120 = arith.mulf %sub3A_119, %sub3A_119 : vector<512x2048xf32>
    %add3A_121 = arith.addf %add3A_116, %integer_pow3A_120 : vector<512x2048xf32>
    %reduce_min3A = arith.constant dense<0x7F800000> : vector<512xf32>
    %reduce_min3A_122 = vector.multi_reduction <minimumf>, %add3A_121, %reduce_min3A [1] : vector<512x2048xf32> to vector<512xf32>
    %broadcast_in_dim3A_123 = vector.shape_cast %reduce_min3A_122 : vector<512xf32> to vector<512x1xf32>
    %eq3A_124 = vector.broadcast %broadcast_in_dim3A_123 : vector<512x1xf32> to vector<512x2048xf32>
    %eq3A_125 = arith.cmpf oeq, %add3A_121, %eq3A_124 : vector<512x2048xf32>
    %jit3A_126 = arith.constant 2048 : i32
    %broadcast_in_dim3A_127 = vector.broadcast %jit3A_126 : i32 to vector<512x2048xi32>
    %select_n3A_128 = arith.select %eq3A_125, %iota3A, %broadcast_in_dim3A_127 : vector<512x2048xi1>, vector<512x2048xi32>
    %reduce_min3A_129 = arith.constant dense<2147483647> : vector<512xi32>
    %reduce_min3A_130 = vector.multi_reduction <minsi>, %select_n3A_128, %reduce_min3A_129 [1] : vector<512x2048xi32> to vector<512xi32>
    %broadcast_in_dim3A_131 = vector.shape_cast %reduce_min3A_130 : vector<512xi32> to vector<512x1xi32>
    %mul3A_132 = arith.constant 2048 : i32
    %mul3A_133 = arith.muli %arg0, %mul3A_132 : i32
    %add3A_134 = vector.broadcast %mul3A_133 : i32 to vector<512x1xi32>
    %add3A_135 = arith.addi %broadcast_in_dim3A_131, %add3A_134 : vector<512x1xi32>
    %swap3A_136 = arith.constant 0 : index
    %swap3A_137 = arith.constant 0 : index
    %swap3A_138 = arith.constant 0 : index
    %swap3A_139 = arith.constant 0 : index
    %swap3A_140 = vector.load %arg11[%swap3A_136, %swap3A_137, %swap3A_138, %swap3A_139] : memref<1x16x512x1xi32, #tpu.memory_space<vmem>>, vector<1x1x512x1xi32>
    %swap3A_141 = vector.shape_cast %swap3A_140 : vector<1x1x512x1xi32> to vector<512x1xi32>
    %swap3A_142 = vector.shape_cast %add3A_135 : vector<512x1xi32> to vector<1x1x512x1xi32>
    tpu.vector_store %arg11[%swap3A_136, %swap3A_137, %swap3A_138, %swap3A_139], %swap3A_142 {strides = array<i32>} : memref<1x16x512x1xi32, #tpu.memory_space<vmem>>, vector<1x1x512x1xi32>,
    %eq3A_143 = vector.broadcast %broadcast_in_dim3A_131 : vector<512x1xi32> to vector<512x2048xi32>
    %eq3A_144 = arith.cmpi eq, %iota3A, %eq3A_143 : vector<512x2048xi32>
    %jit3A_145 = arith.constant 0x7F800000 : f32
    %broadcast_in_dim3A_146 = vector.broadcast %jit3A_145 : f32 to vector<512x2048xf32>
    %select_n3A_147 = arith.select %eq3A_144, %broadcast_in_dim3A_146, %add3A_121 : vector<512x2048xi1>, vector<512x2048xf32>
    %reduce_min3A_148 = arith.constant dense<0x7F800000> : vector<512xf32>
    %reduce_min3A_149 = vector.multi_reduction <minimumf>, %select_n3A_147, %reduce_min3A_148 [1] : vector<512x2048xf32> to vector<512xf32>
    %broadcast_in_dim3A_150 = vector.shape_cast %reduce_min3A_149 : vector<512xf32> to vector<512x1xf32>
    %eq3A_151 = vector.broadcast %broadcast_in_dim3A_150 : vector<512x1xf32> to vector<512x2048xf32>
    %eq3A_152 = arith.cmpf oeq, %select_n3A_147, %eq3A_151 : vector<512x2048xf32>
    %jit3A_153 = arith.constant 2048 : i32
    %broadcast_in_dim3A_154 = vector.broadcast %jit3A_153 : i32 to vector<512x2048xi32>
    %select_n3A_155 = arith.select %eq3A_152, %iota3A, %broadcast_in_dim3A_154 : vector<512x2048xi1>, vector<512x2048xi32>
    %reduce_min3A_156 = arith.constant dense<2147483647> : vector<512xi32>
    %reduce_min3A_157 = vector.multi_reduction <minsi>, %select_n3A_155, %reduce_min3A_156 [1] : vector<512x2048xi32> to vector<512xi32>
    %broadcast_in_dim3A_158 = vector.shape_cast %reduce_min3A_157 : vector<512xi32> to vector<512x1xi32>
    %mul3A_159 = arith.constant 2048 : i32
    %mul3A_160 = arith.muli %arg0, %mul3A_159 : i32
    %add3A_161 = vector.broadcast %mul3A_160 : i32 to vector<512x1xi32>
    %add3A_162 = arith.addi %broadcast_in_dim3A_158, %add3A_161 : vector<512x1xi32>
    %swap3A_163 = arith.constant 0 : index
    %swap3A_164 = arith.constant 1 : index
    %swap3A_165 = arith.constant 0 : index
    %swap3A_166 = arith.constant 0 : index
    %swap3A_167 = vector.load %arg11[%swap3A_163, %swap3A_164, %swap3A_165, %swap3A_166] : memref<1x16x512x1xi32, #tpu.memory_space<vmem>>, vector<1x1x512x1xi32>
    %swap3A_168 = vector.shape_cast %swap3A_167 : vector<1x1x512x1xi32> to vector<512x1xi32>
    %swap3A_169 = vector.shape_cast %add3A_162 : vector<512x1xi32> to vector<1x1x512x1xi32>
    tpu.vector_store %arg11[%swap3A_163, %swap3A_164, %swap3A_165, %swap3A_166], %swap3A_169 {strides = array<i32>} : memref<1x16x512x1xi32, #tpu.memory_space<vmem>>, vector<1x1x512x1xi32>,
    %eq3A_170 = vector.broadcast %broadcast_in_dim3A_158 : vector<512x1xi32> to vector<512x2048xi32>
    %eq3A_171 = arith.cmpi eq, %iota3A, %eq3A_170 : vector<512x2048xi32>
    %jit3A_172 = arith.constant 0x7F800000 : f32
    %broadcast_in_dim3A_173 = vector.broadcast %jit3A_172 : f32 to vector<512x2048xf32>
    %select_n3A_174 = arith.select %eq3A_171, %broadcast_in_dim3A_173, %select_n3A_147 : vector<512x2048xi1>, vector<512x2048xf32>
    %reduce_min3A_175 = arith.constant dense<0x7F800000> : vector<512xf32>
    %reduce_min3A_176 = vector.multi_reduction <minimumf>, %select_n3A_174, %reduce_min3A_175 [1] : vector<512x2048xf32> to vector<512xf32>
    %broadcast_in_dim3A_177 = vector.shape_cast %reduce_min3A_176 : vector<512xf32> to vector<512x1xf32>
    %eq3A_178 = vector.broadcast %broadcast_in_dim3A_177 : vector<512x1xf32> to vector<512x2048xf32>
    %eq3A_179 = arith.cmpf oeq, %select_n3A_174, %eq3A_178 : vector<512x2048xf32>
    %jit3A_180 = arith.constant 2048 : i32
    %broadcast_in_dim3A_181 = vector.broadcast %jit3A_180 : i32 to vector<512x2048xi32>
    %select_n3A_182 = arith.select %eq3A_179, %iota3A, %broadcast_in_dim3A_181 : vector<512x2048xi1>, vector<512x2048xi32>
    %reduce_min3A_183 = arith.constant dense<2147483647> : vector<512xi32>
    %reduce_min3A_184 = vector.multi_reduction <minsi>, %select_n3A_182, %reduce_min3A_183 [1] : vector<512x2048xi32> to vector<512xi32>
    %broadcast_in_dim3A_185 = vector.shape_cast %reduce_min3A_184 : vector<512xi32> to vector<512x1xi32>
    %mul3A_186 = arith.constant 2048 : i32
    %mul3A_187 = arith.muli %arg0, %mul3A_186 : i32
    %add3A_188 = vector.broadcast %mul3A_187 : i32 to vector<512x1xi32>
    %add3A_189 = arith.addi %broadcast_in_dim3A_185, %add3A_188 : vector<512x1xi32>
    %swap3A_190 = arith.constant 0 : index
    %swap3A_191 = arith.constant 2 : index
    %swap3A_192 = arith.constant 0 : index
    %swap3A_193 = arith.constant 0 : index
    %swap3A_194 = vector.load %arg11[%swap3A_190, %swap3A_191, %swap3A_192, %swap3A_193] : memref<1x16x512x1xi32, #tpu.memory_space<vmem>>, vector<1x1x512x1xi32>
    %swap3A_195 = vector.shape_cast %swap3A_194 : vector<1x1x512x1xi32> to vector<512x1xi32>
    %swap3A_196 = vector.shape_cast %add3A_189 : vector<512x1xi32> to vector<1x1x512x1xi32>
    tpu.vector_store %arg11[%swap3A_190, %swap3A_191, %swap3A_192, %swap3A_193], %swap3A_196 {strides = array<i32>} : memref<1x16x512x1xi32, #tpu.memory_space<vmem>>, vector<1x1x512x1xi32>,
    %eq3A_197 = vector.broadcast %broadcast_in_dim3A_185 : vector<512x1xi32> to vector<512x2048xi32>
    %eq3A_198 = arith.cmpi eq, %iota3A, %eq3A_197 : vector<512x2048xi32>
    %jit3A_199 = arith.constant 0x7F800000 : f32
    %broadcast_in_dim3A_200 = vector.broadcast %jit3A_199 : f32 to vector<512x2048xf32>
    %select_n3A_201 = arith.select %eq3A_198, %broadcast_in_dim3A_200, %select_n3A_174 : vector<512x2048xi1>, vector<512x2048xf32>
    %reduce_min3A_202 = arith.constant dense<0x7F800000> : vector<512xf32>
    %reduce_min3A_203 = vector.multi_reduction <minimumf>, %select_n3A_201, %reduce_min3A_202 [1] : vector<512x2048xf32> to vector<512xf32>
    %broadcast_in_dim3A_204 = vector.shape_cast %reduce_min3A_203 : vector<512xf32> to vector<512x1xf32>
    %eq3A_205 = vector.broadcast %broadcast_in_dim3A_204 : vector<512x1xf32> to vector<512x2048xf32>
    %eq3A_206 = arith.cmpf oeq, %select_n3A_201, %eq3A_205 : vector<512x2048xf32>
    %jit3A_207 = arith.constant 2048 : i32
    %broadcast_in_dim3A_208 = vector.broadcast %jit3A_207 : i32 to vector<512x2048xi32>
    %select_n3A_209 = arith.select %eq3A_206, %iota3A, %broadcast_in_dim3A_208 : vector<512x2048xi1>, vector<512x2048xi32>
    %reduce_min3A_210 = arith.constant dense<2147483647> : vector<512xi32>
    %reduce_min3A_211 = vector.multi_reduction <minsi>, %select_n3A_209, %reduce_min3A_210 [1] : vector<512x2048xi32> to vector<512xi32>
    %broadcast_in_dim3A_212 = vector.shape_cast %reduce_min3A_211 : vector<512xi32> to vector<512x1xi32>
    %mul3A_213 = arith.constant 2048 : i32
    %mul3A_214 = arith.muli %arg0, %mul3A_213 : i32
    %add3A_215 = vector.broadcast %mul3A_214 : i32 to vector<512x1xi32>
    %add3A_216 = arith.addi %broadcast_in_dim3A_212, %add3A_215 : vector<512x1xi32>
    %swap3A_217 = arith.constant 0 : index
    %swap3A_218 = arith.constant 3 : index
    %swap3A_219 = arith.constant 0 : index
    %swap3A_220 = arith.constant 0 : index
    %swap3A_221 = vector.load %arg11[%swap3A_217, %swap3A_218, %swap3A_219, %swap3A_220] : memref<1x16x512x1xi32, #tpu.memory_space<vmem>>, vector<1x1x512x1xi32>
    %swap3A_222 = vector.shape_cast %swap3A_221 : vector<1x1x512x1xi32> to vector<512x1xi32>
    %swap3A_223 = vector.shape_cast %add3A_216 : vector<512x1xi32> to vector<1x1x512x1xi32>
    tpu.vector_store %arg11[%swap3A_217, %swap3A_218, %swap3A_219, %swap3A_220], %swap3A_223 {strides = array<i32>} : memref<1x16x512x1xi32, #tpu.memory_space<vmem>>, vector<1x1x512x1xi32>,
    %eq3A_224 = vector.broadcast %broadcast_in_dim3A_212 : vector<512x1xi32> to vector<512x2048xi32>
    %eq3A_225 = arith.cmpi eq, %iota3A, %eq3A_224 : vector<512x2048xi32>
    %jit3A_226 = arith.constant 0x7F800000 : f32
    %broadcast_in_dim3A_227 = vector.broadcast %jit3A_226 : f32 to vector<512x2048xf32>
    %select_n3A_228 = arith.select %eq3A_225, %broadcast_in_dim3A_227, %select_n3A_201 : vector<512x2048xi1>, vector<512x2048xf32>
    %reduce_min3A_229 = arith.constant dense<0x7F800000> : vector<512xf32>
    %reduce_min3A_230 = vector.multi_reduction <minimumf>, %select_n3A_228, %reduce_min3A_229 [1] : vector<512x2048xf32> to vector<512xf32>
    %broadcast_in_dim3A_231 = vector.shape_cast %reduce_min3A_230 : vector<512xf32> to vector<512x1xf32>
    %eq3A_232 = vector.broadcast %broadcast_in_dim3A_231 : vector<512x1xf32> to vector<512x2048xf32>
    %eq3A_233 = arith.cmpf oeq, %select_n3A_228, %eq3A_232 : vector<512x2048xf32>
    %jit3A_234 = arith.constant 2048 : i32
    %broadcast_in_dim3A_235 = vector.broadcast %jit3A_234 : i32 to vector<512x2048xi32>
    %select_n3A_236 = arith.select %eq3A_233, %iota3A, %broadcast_in_dim3A_235 : vector<512x2048xi1>, vector<512x2048xi32>
    %reduce_min3A_237 = arith.constant dense<2147483647> : vector<512xi32>
    %reduce_min3A_238 = vector.multi_reduction <minsi>, %select_n3A_236, %reduce_min3A_237 [1] : vector<512x2048xi32> to vector<512xi32>
    %broadcast_in_dim3A_239 = vector.shape_cast %reduce_min3A_238 : vector<512xi32> to vector<512x1xi32>
    %mul3A_240 = arith.constant 2048 : i32
    %mul3A_241 = arith.muli %arg0, %mul3A_240 : i32
    %add3A_242 = vector.broadcast %mul3A_241 : i32 to vector<512x1xi32>
    %add3A_243 = arith.addi %broadcast_in_dim3A_239, %add3A_242 : vector<512x1xi32>
    %swap3A_244 = arith.constant 0 : index
    %swap3A_245 = arith.constant 4 : index
    %swap3A_246 = arith.constant 0 : index
    %swap3A_247 = arith.constant 0 : index
    %swap3A_248 = vector.load %arg11[%swap3A_244, %swap3A_245, %swap3A_246, %swap3A_247] : memref<1x16x512x1xi32, #tpu.memory_space<vmem>>, vector<1x1x512x1xi32>
    %swap3A_249 = vector.shape_cast %swap3A_248 : vector<1x1x512x1xi32> to vector<512x1xi32>
    %swap3A_250 = vector.shape_cast %add3A_243 : vector<512x1xi32> to vector<1x1x512x1xi32>
    tpu.vector_store %arg11[%swap3A_244, %swap3A_245, %swap3A_246, %swap3A_247], %swap3A_250 {strides = array<i32>} : memref<1x16x512x1xi32, #tpu.memory_space<vmem>>, vector<1x1x512x1xi32>,
    %eq3A_251 = vector.broadcast %broadcast_in_dim3A_239 : vector<512x1xi32> to vector<512x2048xi32>
    %eq3A_252 = arith.cmpi eq, %iota3A, %eq3A_251 : vector<512x2048xi32>
    %jit3A_253 = arith.constant 0x7F800000 : f32
    %broadcast_in_dim3A_254 = vector.broadcast %jit3A_253 : f32 to vector<512x2048xf32>
    %select_n3A_255 = arith.select %eq3A_252, %broadcast_in_dim3A_254, %select_n3A_228 : vector<512x2048xi1>, vector<512x2048xf32>
    %reduce_min3A_256 = arith.constant dense<0x7F800000> : vector<512xf32>
    %reduce_min3A_257 = vector.multi_reduction <minimumf>, %select_n3A_255, %reduce_min3A_256 [1] : vector<512x2048xf32> to vector<512xf32>
    %broadcast_in_dim3A_258 = vector.shape_cast %reduce_min3A_257 : vector<512xf32> to vector<512x1xf32>
    %eq3A_259 = vector.broadcast %broadcast_in_dim3A_258 : vector<512x1xf32> to vector<512x2048xf32>
    %eq3A_260 = arith.cmpf oeq, %select_n3A_255, %eq3A_259 : vector<512x2048xf32>
    %jit3A_261 = arith.constant 2048 : i32
    %broadcast_in_dim3A_262 = vector.broadcast %jit3A_261 : i32 to vector<512x2048xi32>
    %select_n3A_263 = arith.select %eq3A_260, %iota3A, %broadcast_in_dim3A_262 : vector<512x2048xi1>, vector<512x2048xi32>
    %reduce_min3A_264 = arith.constant dense<2147483647> : vector<512xi32>
    %reduce_min3A_265 = vector.multi_reduction <minsi>, %select_n3A_263, %reduce_min3A_264 [1] : vector<512x2048xi32> to vector<512xi32>
    %broadcast_in_dim3A_266 = vector.shape_cast %reduce_min3A_265 : vector<512xi32> to vector<512x1xi32>
    %mul3A_267 = arith.constant 2048 : i32
    %mul3A_268 = arith.muli %arg0, %mul3A_267 : i32
    %add3A_269 = vector.broadcast %mul3A_268 : i32 to vector<512x1xi32>
    %add3A_270 = arith.addi %broadcast_in_dim3A_266, %add3A_269 : vector<512x1xi32>
    %swap3A_271 = arith.constant 0 : index
    %swap3A_272 = arith.constant 5 : index
    %swap3A_273 = arith.constant 0 : index
    %swap3A_274 = arith.constant 0 : index
    %swap3A_275 = vector.load %arg11[%swap3A_271, %swap3A_272, %swap3A_273, %swap3A_274] : memref<1x16x512x1xi32, #tpu.memory_space<vmem>>, vector<1x1x512x1xi32>
    %swap3A_276 = vector.shape_cast %swap3A_275 : vector<1x1x512x1xi32> to vector<512x1xi32>
    %swap3A_277 = vector.shape_cast %add3A_270 : vector<512x1xi32> to vector<1x1x512x1xi32>
    tpu.vector_store %arg11[%swap3A_271, %swap3A_272, %swap3A_273, %swap3A_274], %swap3A_277 {strides = array<i32>} : memref<1x16x512x1xi32, #tpu.memory_space<vmem>>, vector<1x1x512x1xi32>,
    %eq3A_278 = vector.broadcast %broadcast_in_dim3A_266 : vector<512x1xi32> to vector<512x2048xi32>
    %eq3A_279 = arith.cmpi eq, %iota3A, %eq3A_278 : vector<512x2048xi32>
    %jit3A_280 = arith.constant 0x7F800000 : f32
    %broadcast_in_dim3A_281 = vector.broadcast %jit3A_280 : f32 to vector<512x2048xf32>
    %select_n3A_282 = arith.select %eq3A_279, %broadcast_in_dim3A_281, %select_n3A_255 : vector<512x2048xi1>, vector<512x2048xf32>
    %reduce_min3A_283 = arith.constant dense<0x7F800000> : vector<512xf32>
    %reduce_min3A_284 = vector.multi_reduction <minimumf>, %select_n3A_282, %reduce_min3A_283 [1] : vector<512x2048xf32> to vector<512xf32>
    %broadcast_in_dim3A_285 = vector.shape_cast %reduce_min3A_284 : vector<512xf32> to vector<512x1xf32>
    %eq3A_286 = vector.broadcast %broadcast_in_dim3A_285 : vector<512x1xf32> to vector<512x2048xf32>
    %eq3A_287 = arith.cmpf oeq, %select_n3A_282, %eq3A_286 : vector<512x2048xf32>
    %jit3A_288 = arith.constant 2048 : i32
    %broadcast_in_dim3A_289 = vector.broadcast %jit3A_288 : i32 to vector<512x2048xi32>
    %select_n3A_290 = arith.select %eq3A_287, %iota3A, %broadcast_in_dim3A_289 : vector<512x2048xi1>, vector<512x2048xi32>
    %reduce_min3A_291 = arith.constant dense<2147483647> : vector<512xi32>
    %reduce_min3A_292 = vector.multi_reduction <minsi>, %select_n3A_290, %reduce_min3A_291 [1] : vector<512x2048xi32> to vector<512xi32>
    %broadcast_in_dim3A_293 = vector.shape_cast %reduce_min3A_292 : vector<512xi32> to vector<512x1xi32>
    %mul3A_294 = arith.constant 2048 : i32
    %mul3A_295 = arith.muli %arg0, %mul3A_294 : i32
    %add3A_296 = vector.broadcast %mul3A_295 : i32 to vector<512x1xi32>
    %add3A_297 = arith.addi %broadcast_in_dim3A_293, %add3A_296 : vector<512x1xi32>
    %swap3A_298 = arith.constant 0 : index
    %swap3A_299 = arith.constant 6 : index
    %swap3A_300 = arith.constant 0 : index
    %swap3A_301 = arith.constant 0 : index
    %swap3A_302 = vector.load %arg11[%swap3A_298, %swap3A_299, %swap3A_300, %swap3A_301] : memref<1x16x512x1xi32, #tpu.memory_space<vmem>>, vector<1x1x512x1xi32>
    %swap3A_303 = vector.shape_cast %swap3A_302 : vector<1x1x512x1xi32> to vector<512x1xi32>
    %swap3A_304 = vector.shape_cast %add3A_297 : vector<512x1xi32> to vector<1x1x512x1xi32>
    tpu.vector_store %arg11[%swap3A_298, %swap3A_299, %swap3A_300, %swap3A_301], %swap3A_304 {strides = array<i32>} : memref<1x16x512x1xi32, #tpu.memory_space<vmem>>, vector<1x1x512x1xi32>,
    %eq3A_305 = vector.broadcast %broadcast_in_dim3A_293 : vector<512x1xi32> to vector<512x2048xi32>
    %eq3A_306 = arith.cmpi eq, %iota3A, %eq3A_305 : vector<512x2048xi32>
    %jit3A_307 = arith.constant 0x7F800000 : f32
    %broadcast_in_dim3A_308 = vector.broadcast %jit3A_307 : f32 to vector<512x2048xf32>
    %select_n3A_309 = arith.select %eq3A_306, %broadcast_in_dim3A_308, %select_n3A_282 : vector<512x2048xi1>, vector<512x2048xf32>
    %reduce_min3A_310 = arith.constant dense<0x7F800000> : vector<512xf32>
    %reduce_min3A_311 = vector.multi_reduction <minimumf>, %select_n3A_309, %reduce_min3A_310 [1] : vector<512x2048xf32> to vector<512xf32>
    %broadcast_in_dim3A_312 = vector.shape_cast %reduce_min3A_311 : vector<512xf32> to vector<512x1xf32>
    %eq3A_313 = vector.broadcast %broadcast_in_dim3A_312 : vector<512x1xf32> to vector<512x2048xf32>
    %eq3A_314 = arith.cmpf oeq, %select_n3A_309, %eq3A_313 : vector<512x2048xf32>
    %jit3A_315 = arith.constant 2048 : i32
    %broadcast_in_dim3A_316 = vector.broadcast %jit3A_315 : i32 to vector<512x2048xi32>
    %select_n3A_317 = arith.select %eq3A_314, %iota3A, %broadcast_in_dim3A_316 : vector<512x2048xi1>, vector<512x2048xi32>
    %reduce_min3A_318 = arith.constant dense<2147483647> : vector<512xi32>
    %reduce_min3A_319 = vector.multi_reduction <minsi>, %select_n3A_317, %reduce_min3A_318 [1] : vector<512x2048xi32> to vector<512xi32>
    %broadcast_in_dim3A_320 = vector.shape_cast %reduce_min3A_319 : vector<512xi32> to vector<512x1xi32>
    %mul3A_321 = arith.constant 2048 : i32
    %mul3A_322 = arith.muli %arg0, %mul3A_321 : i32
    %add3A_323 = vector.broadcast %mul3A_322 : i32 to vector<512x1xi32>
    %add3A_324 = arith.addi %broadcast_in_dim3A_320, %add3A_323 : vector<512x1xi32>
    %swap3A_325 = arith.constant 0 : index
    %swap3A_326 = arith.constant 7 : index
    %swap3A_327 = arith.constant 0 : index
    %swap3A_328 = arith.constant 0 : index
    %swap3A_329 = vector.load %arg11[%swap3A_325, %swap3A_326, %swap3A_327, %swap3A_328] : memref<1x16x512x1xi32, #tpu.memory_space<vmem>>, vector<1x1x512x1xi32>
    %swap3A_330 = vector.shape_cast %swap3A_329 : vector<1x1x512x1xi32> to vector<512x1xi32>
    %swap3A_331 = vector.shape_cast %add3A_324 : vector<512x1xi32> to vector<1x1x512x1xi32>
    tpu.vector_store %arg11[%swap3A_325, %swap3A_326, %swap3A_327, %swap3A_328], %swap3A_331 {strides = array<i32>} : memref<1x16x512x1xi32, #tpu.memory_space<vmem>>, vector<1x1x512x1xi32>,
    %eq3A_332 = vector.broadcast %broadcast_in_dim3A_320 : vector<512x1xi32> to vector<512x2048xi32>
    %eq3A_333 = arith.cmpi eq, %iota3A, %eq3A_332 : vector<512x2048xi32>
    %jit3A_334 = arith.constant 0x7F800000 : f32
    %broadcast_in_dim3A_335 = vector.broadcast %jit3A_334 : f32 to vector<512x2048xf32>
    %select_n3A_336 = arith.select %eq3A_333, %broadcast_in_dim3A_335, %select_n3A_309 : vector<512x2048xi1>, vector<512x2048xf32>
    %reduce_min3A_337 = arith.constant dense<0x7F800000> : vector<512xf32>
    %reduce_min3A_338 = vector.multi_reduction <minimumf>, %select_n3A_336, %reduce_min3A_337 [1] : vector<512x2048xf32> to vector<512xf32>
    %broadcast_in_dim3A_339 = vector.shape_cast %reduce_min3A_338 : vector<512xf32> to vector<512x1xf32>
    %eq3A_340 = vector.broadcast %broadcast_in_dim3A_339 : vector<512x1xf32> to vector<512x2048xf32>
    %eq3A_341 = arith.cmpf oeq, %select_n3A_336, %eq3A_340 : vector<512x2048xf32>
    %jit3A_342 = arith.constant 2048 : i32
    %broadcast_in_dim3A_343 = vector.broadcast %jit3A_342 : i32 to vector<512x2048xi32>
    %select_n3A_344 = arith.select %eq3A_341, %iota3A, %broadcast_in_dim3A_343 : vector<512x2048xi1>, vector<512x2048xi32>
    %reduce_min3A_345 = arith.constant dense<2147483647> : vector<512xi32>
    %reduce_min3A_346 = vector.multi_reduction <minsi>, %select_n3A_344, %reduce_min3A_345 [1] : vector<512x2048xi32> to vector<512xi32>
    %broadcast_in_dim3A_347 = vector.shape_cast %reduce_min3A_346 : vector<512xi32> to vector<512x1xi32>
    %mul3A_348 = arith.constant 2048 : i32
    %mul3A_349 = arith.muli %arg0, %mul3A_348 : i32
    %add3A_350 = vector.broadcast %mul3A_349 : i32 to vector<512x1xi32>
    %add3A_351 = arith.addi %broadcast_in_dim3A_347, %add3A_350 : vector<512x1xi32>
    %swap3A_352 = arith.constant 0 : index
    %swap3A_353 = arith.constant 8 : index
    %swap3A_354 = arith.constant 0 : index
    %swap3A_355 = arith.constant 0 : index
    %swap3A_356 = vector.load %arg11[%swap3A_352, %swap3A_353, %swap3A_354, %swap3A_355] : memref<1x16x512x1xi32, #tpu.memory_space<vmem>>, vector<1x1x512x1xi32>
    %swap3A_357 = vector.shape_cast %swap3A_356 : vector<1x1x512x1xi32> to vector<512x1xi32>
    %swap3A_358 = vector.shape_cast %add3A_351 : vector<512x1xi32> to vector<1x1x512x1xi32>
    tpu.vector_store %arg11[%swap3A_352, %swap3A_353, %swap3A_354, %swap3A_355], %swap3A_358 {strides = array<i32>} : memref<1x16x512x1xi32, #tpu.memory_space<vmem>>, vector<1x1x512x1xi32>,
    %eq3A_359 = vector.broadcast %broadcast_in_dim3A_347 : vector<512x1xi32> to vector<512x2048xi32>
    %eq3A_360 = arith.cmpi eq, %iota3A, %eq3A_359 : vector<512x2048xi32>
    %jit3A_361 = arith.constant 0x7F800000 : f32
    %broadcast_in_dim3A_362 = vector.broadcast %jit3A_361 : f32 to vector<512x2048xf32>
    %select_n3A_363 = arith.select %eq3A_360, %broadcast_in_dim3A_362, %select_n3A_336 : vector<512x2048xi1>, vector<512x2048xf32>
    %reduce_min3A_364 = arith.constant dense<0x7F800000> : vector<512xf32>
    %reduce_min3A_365 = vector.multi_reduction <minimumf>, %select_n3A_363, %reduce_min3A_364 [1] : vector<512x2048xf32> to vector<512xf32>
    %broadcast_in_dim3A_366 = vector.shape_cast %reduce_min3A_365 : vector<512xf32> to vector<512x1xf32>
    %eq3A_367 = vector.broadcast %broadcast_in_dim3A_366 : vector<512x1xf32> to vector<512x2048xf32>
    %eq3A_368 = arith.cmpf oeq, %select_n3A_363, %eq3A_367 : vector<512x2048xf32>
    %jit3A_369 = arith.constant 2048 : i32
    %broadcast_in_dim3A_370 = vector.broadcast %jit3A_369 : i32 to vector<512x2048xi32>
    %select_n3A_371 = arith.select %eq3A_368, %iota3A, %broadcast_in_dim3A_370 : vector<512x2048xi1>, vector<512x2048xi32>
    %reduce_min3A_372 = arith.constant dense<2147483647> : vector<512xi32>
    %reduce_min3A_373 = vector.multi_reduction <minsi>, %select_n3A_371, %reduce_min3A_372 [1] : vector<512x2048xi32> to vector<512xi32>
    %broadcast_in_dim3A_374 = vector.shape_cast %reduce_min3A_373 : vector<512xi32> to vector<512x1xi32>
    %mul3A_375 = arith.constant 2048 : i32
    %mul3A_376 = arith.muli %arg0, %mul3A_375 : i32
    %add3A_377 = vector.broadcast %mul3A_376 : i32 to vector<512x1xi32>
    %add3A_378 = arith.addi %broadcast_in_dim3A_374, %add3A_377 : vector<512x1xi32>
    %swap3A_379 = arith.constant 0 : index
    %swap3A_380 = arith.constant 9 : index
    %swap3A_381 = arith.constant 0 : index
    %swap3A_382 = arith.constant 0 : index
    %swap3A_383 = vector.load %arg11[%swap3A_379, %swap3A_380, %swap3A_381, %swap3A_382] : memref<1x16x512x1xi32, #tpu.memory_space<vmem>>, vector<1x1x512x1xi32>
    %swap3A_384 = vector.shape_cast %swap3A_383 : vector<1x1x512x1xi32> to vector<512x1xi32>
    %swap3A_385 = vector.shape_cast %add3A_378 : vector<512x1xi32> to vector<1x1x512x1xi32>
    tpu.vector_store %arg11[%swap3A_379, %swap3A_380, %swap3A_381, %swap3A_382], %swap3A_385 {strides = array<i32>} : memref<1x16x512x1xi32, #tpu.memory_space<vmem>>, vector<1x1x512x1xi32>,
    %eq3A_386 = vector.broadcast %broadcast_in_dim3A_374 : vector<512x1xi32> to vector<512x2048xi32>
    %eq3A_387 = arith.cmpi eq, %iota3A, %eq3A_386 : vector<512x2048xi32>
    %jit3A_388 = arith.constant 0x7F800000 : f32
    %broadcast_in_dim3A_389 = vector.broadcast %jit3A_388 : f32 to vector<512x2048xf32>
    %select_n3A_390 = arith.select %eq3A_387, %broadcast_in_dim3A_389, %select_n3A_363 : vector<512x2048xi1>, vector<512x2048xf32>
    %reduce_min3A_391 = arith.constant dense<0x7F800000> : vector<512xf32>
    %reduce_min3A_392 = vector.multi_reduction <minimumf>, %select_n3A_390, %reduce_min3A_391 [1] : vector<512x2048xf32> to vector<512xf32>
    %broadcast_in_dim3A_393 = vector.shape_cast %reduce_min3A_392 : vector<512xf32> to vector<512x1xf32>
    %eq3A_394 = vector.broadcast %broadcast_in_dim3A_393 : vector<512x1xf32> to vector<512x2048xf32>
    %eq3A_395 = arith.cmpf oeq, %select_n3A_390, %eq3A_394 : vector<512x2048xf32>
    %jit3A_396 = arith.constant 2048 : i32
    %broadcast_in_dim3A_397 = vector.broadcast %jit3A_396 : i32 to vector<512x2048xi32>
    %select_n3A_398 = arith.select %eq3A_395, %iota3A, %broadcast_in_dim3A_397 : vector<512x2048xi1>, vector<512x2048xi32>
    %reduce_min3A_399 = arith.constant dense<2147483647> : vector<512xi32>
    %reduce_min3A_400 = vector.multi_reduction <minsi>, %select_n3A_398, %reduce_min3A_399 [1] : vector<512x2048xi32> to vector<512xi32>
    %broadcast_in_dim3A_401 = vector.shape_cast %reduce_min3A_400 : vector<512xi32> to vector<512x1xi32>
    %mul3A_402 = arith.constant 2048 : i32
    %mul3A_403 = arith.muli %arg0, %mul3A_402 : i32
    %add3A_404 = vector.broadcast %mul3A_403 : i32 to vector<512x1xi32>
    %add3A_405 = arith.addi %broadcast_in_dim3A_401, %add3A_404 : vector<512x1xi32>
    %swap3A_406 = arith.constant 0 : index
    %swap3A_407 = arith.constant 10 : index
    %swap3A_408 = arith.constant 0 : index
    %swap3A_409 = arith.constant 0 : index
    %swap3A_410 = vector.load %arg11[%swap3A_406, %swap3A_407, %swap3A_408, %swap3A_409] : memref<1x16x512x1xi32, #tpu.memory_space<vmem>>, vector<1x1x512x1xi32>
    %swap3A_411 = vector.shape_cast %swap3A_410 : vector<1x1x512x1xi32> to vector<512x1xi32>
    %swap3A_412 = vector.shape_cast %add3A_405 : vector<512x1xi32> to vector<1x1x512x1xi32>
    tpu.vector_store %arg11[%swap3A_406, %swap3A_407, %swap3A_408, %swap3A_409], %swap3A_412 {strides = array<i32>} : memref<1x16x512x1xi32, #tpu.memory_space<vmem>>, vector<1x1x512x1xi32>,
    %eq3A_413 = vector.broadcast %broadcast_in_dim3A_401 : vector<512x1xi32> to vector<512x2048xi32>
    %eq3A_414 = arith.cmpi eq, %iota3A, %eq3A_413 : vector<512x2048xi32>
    %jit3A_415 = arith.constant 0x7F800000 : f32
    %broadcast_in_dim3A_416 = vector.broadcast %jit3A_415 : f32 to vector<512x2048xf32>
    %select_n3A_417 = arith.select %eq3A_414, %broadcast_in_dim3A_416, %select_n3A_390 : vector<512x2048xi1>, vector<512x2048xf32>
    %reduce_min3A_418 = arith.constant dense<0x7F800000> : vector<512xf32>
    %reduce_min3A_419 = vector.multi_reduction <minimumf>, %select_n3A_417, %reduce_min3A_418 [1] : vector<512x2048xf32> to vector<512xf32>
    %broadcast_in_dim3A_420 = vector.shape_cast %reduce_min3A_419 : vector<512xf32> to vector<512x1xf32>
    %eq3A_421 = vector.broadcast %broadcast_in_dim3A_420 : vector<512x1xf32> to vector<512x2048xf32>
    %eq3A_422 = arith.cmpf oeq, %select_n3A_417, %eq3A_421 : vector<512x2048xf32>
    %jit3A_423 = arith.constant 2048 : i32
    %broadcast_in_dim3A_424 = vector.broadcast %jit3A_423 : i32 to vector<512x2048xi32>
    %select_n3A_425 = arith.select %eq3A_422, %iota3A, %broadcast_in_dim3A_424 : vector<512x2048xi1>, vector<512x2048xi32>
    %reduce_min3A_426 = arith.constant dense<2147483647> : vector<512xi32>
    %reduce_min3A_427 = vector.multi_reduction <minsi>, %select_n3A_425, %reduce_min3A_426 [1] : vector<512x2048xi32> to vector<512xi32>
    %broadcast_in_dim3A_428 = vector.shape_cast %reduce_min3A_427 : vector<512xi32> to vector<512x1xi32>
    %mul3A_429 = arith.constant 2048 : i32
    %mul3A_430 = arith.muli %arg0, %mul3A_429 : i32
    %add3A_431 = vector.broadcast %mul3A_430 : i32 to vector<512x1xi32>
    %add3A_432 = arith.addi %broadcast_in_dim3A_428, %add3A_431 : vector<512x1xi32>
    %swap3A_433 = arith.constant 0 : index
    %swap3A_434 = arith.constant 11 : index
    %swap3A_435 = arith.constant 0 : index
    %swap3A_436 = arith.constant 0 : index
    %swap3A_437 = vector.load %arg11[%swap3A_433, %swap3A_434, %swap3A_435, %swap3A_436] : memref<1x16x512x1xi32, #tpu.memory_space<vmem>>, vector<1x1x512x1xi32>
    %swap3A_438 = vector.shape_cast %swap3A_437 : vector<1x1x512x1xi32> to vector<512x1xi32>
    %swap3A_439 = vector.shape_cast %add3A_432 : vector<512x1xi32> to vector<1x1x512x1xi32>
    tpu.vector_store %arg11[%swap3A_433, %swap3A_434, %swap3A_435, %swap3A_436], %swap3A_439 {strides = array<i32>} : memref<1x16x512x1xi32, #tpu.memory_space<vmem>>, vector<1x1x512x1xi32>,
    %eq3A_440 = vector.broadcast %broadcast_in_dim3A_428 : vector<512x1xi32> to vector<512x2048xi32>
    %eq3A_441 = arith.cmpi eq, %iota3A, %eq3A_440 : vector<512x2048xi32>
    %jit3A_442 = arith.constant 0x7F800000 : f32
    %broadcast_in_dim3A_443 = vector.broadcast %jit3A_442 : f32 to vector<512x2048xf32>
    %select_n3A_444 = arith.select %eq3A_441, %broadcast_in_dim3A_443, %select_n3A_417 : vector<512x2048xi1>, vector<512x2048xf32>
    %reduce_min3A_445 = arith.constant dense<0x7F800000> : vector<512xf32>
    %reduce_min3A_446 = vector.multi_reduction <minimumf>, %select_n3A_444, %reduce_min3A_445 [1] : vector<512x2048xf32> to vector<512xf32>
    %broadcast_in_dim3A_447 = vector.shape_cast %reduce_min3A_446 : vector<512xf32> to vector<512x1xf32>
    %eq3A_448 = vector.broadcast %broadcast_in_dim3A_447 : vector<512x1xf32> to vector<512x2048xf32>
    %eq3A_449 = arith.cmpf oeq, %select_n3A_444, %eq3A_448 : vector<512x2048xf32>
    %jit3A_450 = arith.constant 2048 : i32
    %broadcast_in_dim3A_451 = vector.broadcast %jit3A_450 : i32 to vector<512x2048xi32>
    %select_n3A_452 = arith.select %eq3A_449, %iota3A, %broadcast_in_dim3A_451 : vector<512x2048xi1>, vector<512x2048xi32>
    %reduce_min3A_453 = arith.constant dense<2147483647> : vector<512xi32>
    %reduce_min3A_454 = vector.multi_reduction <minsi>, %select_n3A_452, %reduce_min3A_453 [1] : vector<512x2048xi32> to vector<512xi32>
    %broadcast_in_dim3A_455 = vector.shape_cast %reduce_min3A_454 : vector<512xi32> to vector<512x1xi32>
    %mul3A_456 = arith.constant 2048 : i32
    %mul3A_457 = arith.muli %arg0, %mul3A_456 : i32
    %add3A_458 = vector.broadcast %mul3A_457 : i32 to vector<512x1xi32>
    %add3A_459 = arith.addi %broadcast_in_dim3A_455, %add3A_458 : vector<512x1xi32>
    %swap3A_460 = arith.constant 0 : index
    %swap3A_461 = arith.constant 12 : index
    %swap3A_462 = arith.constant 0 : index
    %swap3A_463 = arith.constant 0 : index
    %swap3A_464 = vector.load %arg11[%swap3A_460, %swap3A_461, %swap3A_462, %swap3A_463] : memref<1x16x512x1xi32, #tpu.memory_space<vmem>>, vector<1x1x512x1xi32>
    %swap3A_465 = vector.shape_cast %swap3A_464 : vector<1x1x512x1xi32> to vector<512x1xi32>
    %swap3A_466 = vector.shape_cast %add3A_459 : vector<512x1xi32> to vector<1x1x512x1xi32>
    tpu.vector_store %arg11[%swap3A_460, %swap3A_461, %swap3A_462, %swap3A_463], %swap3A_466 {strides = array<i32>} : memref<1x16x512x1xi32, #tpu.memory_space<vmem>>, vector<1x1x512x1xi32>,
    %eq3A_467 = vector.broadcast %broadcast_in_dim3A_455 : vector<512x1xi32> to vector<512x2048xi32>
    %eq3A_468 = arith.cmpi eq, %iota3A, %eq3A_467 : vector<512x2048xi32>
    %jit3A_469 = arith.constant 0x7F800000 : f32
    %broadcast_in_dim3A_470 = vector.broadcast %jit3A_469 : f32 to vector<512x2048xf32>
    %select_n3A_471 = arith.select %eq3A_468, %broadcast_in_dim3A_470, %select_n3A_444 : vector<512x2048xi1>, vector<512x2048xf32>
    %reduce_min3A_472 = arith.constant dense<0x7F800000> : vector<512xf32>
    %reduce_min3A_473 = vector.multi_reduction <minimumf>, %select_n3A_471, %reduce_min3A_472 [1] : vector<512x2048xf32> to vector<512xf32>
    %broadcast_in_dim3A_474 = vector.shape_cast %reduce_min3A_473 : vector<512xf32> to vector<512x1xf32>
    %eq3A_475 = vector.broadcast %broadcast_in_dim3A_474 : vector<512x1xf32> to vector<512x2048xf32>
    %eq3A_476 = arith.cmpf oeq, %select_n3A_471, %eq3A_475 : vector<512x2048xf32>
    %jit3A_477 = arith.constant 2048 : i32
    %broadcast_in_dim3A_478 = vector.broadcast %jit3A_477 : i32 to vector<512x2048xi32>
    %select_n3A_479 = arith.select %eq3A_476, %iota3A, %broadcast_in_dim3A_478 : vector<512x2048xi1>, vector<512x2048xi32>
    %reduce_min3A_480 = arith.constant dense<2147483647> : vector<512xi32>
    %reduce_min3A_481 = vector.multi_reduction <minsi>, %select_n3A_479, %reduce_min3A_480 [1] : vector<512x2048xi32> to vector<512xi32>
    %broadcast_in_dim3A_482 = vector.shape_cast %reduce_min3A_481 : vector<512xi32> to vector<512x1xi32>
    %mul3A_483 = arith.constant 2048 : i32
    %mul3A_484 = arith.muli %arg0, %mul3A_483 : i32
    %add3A_485 = vector.broadcast %mul3A_484 : i32 to vector<512x1xi32>
    %add3A_486 = arith.addi %broadcast_in_dim3A_482, %add3A_485 : vector<512x1xi32>
    %swap3A_487 = arith.constant 0 : index
    %swap3A_488 = arith.constant 13 : index
    %swap3A_489 = arith.constant 0 : index
    %swap3A_490 = arith.constant 0 : index
    %swap3A_491 = vector.load %arg11[%swap3A_487, %swap3A_488, %swap3A_489, %swap3A_490] : memref<1x16x512x1xi32, #tpu.memory_space<vmem>>, vector<1x1x512x1xi32>
    %swap3A_492 = vector.shape_cast %swap3A_491 : vector<1x1x512x1xi32> to vector<512x1xi32>
    %swap3A_493 = vector.shape_cast %add3A_486 : vector<512x1xi32> to vector<1x1x512x1xi32>
    tpu.vector_store %arg11[%swap3A_487, %swap3A_488, %swap3A_489, %swap3A_490], %swap3A_493 {strides = array<i32>} : memref<1x16x512x1xi32, #tpu.memory_space<vmem>>, vector<1x1x512x1xi32>,
    %eq3A_494 = vector.broadcast %broadcast_in_dim3A_482 : vector<512x1xi32> to vector<512x2048xi32>
    %eq3A_495 = arith.cmpi eq, %iota3A, %eq3A_494 : vector<512x2048xi32>
    %jit3A_496 = arith.constant 0x7F800000 : f32
    %broadcast_in_dim3A_497 = vector.broadcast %jit3A_496 : f32 to vector<512x2048xf32>
    %select_n3A_498 = arith.select %eq3A_495, %broadcast_in_dim3A_497, %select_n3A_471 : vector<512x2048xi1>, vector<512x2048xf32>
    %reduce_min3A_499 = arith.constant dense<0x7F800000> : vector<512xf32>
    %reduce_min3A_500 = vector.multi_reduction <minimumf>, %select_n3A_498, %reduce_min3A_499 [1] : vector<512x2048xf32> to vector<512xf32>
    %broadcast_in_dim3A_501 = vector.shape_cast %reduce_min3A_500 : vector<512xf32> to vector<512x1xf32>
    %eq3A_502 = vector.broadcast %broadcast_in_dim3A_501 : vector<512x1xf32> to vector<512x2048xf32>
    %eq3A_503 = arith.cmpf oeq, %select_n3A_498, %eq3A_502 : vector<512x2048xf32>
    %jit3A_504 = arith.constant 2048 : i32
    %broadcast_in_dim3A_505 = vector.broadcast %jit3A_504 : i32 to vector<512x2048xi32>
    %select_n3A_506 = arith.select %eq3A_503, %iota3A, %broadcast_in_dim3A_505 : vector<512x2048xi1>, vector<512x2048xi32>
    %reduce_min3A_507 = arith.constant dense<2147483647> : vector<512xi32>
    %reduce_min3A_508 = vector.multi_reduction <minsi>, %select_n3A_506, %reduce_min3A_507 [1] : vector<512x2048xi32> to vector<512xi32>
    %broadcast_in_dim3A_509 = vector.shape_cast %reduce_min3A_508 : vector<512xi32> to vector<512x1xi32>
    %mul3A_510 = arith.constant 2048 : i32
    %mul3A_511 = arith.muli %arg0, %mul3A_510 : i32
    %add3A_512 = vector.broadcast %mul3A_511 : i32 to vector<512x1xi32>
    %add3A_513 = arith.addi %broadcast_in_dim3A_509, %add3A_512 : vector<512x1xi32>
    %swap3A_514 = arith.constant 0 : index
    %swap3A_515 = arith.constant 14 : index
    %swap3A_516 = arith.constant 0 : index
    %swap3A_517 = arith.constant 0 : index
    %swap3A_518 = vector.load %arg11[%swap3A_514, %swap3A_515, %swap3A_516, %swap3A_517] : memref<1x16x512x1xi32, #tpu.memory_space<vmem>>, vector<1x1x512x1xi32>
    %swap3A_519 = vector.shape_cast %swap3A_518 : vector<1x1x512x1xi32> to vector<512x1xi32>
    %swap3A_520 = vector.shape_cast %add3A_513 : vector<512x1xi32> to vector<1x1x512x1xi32>
    tpu.vector_store %arg11[%swap3A_514, %swap3A_515, %swap3A_516, %swap3A_517], %swap3A_520 {strides = array<i32>} : memref<1x16x512x1xi32, #tpu.memory_space<vmem>>, vector<1x1x512x1xi32>,
    %eq3A_521 = vector.broadcast %broadcast_in_dim3A_509 : vector<512x1xi32> to vector<512x2048xi32>
    %eq3A_522 = arith.cmpi eq, %iota3A, %eq3A_521 : vector<512x2048xi32>
    %jit3A_523 = arith.constant 0x7F800000 : f32
    %broadcast_in_dim3A_524 = vector.broadcast %jit3A_523 : f32 to vector<512x2048xf32>
    %select_n3A_525 = arith.select %eq3A_522, %broadcast_in_dim3A_524, %select_n3A_498 : vector<512x2048xi1>, vector<512x2048xf32>
    %reduce_min3A_526 = arith.constant dense<0x7F800000> : vector<512xf32>
    %reduce_min3A_527 = vector.multi_reduction <minimumf>, %select_n3A_525, %reduce_min3A_526 [1] : vector<512x2048xf32> to vector<512xf32>
    %broadcast_in_dim3A_528 = vector.shape_cast %reduce_min3A_527 : vector<512xf32> to vector<512x1xf32>
    %eq3A_529 = vector.broadcast %broadcast_in_dim3A_528 : vector<512x1xf32> to vector<512x2048xf32>
    %eq3A_530 = arith.cmpf oeq, %select_n3A_525, %eq3A_529 : vector<512x2048xf32>
    %jit3A_531 = arith.constant 2048 : i32
    %broadcast_in_dim3A_532 = vector.broadcast %jit3A_531 : i32 to vector<512x2048xi32>
    %select_n3A_533 = arith.select %eq3A_530, %iota3A, %broadcast_in_dim3A_532 : vector<512x2048xi1>, vector<512x2048xi32>
    %reduce_min3A_534 = arith.constant dense<2147483647> : vector<512xi32>
    %reduce_min3A_535 = vector.multi_reduction <minsi>, %select_n3A_533, %reduce_min3A_534 [1] : vector<512x2048xi32> to vector<512xi32>
    %broadcast_in_dim3A_536 = vector.shape_cast %reduce_min3A_535 : vector<512xi32> to vector<512x1xi32>
    %mul3A_537 = arith.constant 2048 : i32
    %mul3A_538 = arith.muli %arg0, %mul3A_537 : i32
    %add3A_539 = vector.broadcast %mul3A_538 : i32 to vector<512x1xi32>
    %add3A_540 = arith.addi %broadcast_in_dim3A_536, %add3A_539 : vector<512x1xi32>
    %swap3A_541 = arith.constant 0 : index
    %swap3A_542 = arith.constant 15 : index
    %swap3A_543 = arith.constant 0 : index
    %swap3A_544 = arith.constant 0 : index
    %swap3A_545 = vector.load %arg11[%swap3A_541, %swap3A_542, %swap3A_543, %swap3A_544] : memref<1x16x512x1xi32, #tpu.memory_space<vmem>>, vector<1x1x512x1xi32>
    %swap3A_546 = vector.shape_cast %swap3A_545 : vector<1x1x512x1xi32> to vector<512x1xi32>
    %swap3A_547 = vector.shape_cast %add3A_540 : vector<512x1xi32> to vector<1x1x512x1xi32>
    tpu.vector_store %arg11[%swap3A_541, %swap3A_542, %swap3A_543, %swap3A_544], %swap3A_547 {strides = array<i32>} : memref<1x16x512x1xi32, #tpu.memory_space<vmem>>, vector<1x1x512x1xi32>,
    %iota3A_548 = tpu.iota {dimensions = array<i32: 1>} : vector<512x128xi32>
    %eq3A_549 = arith.constant 0 : i32
    %eq3A_550 = vector.broadcast %eq3A_549 : i32 to vector<512x128xi32>
    %eq3A_551 = arith.cmpi eq, %iota3A_548, %eq3A_550 : vector<512x128xi32>
    %eq3A_552 = arith.constant 1 : i32
    %eq3A_553 = vector.broadcast %eq3A_552 : i32 to vector<512x128xi32>
    %eq3A_554 = arith.cmpi eq, %iota3A_548, %eq3A_553 : vector<512x128xi32>
    %eq3A_555 = arith.constant 2 : i32
    %eq3A_556 = vector.broadcast %eq3A_555 : i32 to vector<512x128xi32>
    %eq3A_557 = arith.cmpi eq, %iota3A_548, %eq3A_556 : vector<512x128xi32>
    %jit3A_558 = arith.constant 0.000000e+00 : f32
    %broadcast_in_dim3A_559 = vector.shape_cast %broadcast_in_dim3A_87 : vector<512x1xf32> to vector<512x1xf32>
    %broadcast_in_dim3A_560 = vector.broadcast %broadcast_in_dim3A_559 : vector<512x1xf32> to vector<512x128xf32>
    %broadcast_in_dim3A_561 = vector.broadcast %jit3A_558 : f32 to vector<512x128xf32>
    %select_n3A_562 = arith.select %eq3A_557, %broadcast_in_dim3A_560, %broadcast_in_dim3A_561 : vector<512x128xi1>, vector<512x128xf32>
    %broadcast_in_dim3A_563 = vector.shape_cast %broadcast_in_dim3A_79 : vector<512x1xf32> to vector<512x1xf32>
    %broadcast_in_dim3A_564 = vector.broadcast %broadcast_in_dim3A_563 : vector<512x1xf32> to vector<512x128xf32>
    %select_n3A_565 = arith.select %eq3A_554, %broadcast_in_dim3A_564, %select_n3A_562 : vector<512x128xi1>, vector<512x128xf32>
    %broadcast_in_dim3A_566 = vector.shape_cast %broadcast_in_dim3A_71 : vector<512x1xf32> to vector<512x1xf32>
    %broadcast_in_dim3A_567 = vector.broadcast %broadcast_in_dim3A_566 : vector<512x1xf32> to vector<512x128xf32>
    %select_n3A_568 = arith.select %eq3A_551, %broadcast_in_dim3A_567, %select_n3A_565 : vector<512x128xi1>, vector<512x128xf32>
    %swap3A_569 = arith.constant 0 : index
    %swap3A_570 = arith.constant 0 : index
    %swap3A_571 = arith.constant 0 : index
    %swap3A_572 = vector.load %arg8[%swap3A_569, %swap3A_570, %swap3A_571] : memref<1x512x128xf32, #tpu.memory_space<vmem>>, vector<1x512x128xf32>
    %swap3A_573 = vector.shape_cast %swap3A_572 : vector<1x512x128xf32> to vector<512x128xf32>
    %swap3A_574 = vector.shape_cast %select_n3A_568 : vector<512x128xf32> to vector<1x512x128xf32>
    tpu.vector_store %arg8[%swap3A_569, %swap3A_570, %swap3A_571], %swap3A_574 {strides = array<i32>} : memref<1x512x128xf32, #tpu.memory_space<vmem>>, vector<1x512x128xf32>,
    return
  }
  func.func @transform_0(%arg0: i32) -> (i32, i32, i32) {
    %c0_i32 = arith.constant 0 : i32
    %c0_i32_0 = arith.constant 0 : i32
    %c0_i32_1 = arith.constant 0 : i32
    return %arg0, %c0_i32, %c0_i32_0 : i32, i32, i32
  }
  func.func @transform_1(%arg0: i32) -> (i32, i32, i32) {
    %c0_i32 = arith.constant 0 : i32
    %c0_i32_0 = arith.constant 0 : i32
    %c0_i32_1 = arith.constant 0 : i32
    return %arg0, %c0_i32, %c0_i32_0 : i32, i32, i32
  }
  func.func @transform_2(%arg0: i32) -> (i32, i32, i32) {
    %c0_i32 = arith.constant 0 : i32
    %c0_i32_0 = arith.constant 0 : i32
    %c0_i32_1 = arith.constant 0 : i32
    return %arg0, %c0_i32, %c0_i32_0 : i32, i32, i32
  }
  func.func @transform_3(%arg0: i32) -> (i32, i32, i32) {
    %c0_i32 = arith.constant 0 : i32
    %c0_i32_0 = arith.constant 0 : i32
    %c0_i32_1 = arith.constant 0 : i32
    return %arg0, %c0_i32, %c0_i32_0 : i32, i32, i32
  }
  func.func @transform_4(%arg0: i32) -> (i32, i32) {
    %c0_i32 = arith.constant 0 : i32
    %c0_i32_0 = arith.constant 0 : i32
    %c0_i32_1 = arith.constant 0 : i32
    return %c0_i32, %c0_i32_0 : i32, i32
  }
  func.func @transform_5(%arg0: i32) -> (i32, i32) {
    %c0_i32 = arith.constant 0 : i32
    %c0_i32_0 = arith.constant 0 : i32
    %c0_i32_1 = arith.constant 0 : i32
    return %c0_i32, %c0_i32_0 : i32, i32
  }
  func.func @transform_6(%arg0: i32) -> (i32, i32) {
    %c0_i32 = arith.constant 0 : i32
    %c0_i32_0 = arith.constant 0 : i32
    %c0_i32_1 = arith.constant 0 : i32
    return %c0_i32, %c0_i32_0 : i32, i32
  }
  func.func @transform_7(%arg0: i32) -> (i32, i32, i32) {
    %c0_i32 = arith.constant 0 : i32
    %c0_i32_0 = arith.constant 0 : i32
    %c0_i32_1 = arith.constant 0 : i32
    return %arg0, %c0_i32, %c0_i32_0 : i32, i32, i32
  }
  func.func @transform_8(%arg0: i32) -> (i32, i32, i32) {
    %c0_i32 = arith.constant 0 : i32
    %c0_i32_0 = arith.constant 0 : i32
    %c0_i32_1 = arith.constant 0 : i32
    return %arg0, %c0_i32, %c0_i32_0 : i32, i32, i32
  }
  func.func @transform_9(%arg0: i32) -> (i32, i32, i32) {
    %c0_i32 = arith.constant 0 : i32
    %c0_i32_0 = arith.constant 0 : i32
    %c0_i32_1 = arith.constant 0 : i32
    return %arg0, %c0_i32, %c0_i32_0 : i32, i32, i32
  }
  func.func @transform_10(%arg0: i32) -> (i32, i32, i32, i32) {
    %c0_i32 = arith.constant 0 : i32
    %c0_i32_0 = arith.constant 0 : i32
    %c0_i32_1 = arith.constant 0 : i32
    %c0_i32_2 = arith.constant 0 : i32
    return %arg0, %c0_i32, %c0_i32_0, %c0_i32_1 : i32, i32, i32, i32
  }
}

module attributes {stable_mosaic.version = 14 : i64} {
  func.func @_mlp_kernel(%arg0: i32, %arg1: memref<1x16x512x256xf32, #tpu.memory_space<vmem>>, %arg2: memref<1x512x256xf32, #tpu.memory_space<vmem>>, %arg3: memref<256x256xbf16, #tpu.memory_space<vmem>>, %arg4: memref<256x256xbf16, #tpu.memory_space<vmem>>, %arg5: memref<1x256xf32, #tpu.memory_space<vmem>>, %arg6: memref<1x512x256xf32, #tpu.memory_space<vmem>>) attributes {dimension_semantics = [#tpu.dimension_semantics<parallel>], iteration_bounds = array<i64: 4>, scalar_prefetch = 0 : i64, scratch_operands = 0 : i64, tpu.core_type = #tpu.core_type<tc>, window_params = [{transform_indices = @transform_0, window_bounds = array<i64: 1, 16, 512, 256>}, {transform_indices = @transform_1, window_bounds = array<i64: 1, 512, 256>}, {pipeline_mode = #tpu.pipeline_mode<synchronous>, transform_indices = @transform_2, window_bounds = array<i64: 256, 256>}, {pipeline_mode = #tpu.pipeline_mode<synchronous>, transform_indices = @transform_3, window_bounds = array<i64: 256, 256>}, {pipeline_mode = #tpu.pipeline_mode<synchronous>, transform_indices = @transform_4, window_bounds = array<i64: 1, 256>}, {transform_indices = @transform_5, window_bounds = array<i64: 1, 512, 256>}]} {
    %get3A = arith.constant 0 : index
    %get3A_0 = arith.constant 0 : index
    %get3A_1 = arith.constant 0 : index
    %get3A_2 = vector.load %arg2[%get3A, %get3A_0, %get3A_1] : memref<1x512x256xf32, #tpu.memory_space<vmem>>, vector<1x512x256xf32>
    %get3A_3 = vector.shape_cast %get3A_2 : vector<1x512x256xf32> to vector<512x256xf32>
    %get3A_4 = arith.constant 0 : index
    %get3A_5 = arith.constant 0 : index
    %get3A_6 = vector.load %arg3[%get3A_4, %get3A_5] : memref<256x256xbf16, #tpu.memory_space<vmem>>, vector<256x256xbf16>
    %get3A_7 = arith.constant 0 : index
    %get3A_8 = arith.constant 0 : index
    %get3A_9 = vector.load %arg4[%get3A_7, %get3A_8] : memref<256x256xbf16, #tpu.memory_space<vmem>>, vector<256x256xbf16>
    %get3A_10 = arith.constant 0 : index
    %get3A_11 = arith.constant 0 : index
    %get3A_12 = vector.load %arg5[%get3A_10, %get3A_11] : memref<1x256xf32, #tpu.memory_space<vmem>>, vector<1x256xf32>
    %broadcast_in_dim3A = arith.constant 0xFF800000 : f32
    %broadcast_in_dim3A_13 = vector.broadcast %broadcast_in_dim3A : f32 to vector<512x256xf32>
    %get3A_14 = arith.constant 0 : index
    %get3A_15 = arith.constant 0 : index
    %get3A_16 = arith.constant 0 : index
    %get3A_17 = arith.constant 0 : index
    %get3A_18 = vector.load %arg1[%get3A_14, %get3A_15, %get3A_16, %get3A_17] : memref<1x16x512x256xf32, #tpu.memory_space<vmem>>, vector<1x1x512x256xf32>
    %get3A_19 = vector.shape_cast %get3A_18 : vector<1x1x512x256xf32> to vector<512x256xf32>
    %add3A = arith.addf %get3A_19, %get3A_3 : vector<512x256xf32>
    %max3A = arith.constant 0.000000e+00 : f32
    %max3A_20 = vector.broadcast %max3A : f32 to vector<512x256xf32>
    %max3A_21 = arith.maximumf %add3A, %max3A_20 : vector<512x256xf32>
    %convert_element_type3A = arith.truncf %max3A_21 : vector<512x256xf32> to vector<512x256xbf16>
    %convert_element_type3A_22 = arith.extf %convert_element_type3A : vector<512x256xbf16> to vector<512x256xf32>
    %sub3A = arith.subf %max3A_21, %convert_element_type3A_22 : vector<512x256xf32>
    %convert_element_type3A_23 = arith.truncf %sub3A : vector<512x256xf32> to vector<512x256xbf16>
    %dot_general3A = arith.constant dense<0.000000e+00> : vector<512x256xf32>
    %dot_general3A_24 = tpu.matmul %convert_element_type3A, %get3A_6, %dot_general3A {dimension_numbers = #tpu.dot_dimension_numbers<[1], [0], [0], [1], [0, 0, 1, 1], [], []>, transpose_lhs_hint = false} : vector<512x256xbf16>, vector<256x256xbf16>, vector<512x256xf32> -> vector<512x256xf32>
    %dot_general3A_25 = arith.constant dense<0.000000e+00> : vector<512x256xf32>
    %dot_general3A_26 = tpu.matmul %convert_element_type3A, %get3A_9, %dot_general3A_25 {dimension_numbers = #tpu.dot_dimension_numbers<[1], [0], [0], [1], [0, 0, 1, 1], [], []>, transpose_lhs_hint = false} : vector<512x256xbf16>, vector<256x256xbf16>, vector<512x256xf32> -> vector<512x256xf32>
    %add3A_27 = arith.addf %dot_general3A_24, %dot_general3A_26 : vector<512x256xf32>
    %dot_general3A_28 = arith.constant dense<0.000000e+00> : vector<512x256xf32>
    %dot_general3A_29 = tpu.matmul %convert_element_type3A_23, %get3A_6, %dot_general3A_28 {dimension_numbers = #tpu.dot_dimension_numbers<[1], [0], [0], [1], [0, 0, 1, 1], [], []>, transpose_lhs_hint = false} : vector<512x256xbf16>, vector<256x256xbf16>, vector<512x256xf32> -> vector<512x256xf32>
    %add3A_30 = arith.addf %add3A_27, %dot_general3A_29 : vector<512x256xf32>
    %add3A_31 = vector.broadcast %get3A_12 : vector<1x256xf32> to vector<512x256xf32>
    %add3A_32 = arith.addf %add3A_30, %add3A_31 : vector<512x256xf32>
    %max3A_33 = arith.maximumf %broadcast_in_dim3A_13, %add3A_32 : vector<512x256xf32>
    %get3A_34 = arith.constant 0 : index
    %get3A_35 = arith.constant 1 : index
    %get3A_36 = arith.constant 0 : index
    %get3A_37 = arith.constant 0 : index
    %get3A_38 = vector.load %arg1[%get3A_34, %get3A_35, %get3A_36, %get3A_37] : memref<1x16x512x256xf32, #tpu.memory_space<vmem>>, vector<1x1x512x256xf32>
    %get3A_39 = vector.shape_cast %get3A_38 : vector<1x1x512x256xf32> to vector<512x256xf32>
    %add3A_40 = arith.addf %get3A_39, %get3A_3 : vector<512x256xf32>
    %max3A_41 = arith.constant 0.000000e+00 : f32
    %max3A_42 = vector.broadcast %max3A_41 : f32 to vector<512x256xf32>
    %max3A_43 = arith.maximumf %add3A_40, %max3A_42 : vector<512x256xf32>
    %convert_element_type3A_44 = arith.truncf %max3A_43 : vector<512x256xf32> to vector<512x256xbf16>
    %convert_element_type3A_45 = arith.extf %convert_element_type3A_44 : vector<512x256xbf16> to vector<512x256xf32>
    %sub3A_46 = arith.subf %max3A_43, %convert_element_type3A_45 : vector<512x256xf32>
    %convert_element_type3A_47 = arith.truncf %sub3A_46 : vector<512x256xf32> to vector<512x256xbf16>
    %dot_general3A_48 = arith.constant dense<0.000000e+00> : vector<512x256xf32>
    %dot_general3A_49 = tpu.matmul %convert_element_type3A_44, %get3A_6, %dot_general3A_48 {dimension_numbers = #tpu.dot_dimension_numbers<[1], [0], [0], [1], [0, 0, 1, 1], [], []>, transpose_lhs_hint = false} : vector<512x256xbf16>, vector<256x256xbf16>, vector<512x256xf32> -> vector<512x256xf32>
    %dot_general3A_50 = arith.constant dense<0.000000e+00> : vector<512x256xf32>
    %dot_general3A_51 = tpu.matmul %convert_element_type3A_44, %get3A_9, %dot_general3A_50 {dimension_numbers = #tpu.dot_dimension_numbers<[1], [0], [0], [1], [0, 0, 1, 1], [], []>, transpose_lhs_hint = false} : vector<512x256xbf16>, vector<256x256xbf16>, vector<512x256xf32> -> vector<512x256xf32>
    %add3A_52 = arith.addf %dot_general3A_49, %dot_general3A_51 : vector<512x256xf32>
    %dot_general3A_53 = arith.constant dense<0.000000e+00> : vector<512x256xf32>
    %dot_general3A_54 = tpu.matmul %convert_element_type3A_47, %get3A_6, %dot_general3A_53 {dimension_numbers = #tpu.dot_dimension_numbers<[1], [0], [0], [1], [0, 0, 1, 1], [], []>, transpose_lhs_hint = false} : vector<512x256xbf16>, vector<256x256xbf16>, vector<512x256xf32> -> vector<512x256xf32>
    %add3A_55 = arith.addf %add3A_52, %dot_general3A_54 : vector<512x256xf32>
    %add3A_56 = vector.broadcast %get3A_12 : vector<1x256xf32> to vector<512x256xf32>
    %add3A_57 = arith.addf %add3A_55, %add3A_56 : vector<512x256xf32>
    %max3A_58 = arith.maximumf %max3A_33, %add3A_57 : vector<512x256xf32>
    %get3A_59 = arith.constant 0 : index
    %get3A_60 = arith.constant 2 : index
    %get3A_61 = arith.constant 0 : index
    %get3A_62 = arith.constant 0 : index
    %get3A_63 = vector.load %arg1[%get3A_59, %get3A_60, %get3A_61, %get3A_62] : memref<1x16x512x256xf32, #tpu.memory_space<vmem>>, vector<1x1x512x256xf32>
    %get3A_64 = vector.shape_cast %get3A_63 : vector<1x1x512x256xf32> to vector<512x256xf32>
    %add3A_65 = arith.addf %get3A_64, %get3A_3 : vector<512x256xf32>
    %max3A_66 = arith.constant 0.000000e+00 : f32
    %max3A_67 = vector.broadcast %max3A_66 : f32 to vector<512x256xf32>
    %max3A_68 = arith.maximumf %add3A_65, %max3A_67 : vector<512x256xf32>
    %convert_element_type3A_69 = arith.truncf %max3A_68 : vector<512x256xf32> to vector<512x256xbf16>
    %convert_element_type3A_70 = arith.extf %convert_element_type3A_69 : vector<512x256xbf16> to vector<512x256xf32>
    %sub3A_71 = arith.subf %max3A_68, %convert_element_type3A_70 : vector<512x256xf32>
    %convert_element_type3A_72 = arith.truncf %sub3A_71 : vector<512x256xf32> to vector<512x256xbf16>
    %dot_general3A_73 = arith.constant dense<0.000000e+00> : vector<512x256xf32>
    %dot_general3A_74 = tpu.matmul %convert_element_type3A_69, %get3A_6, %dot_general3A_73 {dimension_numbers = #tpu.dot_dimension_numbers<[1], [0], [0], [1], [0, 0, 1, 1], [], []>, transpose_lhs_hint = false} : vector<512x256xbf16>, vector<256x256xbf16>, vector<512x256xf32> -> vector<512x256xf32>
    %dot_general3A_75 = arith.constant dense<0.000000e+00> : vector<512x256xf32>
    %dot_general3A_76 = tpu.matmul %convert_element_type3A_69, %get3A_9, %dot_general3A_75 {dimension_numbers = #tpu.dot_dimension_numbers<[1], [0], [0], [1], [0, 0, 1, 1], [], []>, transpose_lhs_hint = false} : vector<512x256xbf16>, vector<256x256xbf16>, vector<512x256xf32> -> vector<512x256xf32>
    %add3A_77 = arith.addf %dot_general3A_74, %dot_general3A_76 : vector<512x256xf32>
    %dot_general3A_78 = arith.constant dense<0.000000e+00> : vector<512x256xf32>
    %dot_general3A_79 = tpu.matmul %convert_element_type3A_72, %get3A_6, %dot_general3A_78 {dimension_numbers = #tpu.dot_dimension_numbers<[1], [0], [0], [1], [0, 0, 1, 1], [], []>, transpose_lhs_hint = false} : vector<512x256xbf16>, vector<256x256xbf16>, vector<512x256xf32> -> vector<512x256xf32>
    %add3A_80 = arith.addf %add3A_77, %dot_general3A_79 : vector<512x256xf32>
    %add3A_81 = vector.broadcast %get3A_12 : vector<1x256xf32> to vector<512x256xf32>
    %add3A_82 = arith.addf %add3A_80, %add3A_81 : vector<512x256xf32>
    %max3A_83 = arith.maximumf %max3A_58, %add3A_82 : vector<512x256xf32>
    %get3A_84 = arith.constant 0 : index
    %get3A_85 = arith.constant 3 : index
    %get3A_86 = arith.constant 0 : index
    %get3A_87 = arith.constant 0 : index
    %get3A_88 = vector.load %arg1[%get3A_84, %get3A_85, %get3A_86, %get3A_87] : memref<1x16x512x256xf32, #tpu.memory_space<vmem>>, vector<1x1x512x256xf32>
    %get3A_89 = vector.shape_cast %get3A_88 : vector<1x1x512x256xf32> to vector<512x256xf32>
    %add3A_90 = arith.addf %get3A_89, %get3A_3 : vector<512x256xf32>
    %max3A_91 = arith.constant 0.000000e+00 : f32
    %max3A_92 = vector.broadcast %max3A_91 : f32 to vector<512x256xf32>
    %max3A_93 = arith.maximumf %add3A_90, %max3A_92 : vector<512x256xf32>
    %convert_element_type3A_94 = arith.truncf %max3A_93 : vector<512x256xf32> to vector<512x256xbf16>
    %convert_element_type3A_95 = arith.extf %convert_element_type3A_94 : vector<512x256xbf16> to vector<512x256xf32>
    %sub3A_96 = arith.subf %max3A_93, %convert_element_type3A_95 : vector<512x256xf32>
    %convert_element_type3A_97 = arith.truncf %sub3A_96 : vector<512x256xf32> to vector<512x256xbf16>
    %dot_general3A_98 = arith.constant dense<0.000000e+00> : vector<512x256xf32>
    %dot_general3A_99 = tpu.matmul %convert_element_type3A_94, %get3A_6, %dot_general3A_98 {dimension_numbers = #tpu.dot_dimension_numbers<[1], [0], [0], [1], [0, 0, 1, 1], [], []>, transpose_lhs_hint = false} : vector<512x256xbf16>, vector<256x256xbf16>, vector<512x256xf32> -> vector<512x256xf32>
    %dot_general3A_100 = arith.constant dense<0.000000e+00> : vector<512x256xf32>
    %dot_general3A_101 = tpu.matmul %convert_element_type3A_94, %get3A_9, %dot_general3A_100 {dimension_numbers = #tpu.dot_dimension_numbers<[1], [0], [0], [1], [0, 0, 1, 1], [], []>, transpose_lhs_hint = false} : vector<512x256xbf16>, vector<256x256xbf16>, vector<512x256xf32> -> vector<512x256xf32>
    %add3A_102 = arith.addf %dot_general3A_99, %dot_general3A_101 : vector<512x256xf32>
    %dot_general3A_103 = arith.constant dense<0.000000e+00> : vector<512x256xf32>
    %dot_general3A_104 = tpu.matmul %convert_element_type3A_97, %get3A_6, %dot_general3A_103 {dimension_numbers = #tpu.dot_dimension_numbers<[1], [0], [0], [1], [0, 0, 1, 1], [], []>, transpose_lhs_hint = false} : vector<512x256xbf16>, vector<256x256xbf16>, vector<512x256xf32> -> vector<512x256xf32>
    %add3A_105 = arith.addf %add3A_102, %dot_general3A_104 : vector<512x256xf32>
    %add3A_106 = vector.broadcast %get3A_12 : vector<1x256xf32> to vector<512x256xf32>
    %add3A_107 = arith.addf %add3A_105, %add3A_106 : vector<512x256xf32>
    %max3A_108 = arith.maximumf %max3A_83, %add3A_107 : vector<512x256xf32>
    %get3A_109 = arith.constant 0 : index
    %get3A_110 = arith.constant 4 : index
    %get3A_111 = arith.constant 0 : index
    %get3A_112 = arith.constant 0 : index
    %get3A_113 = vector.load %arg1[%get3A_109, %get3A_110, %get3A_111, %get3A_112] : memref<1x16x512x256xf32, #tpu.memory_space<vmem>>, vector<1x1x512x256xf32>
    %get3A_114 = vector.shape_cast %get3A_113 : vector<1x1x512x256xf32> to vector<512x256xf32>
    %add3A_115 = arith.addf %get3A_114, %get3A_3 : vector<512x256xf32>
    %max3A_116 = arith.constant 0.000000e+00 : f32
    %max3A_117 = vector.broadcast %max3A_116 : f32 to vector<512x256xf32>
    %max3A_118 = arith.maximumf %add3A_115, %max3A_117 : vector<512x256xf32>
    %convert_element_type3A_119 = arith.truncf %max3A_118 : vector<512x256xf32> to vector<512x256xbf16>
    %convert_element_type3A_120 = arith.extf %convert_element_type3A_119 : vector<512x256xbf16> to vector<512x256xf32>
    %sub3A_121 = arith.subf %max3A_118, %convert_element_type3A_120 : vector<512x256xf32>
    %convert_element_type3A_122 = arith.truncf %sub3A_121 : vector<512x256xf32> to vector<512x256xbf16>
    %dot_general3A_123 = arith.constant dense<0.000000e+00> : vector<512x256xf32>
    %dot_general3A_124 = tpu.matmul %convert_element_type3A_119, %get3A_6, %dot_general3A_123 {dimension_numbers = #tpu.dot_dimension_numbers<[1], [0], [0], [1], [0, 0, 1, 1], [], []>, transpose_lhs_hint = false} : vector<512x256xbf16>, vector<256x256xbf16>, vector<512x256xf32> -> vector<512x256xf32>
    %dot_general3A_125 = arith.constant dense<0.000000e+00> : vector<512x256xf32>
    %dot_general3A_126 = tpu.matmul %convert_element_type3A_119, %get3A_9, %dot_general3A_125 {dimension_numbers = #tpu.dot_dimension_numbers<[1], [0], [0], [1], [0, 0, 1, 1], [], []>, transpose_lhs_hint = false} : vector<512x256xbf16>, vector<256x256xbf16>, vector<512x256xf32> -> vector<512x256xf32>
    %add3A_127 = arith.addf %dot_general3A_124, %dot_general3A_126 : vector<512x256xf32>
    %dot_general3A_128 = arith.constant dense<0.000000e+00> : vector<512x256xf32>
    %dot_general3A_129 = tpu.matmul %convert_element_type3A_122, %get3A_6, %dot_general3A_128 {dimension_numbers = #tpu.dot_dimension_numbers<[1], [0], [0], [1], [0, 0, 1, 1], [], []>, transpose_lhs_hint = false} : vector<512x256xbf16>, vector<256x256xbf16>, vector<512x256xf32> -> vector<512x256xf32>
    %add3A_130 = arith.addf %add3A_127, %dot_general3A_129 : vector<512x256xf32>
    %add3A_131 = vector.broadcast %get3A_12 : vector<1x256xf32> to vector<512x256xf32>
    %add3A_132 = arith.addf %add3A_130, %add3A_131 : vector<512x256xf32>
    %max3A_133 = arith.maximumf %max3A_108, %add3A_132 : vector<512x256xf32>
    %get3A_134 = arith.constant 0 : index
    %get3A_135 = arith.constant 5 : index
    %get3A_136 = arith.constant 0 : index
    %get3A_137 = arith.constant 0 : index
    %get3A_138 = vector.load %arg1[%get3A_134, %get3A_135, %get3A_136, %get3A_137] : memref<1x16x512x256xf32, #tpu.memory_space<vmem>>, vector<1x1x512x256xf32>
    %get3A_139 = vector.shape_cast %get3A_138 : vector<1x1x512x256xf32> to vector<512x256xf32>
    %add3A_140 = arith.addf %get3A_139, %get3A_3 : vector<512x256xf32>
    %max3A_141 = arith.constant 0.000000e+00 : f32
    %max3A_142 = vector.broadcast %max3A_141 : f32 to vector<512x256xf32>
    %max3A_143 = arith.maximumf %add3A_140, %max3A_142 : vector<512x256xf32>
    %convert_element_type3A_144 = arith.truncf %max3A_143 : vector<512x256xf32> to vector<512x256xbf16>
    %convert_element_type3A_145 = arith.extf %convert_element_type3A_144 : vector<512x256xbf16> to vector<512x256xf32>
    %sub3A_146 = arith.subf %max3A_143, %convert_element_type3A_145 : vector<512x256xf32>
    %convert_element_type3A_147 = arith.truncf %sub3A_146 : vector<512x256xf32> to vector<512x256xbf16>
    %dot_general3A_148 = arith.constant dense<0.000000e+00> : vector<512x256xf32>
    %dot_general3A_149 = tpu.matmul %convert_element_type3A_144, %get3A_6, %dot_general3A_148 {dimension_numbers = #tpu.dot_dimension_numbers<[1], [0], [0], [1], [0, 0, 1, 1], [], []>, transpose_lhs_hint = false} : vector<512x256xbf16>, vector<256x256xbf16>, vector<512x256xf32> -> vector<512x256xf32>
    %dot_general3A_150 = arith.constant dense<0.000000e+00> : vector<512x256xf32>
    %dot_general3A_151 = tpu.matmul %convert_element_type3A_144, %get3A_9, %dot_general3A_150 {dimension_numbers = #tpu.dot_dimension_numbers<[1], [0], [0], [1], [0, 0, 1, 1], [], []>, transpose_lhs_hint = false} : vector<512x256xbf16>, vector<256x256xbf16>, vector<512x256xf32> -> vector<512x256xf32>
    %add3A_152 = arith.addf %dot_general3A_149, %dot_general3A_151 : vector<512x256xf32>
    %dot_general3A_153 = arith.constant dense<0.000000e+00> : vector<512x256xf32>
    %dot_general3A_154 = tpu.matmul %convert_element_type3A_147, %get3A_6, %dot_general3A_153 {dimension_numbers = #tpu.dot_dimension_numbers<[1], [0], [0], [1], [0, 0, 1, 1], [], []>, transpose_lhs_hint = false} : vector<512x256xbf16>, vector<256x256xbf16>, vector<512x256xf32> -> vector<512x256xf32>
    %add3A_155 = arith.addf %add3A_152, %dot_general3A_154 : vector<512x256xf32>
    %add3A_156 = vector.broadcast %get3A_12 : vector<1x256xf32> to vector<512x256xf32>
    %add3A_157 = arith.addf %add3A_155, %add3A_156 : vector<512x256xf32>
    %max3A_158 = arith.maximumf %max3A_133, %add3A_157 : vector<512x256xf32>
    %get3A_159 = arith.constant 0 : index
    %get3A_160 = arith.constant 6 : index
    %get3A_161 = arith.constant 0 : index
    %get3A_162 = arith.constant 0 : index
    %get3A_163 = vector.load %arg1[%get3A_159, %get3A_160, %get3A_161, %get3A_162] : memref<1x16x512x256xf32, #tpu.memory_space<vmem>>, vector<1x1x512x256xf32>
    %get3A_164 = vector.shape_cast %get3A_163 : vector<1x1x512x256xf32> to vector<512x256xf32>
    %add3A_165 = arith.addf %get3A_164, %get3A_3 : vector<512x256xf32>
    %max3A_166 = arith.constant 0.000000e+00 : f32
    %max3A_167 = vector.broadcast %max3A_166 : f32 to vector<512x256xf32>
    %max3A_168 = arith.maximumf %add3A_165, %max3A_167 : vector<512x256xf32>
    %convert_element_type3A_169 = arith.truncf %max3A_168 : vector<512x256xf32> to vector<512x256xbf16>
    %convert_element_type3A_170 = arith.extf %convert_element_type3A_169 : vector<512x256xbf16> to vector<512x256xf32>
    %sub3A_171 = arith.subf %max3A_168, %convert_element_type3A_170 : vector<512x256xf32>
    %convert_element_type3A_172 = arith.truncf %sub3A_171 : vector<512x256xf32> to vector<512x256xbf16>
    %dot_general3A_173 = arith.constant dense<0.000000e+00> : vector<512x256xf32>
    %dot_general3A_174 = tpu.matmul %convert_element_type3A_169, %get3A_6, %dot_general3A_173 {dimension_numbers = #tpu.dot_dimension_numbers<[1], [0], [0], [1], [0, 0, 1, 1], [], []>, transpose_lhs_hint = false} : vector<512x256xbf16>, vector<256x256xbf16>, vector<512x256xf32> -> vector<512x256xf32>
    %dot_general3A_175 = arith.constant dense<0.000000e+00> : vector<512x256xf32>
    %dot_general3A_176 = tpu.matmul %convert_element_type3A_169, %get3A_9, %dot_general3A_175 {dimension_numbers = #tpu.dot_dimension_numbers<[1], [0], [0], [1], [0, 0, 1, 1], [], []>, transpose_lhs_hint = false} : vector<512x256xbf16>, vector<256x256xbf16>, vector<512x256xf32> -> vector<512x256xf32>
    %add3A_177 = arith.addf %dot_general3A_174, %dot_general3A_176 : vector<512x256xf32>
    %dot_general3A_178 = arith.constant dense<0.000000e+00> : vector<512x256xf32>
    %dot_general3A_179 = tpu.matmul %convert_element_type3A_172, %get3A_6, %dot_general3A_178 {dimension_numbers = #tpu.dot_dimension_numbers<[1], [0], [0], [1], [0, 0, 1, 1], [], []>, transpose_lhs_hint = false} : vector<512x256xbf16>, vector<256x256xbf16>, vector<512x256xf32> -> vector<512x256xf32>
    %add3A_180 = arith.addf %add3A_177, %dot_general3A_179 : vector<512x256xf32>
    %add3A_181 = vector.broadcast %get3A_12 : vector<1x256xf32> to vector<512x256xf32>
    %add3A_182 = arith.addf %add3A_180, %add3A_181 : vector<512x256xf32>
    %max3A_183 = arith.maximumf %max3A_158, %add3A_182 : vector<512x256xf32>
    %get3A_184 = arith.constant 0 : index
    %get3A_185 = arith.constant 7 : index
    %get3A_186 = arith.constant 0 : index
    %get3A_187 = arith.constant 0 : index
    %get3A_188 = vector.load %arg1[%get3A_184, %get3A_185, %get3A_186, %get3A_187] : memref<1x16x512x256xf32, #tpu.memory_space<vmem>>, vector<1x1x512x256xf32>
    %get3A_189 = vector.shape_cast %get3A_188 : vector<1x1x512x256xf32> to vector<512x256xf32>
    %add3A_190 = arith.addf %get3A_189, %get3A_3 : vector<512x256xf32>
    %max3A_191 = arith.constant 0.000000e+00 : f32
    %max3A_192 = vector.broadcast %max3A_191 : f32 to vector<512x256xf32>
    %max3A_193 = arith.maximumf %add3A_190, %max3A_192 : vector<512x256xf32>
    %convert_element_type3A_194 = arith.truncf %max3A_193 : vector<512x256xf32> to vector<512x256xbf16>
    %convert_element_type3A_195 = arith.extf %convert_element_type3A_194 : vector<512x256xbf16> to vector<512x256xf32>
    %sub3A_196 = arith.subf %max3A_193, %convert_element_type3A_195 : vector<512x256xf32>
    %convert_element_type3A_197 = arith.truncf %sub3A_196 : vector<512x256xf32> to vector<512x256xbf16>
    %dot_general3A_198 = arith.constant dense<0.000000e+00> : vector<512x256xf32>
    %dot_general3A_199 = tpu.matmul %convert_element_type3A_194, %get3A_6, %dot_general3A_198 {dimension_numbers = #tpu.dot_dimension_numbers<[1], [0], [0], [1], [0, 0, 1, 1], [], []>, transpose_lhs_hint = false} : vector<512x256xbf16>, vector<256x256xbf16>, vector<512x256xf32> -> vector<512x256xf32>
    %dot_general3A_200 = arith.constant dense<0.000000e+00> : vector<512x256xf32>
    %dot_general3A_201 = tpu.matmul %convert_element_type3A_194, %get3A_9, %dot_general3A_200 {dimension_numbers = #tpu.dot_dimension_numbers<[1], [0], [0], [1], [0, 0, 1, 1], [], []>, transpose_lhs_hint = false} : vector<512x256xbf16>, vector<256x256xbf16>, vector<512x256xf32> -> vector<512x256xf32>
    %add3A_202 = arith.addf %dot_general3A_199, %dot_general3A_201 : vector<512x256xf32>
    %dot_general3A_203 = arith.constant dense<0.000000e+00> : vector<512x256xf32>
    %dot_general3A_204 = tpu.matmul %convert_element_type3A_197, %get3A_6, %dot_general3A_203 {dimension_numbers = #tpu.dot_dimension_numbers<[1], [0], [0], [1], [0, 0, 1, 1], [], []>, transpose_lhs_hint = false} : vector<512x256xbf16>, vector<256x256xbf16>, vector<512x256xf32> -> vector<512x256xf32>
    %add3A_205 = arith.addf %add3A_202, %dot_general3A_204 : vector<512x256xf32>
    %add3A_206 = vector.broadcast %get3A_12 : vector<1x256xf32> to vector<512x256xf32>
    %add3A_207 = arith.addf %add3A_205, %add3A_206 : vector<512x256xf32>
    %max3A_208 = arith.maximumf %max3A_183, %add3A_207 : vector<512x256xf32>
    %get3A_209 = arith.constant 0 : index
    %get3A_210 = arith.constant 8 : index
    %get3A_211 = arith.constant 0 : index
    %get3A_212 = arith.constant 0 : index
    %get3A_213 = vector.load %arg1[%get3A_209, %get3A_210, %get3A_211, %get3A_212] : memref<1x16x512x256xf32, #tpu.memory_space<vmem>>, vector<1x1x512x256xf32>
    %get3A_214 = vector.shape_cast %get3A_213 : vector<1x1x512x256xf32> to vector<512x256xf32>
    %add3A_215 = arith.addf %get3A_214, %get3A_3 : vector<512x256xf32>
    %max3A_216 = arith.constant 0.000000e+00 : f32
    %max3A_217 = vector.broadcast %max3A_216 : f32 to vector<512x256xf32>
    %max3A_218 = arith.maximumf %add3A_215, %max3A_217 : vector<512x256xf32>
    %convert_element_type3A_219 = arith.truncf %max3A_218 : vector<512x256xf32> to vector<512x256xbf16>
    %convert_element_type3A_220 = arith.extf %convert_element_type3A_219 : vector<512x256xbf16> to vector<512x256xf32>
    %sub3A_221 = arith.subf %max3A_218, %convert_element_type3A_220 : vector<512x256xf32>
    %convert_element_type3A_222 = arith.truncf %sub3A_221 : vector<512x256xf32> to vector<512x256xbf16>
    %dot_general3A_223 = arith.constant dense<0.000000e+00> : vector<512x256xf32>
    %dot_general3A_224 = tpu.matmul %convert_element_type3A_219, %get3A_6, %dot_general3A_223 {dimension_numbers = #tpu.dot_dimension_numbers<[1], [0], [0], [1], [0, 0, 1, 1], [], []>, transpose_lhs_hint = false} : vector<512x256xbf16>, vector<256x256xbf16>, vector<512x256xf32> -> vector<512x256xf32>
    %dot_general3A_225 = arith.constant dense<0.000000e+00> : vector<512x256xf32>
    %dot_general3A_226 = tpu.matmul %convert_element_type3A_219, %get3A_9, %dot_general3A_225 {dimension_numbers = #tpu.dot_dimension_numbers<[1], [0], [0], [1], [0, 0, 1, 1], [], []>, transpose_lhs_hint = false} : vector<512x256xbf16>, vector<256x256xbf16>, vector<512x256xf32> -> vector<512x256xf32>
    %add3A_227 = arith.addf %dot_general3A_224, %dot_general3A_226 : vector<512x256xf32>
    %dot_general3A_228 = arith.constant dense<0.000000e+00> : vector<512x256xf32>
    %dot_general3A_229 = tpu.matmul %convert_element_type3A_222, %get3A_6, %dot_general3A_228 {dimension_numbers = #tpu.dot_dimension_numbers<[1], [0], [0], [1], [0, 0, 1, 1], [], []>, transpose_lhs_hint = false} : vector<512x256xbf16>, vector<256x256xbf16>, vector<512x256xf32> -> vector<512x256xf32>
    %add3A_230 = arith.addf %add3A_227, %dot_general3A_229 : vector<512x256xf32>
    %add3A_231 = vector.broadcast %get3A_12 : vector<1x256xf32> to vector<512x256xf32>
    %add3A_232 = arith.addf %add3A_230, %add3A_231 : vector<512x256xf32>
    %max3A_233 = arith.maximumf %max3A_208, %add3A_232 : vector<512x256xf32>
    %get3A_234 = arith.constant 0 : index
    %get3A_235 = arith.constant 9 : index
    %get3A_236 = arith.constant 0 : index
    %get3A_237 = arith.constant 0 : index
    %get3A_238 = vector.load %arg1[%get3A_234, %get3A_235, %get3A_236, %get3A_237] : memref<1x16x512x256xf32, #tpu.memory_space<vmem>>, vector<1x1x512x256xf32>
    %get3A_239 = vector.shape_cast %get3A_238 : vector<1x1x512x256xf32> to vector<512x256xf32>
    %add3A_240 = arith.addf %get3A_239, %get3A_3 : vector<512x256xf32>
    %max3A_241 = arith.constant 0.000000e+00 : f32
    %max3A_242 = vector.broadcast %max3A_241 : f32 to vector<512x256xf32>
    %max3A_243 = arith.maximumf %add3A_240, %max3A_242 : vector<512x256xf32>
    %convert_element_type3A_244 = arith.truncf %max3A_243 : vector<512x256xf32> to vector<512x256xbf16>
    %convert_element_type3A_245 = arith.extf %convert_element_type3A_244 : vector<512x256xbf16> to vector<512x256xf32>
    %sub3A_246 = arith.subf %max3A_243, %convert_element_type3A_245 : vector<512x256xf32>
    %convert_element_type3A_247 = arith.truncf %sub3A_246 : vector<512x256xf32> to vector<512x256xbf16>
    %dot_general3A_248 = arith.constant dense<0.000000e+00> : vector<512x256xf32>
    %dot_general3A_249 = tpu.matmul %convert_element_type3A_244, %get3A_6, %dot_general3A_248 {dimension_numbers = #tpu.dot_dimension_numbers<[1], [0], [0], [1], [0, 0, 1, 1], [], []>, transpose_lhs_hint = false} : vector<512x256xbf16>, vector<256x256xbf16>, vector<512x256xf32> -> vector<512x256xf32>
    %dot_general3A_250 = arith.constant dense<0.000000e+00> : vector<512x256xf32>
    %dot_general3A_251 = tpu.matmul %convert_element_type3A_244, %get3A_9, %dot_general3A_250 {dimension_numbers = #tpu.dot_dimension_numbers<[1], [0], [0], [1], [0, 0, 1, 1], [], []>, transpose_lhs_hint = false} : vector<512x256xbf16>, vector<256x256xbf16>, vector<512x256xf32> -> vector<512x256xf32>
    %add3A_252 = arith.addf %dot_general3A_249, %dot_general3A_251 : vector<512x256xf32>
    %dot_general3A_253 = arith.constant dense<0.000000e+00> : vector<512x256xf32>
    %dot_general3A_254 = tpu.matmul %convert_element_type3A_247, %get3A_6, %dot_general3A_253 {dimension_numbers = #tpu.dot_dimension_numbers<[1], [0], [0], [1], [0, 0, 1, 1], [], []>, transpose_lhs_hint = false} : vector<512x256xbf16>, vector<256x256xbf16>, vector<512x256xf32> -> vector<512x256xf32>
    %add3A_255 = arith.addf %add3A_252, %dot_general3A_254 : vector<512x256xf32>
    %add3A_256 = vector.broadcast %get3A_12 : vector<1x256xf32> to vector<512x256xf32>
    %add3A_257 = arith.addf %add3A_255, %add3A_256 : vector<512x256xf32>
    %max3A_258 = arith.maximumf %max3A_233, %add3A_257 : vector<512x256xf32>
    %get3A_259 = arith.constant 0 : index
    %get3A_260 = arith.constant 10 : index
    %get3A_261 = arith.constant 0 : index
    %get3A_262 = arith.constant 0 : index
    %get3A_263 = vector.load %arg1[%get3A_259, %get3A_260, %get3A_261, %get3A_262] : memref<1x16x512x256xf32, #tpu.memory_space<vmem>>, vector<1x1x512x256xf32>
    %get3A_264 = vector.shape_cast %get3A_263 : vector<1x1x512x256xf32> to vector<512x256xf32>
    %add3A_265 = arith.addf %get3A_264, %get3A_3 : vector<512x256xf32>
    %max3A_266 = arith.constant 0.000000e+00 : f32
    %max3A_267 = vector.broadcast %max3A_266 : f32 to vector<512x256xf32>
    %max3A_268 = arith.maximumf %add3A_265, %max3A_267 : vector<512x256xf32>
    %convert_element_type3A_269 = arith.truncf %max3A_268 : vector<512x256xf32> to vector<512x256xbf16>
    %convert_element_type3A_270 = arith.extf %convert_element_type3A_269 : vector<512x256xbf16> to vector<512x256xf32>
    %sub3A_271 = arith.subf %max3A_268, %convert_element_type3A_270 : vector<512x256xf32>
    %convert_element_type3A_272 = arith.truncf %sub3A_271 : vector<512x256xf32> to vector<512x256xbf16>
    %dot_general3A_273 = arith.constant dense<0.000000e+00> : vector<512x256xf32>
    %dot_general3A_274 = tpu.matmul %convert_element_type3A_269, %get3A_6, %dot_general3A_273 {dimension_numbers = #tpu.dot_dimension_numbers<[1], [0], [0], [1], [0, 0, 1, 1], [], []>, transpose_lhs_hint = false} : vector<512x256xbf16>, vector<256x256xbf16>, vector<512x256xf32> -> vector<512x256xf32>
    %dot_general3A_275 = arith.constant dense<0.000000e+00> : vector<512x256xf32>
    %dot_general3A_276 = tpu.matmul %convert_element_type3A_269, %get3A_9, %dot_general3A_275 {dimension_numbers = #tpu.dot_dimension_numbers<[1], [0], [0], [1], [0, 0, 1, 1], [], []>, transpose_lhs_hint = false} : vector<512x256xbf16>, vector<256x256xbf16>, vector<512x256xf32> -> vector<512x256xf32>
    %add3A_277 = arith.addf %dot_general3A_274, %dot_general3A_276 : vector<512x256xf32>
    %dot_general3A_278 = arith.constant dense<0.000000e+00> : vector<512x256xf32>
    %dot_general3A_279 = tpu.matmul %convert_element_type3A_272, %get3A_6, %dot_general3A_278 {dimension_numbers = #tpu.dot_dimension_numbers<[1], [0], [0], [1], [0, 0, 1, 1], [], []>, transpose_lhs_hint = false} : vector<512x256xbf16>, vector<256x256xbf16>, vector<512x256xf32> -> vector<512x256xf32>
    %add3A_280 = arith.addf %add3A_277, %dot_general3A_279 : vector<512x256xf32>
    %add3A_281 = vector.broadcast %get3A_12 : vector<1x256xf32> to vector<512x256xf32>
    %add3A_282 = arith.addf %add3A_280, %add3A_281 : vector<512x256xf32>
    %max3A_283 = arith.maximumf %max3A_258, %add3A_282 : vector<512x256xf32>
    %get3A_284 = arith.constant 0 : index
    %get3A_285 = arith.constant 11 : index
    %get3A_286 = arith.constant 0 : index
    %get3A_287 = arith.constant 0 : index
    %get3A_288 = vector.load %arg1[%get3A_284, %get3A_285, %get3A_286, %get3A_287] : memref<1x16x512x256xf32, #tpu.memory_space<vmem>>, vector<1x1x512x256xf32>
    %get3A_289 = vector.shape_cast %get3A_288 : vector<1x1x512x256xf32> to vector<512x256xf32>
    %add3A_290 = arith.addf %get3A_289, %get3A_3 : vector<512x256xf32>
    %max3A_291 = arith.constant 0.000000e+00 : f32
    %max3A_292 = vector.broadcast %max3A_291 : f32 to vector<512x256xf32>
    %max3A_293 = arith.maximumf %add3A_290, %max3A_292 : vector<512x256xf32>
    %convert_element_type3A_294 = arith.truncf %max3A_293 : vector<512x256xf32> to vector<512x256xbf16>
    %convert_element_type3A_295 = arith.extf %convert_element_type3A_294 : vector<512x256xbf16> to vector<512x256xf32>
    %sub3A_296 = arith.subf %max3A_293, %convert_element_type3A_295 : vector<512x256xf32>
    %convert_element_type3A_297 = arith.truncf %sub3A_296 : vector<512x256xf32> to vector<512x256xbf16>
    %dot_general3A_298 = arith.constant dense<0.000000e+00> : vector<512x256xf32>
    %dot_general3A_299 = tpu.matmul %convert_element_type3A_294, %get3A_6, %dot_general3A_298 {dimension_numbers = #tpu.dot_dimension_numbers<[1], [0], [0], [1], [0, 0, 1, 1], [], []>, transpose_lhs_hint = false} : vector<512x256xbf16>, vector<256x256xbf16>, vector<512x256xf32> -> vector<512x256xf32>
    %dot_general3A_300 = arith.constant dense<0.000000e+00> : vector<512x256xf32>
    %dot_general3A_301 = tpu.matmul %convert_element_type3A_294, %get3A_9, %dot_general3A_300 {dimension_numbers = #tpu.dot_dimension_numbers<[1], [0], [0], [1], [0, 0, 1, 1], [], []>, transpose_lhs_hint = false} : vector<512x256xbf16>, vector<256x256xbf16>, vector<512x256xf32> -> vector<512x256xf32>
    %add3A_302 = arith.addf %dot_general3A_299, %dot_general3A_301 : vector<512x256xf32>
    %dot_general3A_303 = arith.constant dense<0.000000e+00> : vector<512x256xf32>
    %dot_general3A_304 = tpu.matmul %convert_element_type3A_297, %get3A_6, %dot_general3A_303 {dimension_numbers = #tpu.dot_dimension_numbers<[1], [0], [0], [1], [0, 0, 1, 1], [], []>, transpose_lhs_hint = false} : vector<512x256xbf16>, vector<256x256xbf16>, vector<512x256xf32> -> vector<512x256xf32>
    %add3A_305 = arith.addf %add3A_302, %dot_general3A_304 : vector<512x256xf32>
    %add3A_306 = vector.broadcast %get3A_12 : vector<1x256xf32> to vector<512x256xf32>
    %add3A_307 = arith.addf %add3A_305, %add3A_306 : vector<512x256xf32>
    %max3A_308 = arith.maximumf %max3A_283, %add3A_307 : vector<512x256xf32>
    %get3A_309 = arith.constant 0 : index
    %get3A_310 = arith.constant 12 : index
    %get3A_311 = arith.constant 0 : index
    %get3A_312 = arith.constant 0 : index
    %get3A_313 = vector.load %arg1[%get3A_309, %get3A_310, %get3A_311, %get3A_312] : memref<1x16x512x256xf32, #tpu.memory_space<vmem>>, vector<1x1x512x256xf32>
    %get3A_314 = vector.shape_cast %get3A_313 : vector<1x1x512x256xf32> to vector<512x256xf32>
    %add3A_315 = arith.addf %get3A_314, %get3A_3 : vector<512x256xf32>
    %max3A_316 = arith.constant 0.000000e+00 : f32
    %max3A_317 = vector.broadcast %max3A_316 : f32 to vector<512x256xf32>
    %max3A_318 = arith.maximumf %add3A_315, %max3A_317 : vector<512x256xf32>
    %convert_element_type3A_319 = arith.truncf %max3A_318 : vector<512x256xf32> to vector<512x256xbf16>
    %convert_element_type3A_320 = arith.extf %convert_element_type3A_319 : vector<512x256xbf16> to vector<512x256xf32>
    %sub3A_321 = arith.subf %max3A_318, %convert_element_type3A_320 : vector<512x256xf32>
    %convert_element_type3A_322 = arith.truncf %sub3A_321 : vector<512x256xf32> to vector<512x256xbf16>
    %dot_general3A_323 = arith.constant dense<0.000000e+00> : vector<512x256xf32>
    %dot_general3A_324 = tpu.matmul %convert_element_type3A_319, %get3A_6, %dot_general3A_323 {dimension_numbers = #tpu.dot_dimension_numbers<[1], [0], [0], [1], [0, 0, 1, 1], [], []>, transpose_lhs_hint = false} : vector<512x256xbf16>, vector<256x256xbf16>, vector<512x256xf32> -> vector<512x256xf32>
    %dot_general3A_325 = arith.constant dense<0.000000e+00> : vector<512x256xf32>
    %dot_general3A_326 = tpu.matmul %convert_element_type3A_319, %get3A_9, %dot_general3A_325 {dimension_numbers = #tpu.dot_dimension_numbers<[1], [0], [0], [1], [0, 0, 1, 1], [], []>, transpose_lhs_hint = false} : vector<512x256xbf16>, vector<256x256xbf16>, vector<512x256xf32> -> vector<512x256xf32>
    %add3A_327 = arith.addf %dot_general3A_324, %dot_general3A_326 : vector<512x256xf32>
    %dot_general3A_328 = arith.constant dense<0.000000e+00> : vector<512x256xf32>
    %dot_general3A_329 = tpu.matmul %convert_element_type3A_322, %get3A_6, %dot_general3A_328 {dimension_numbers = #tpu.dot_dimension_numbers<[1], [0], [0], [1], [0, 0, 1, 1], [], []>, transpose_lhs_hint = false} : vector<512x256xbf16>, vector<256x256xbf16>, vector<512x256xf32> -> vector<512x256xf32>
    %add3A_330 = arith.addf %add3A_327, %dot_general3A_329 : vector<512x256xf32>
    %add3A_331 = vector.broadcast %get3A_12 : vector<1x256xf32> to vector<512x256xf32>
    %add3A_332 = arith.addf %add3A_330, %add3A_331 : vector<512x256xf32>
    %max3A_333 = arith.maximumf %max3A_308, %add3A_332 : vector<512x256xf32>
    %get3A_334 = arith.constant 0 : index
    %get3A_335 = arith.constant 13 : index
    %get3A_336 = arith.constant 0 : index
    %get3A_337 = arith.constant 0 : index
    %get3A_338 = vector.load %arg1[%get3A_334, %get3A_335, %get3A_336, %get3A_337] : memref<1x16x512x256xf32, #tpu.memory_space<vmem>>, vector<1x1x512x256xf32>
    %get3A_339 = vector.shape_cast %get3A_338 : vector<1x1x512x256xf32> to vector<512x256xf32>
    %add3A_340 = arith.addf %get3A_339, %get3A_3 : vector<512x256xf32>
    %max3A_341 = arith.constant 0.000000e+00 : f32
    %max3A_342 = vector.broadcast %max3A_341 : f32 to vector<512x256xf32>
    %max3A_343 = arith.maximumf %add3A_340, %max3A_342 : vector<512x256xf32>
    %convert_element_type3A_344 = arith.truncf %max3A_343 : vector<512x256xf32> to vector<512x256xbf16>
    %convert_element_type3A_345 = arith.extf %convert_element_type3A_344 : vector<512x256xbf16> to vector<512x256xf32>
    %sub3A_346 = arith.subf %max3A_343, %convert_element_type3A_345 : vector<512x256xf32>
    %convert_element_type3A_347 = arith.truncf %sub3A_346 : vector<512x256xf32> to vector<512x256xbf16>
    %dot_general3A_348 = arith.constant dense<0.000000e+00> : vector<512x256xf32>
    %dot_general3A_349 = tpu.matmul %convert_element_type3A_344, %get3A_6, %dot_general3A_348 {dimension_numbers = #tpu.dot_dimension_numbers<[1], [0], [0], [1], [0, 0, 1, 1], [], []>, transpose_lhs_hint = false} : vector<512x256xbf16>, vector<256x256xbf16>, vector<512x256xf32> -> vector<512x256xf32>
    %dot_general3A_350 = arith.constant dense<0.000000e+00> : vector<512x256xf32>
    %dot_general3A_351 = tpu.matmul %convert_element_type3A_344, %get3A_9, %dot_general3A_350 {dimension_numbers = #tpu.dot_dimension_numbers<[1], [0], [0], [1], [0, 0, 1, 1], [], []>, transpose_lhs_hint = false} : vector<512x256xbf16>, vector<256x256xbf16>, vector<512x256xf32> -> vector<512x256xf32>
    %add3A_352 = arith.addf %dot_general3A_349, %dot_general3A_351 : vector<512x256xf32>
    %dot_general3A_353 = arith.constant dense<0.000000e+00> : vector<512x256xf32>
    %dot_general3A_354 = tpu.matmul %convert_element_type3A_347, %get3A_6, %dot_general3A_353 {dimension_numbers = #tpu.dot_dimension_numbers<[1], [0], [0], [1], [0, 0, 1, 1], [], []>, transpose_lhs_hint = false} : vector<512x256xbf16>, vector<256x256xbf16>, vector<512x256xf32> -> vector<512x256xf32>
    %add3A_355 = arith.addf %add3A_352, %dot_general3A_354 : vector<512x256xf32>
    %add3A_356 = vector.broadcast %get3A_12 : vector<1x256xf32> to vector<512x256xf32>
    %add3A_357 = arith.addf %add3A_355, %add3A_356 : vector<512x256xf32>
    %max3A_358 = arith.maximumf %max3A_333, %add3A_357 : vector<512x256xf32>
    %get3A_359 = arith.constant 0 : index
    %get3A_360 = arith.constant 14 : index
    %get3A_361 = arith.constant 0 : index
    %get3A_362 = arith.constant 0 : index
    %get3A_363 = vector.load %arg1[%get3A_359, %get3A_360, %get3A_361, %get3A_362] : memref<1x16x512x256xf32, #tpu.memory_space<vmem>>, vector<1x1x512x256xf32>
    %get3A_364 = vector.shape_cast %get3A_363 : vector<1x1x512x256xf32> to vector<512x256xf32>
    %add3A_365 = arith.addf %get3A_364, %get3A_3 : vector<512x256xf32>
    %max3A_366 = arith.constant 0.000000e+00 : f32
    %max3A_367 = vector.broadcast %max3A_366 : f32 to vector<512x256xf32>
    %max3A_368 = arith.maximumf %add3A_365, %max3A_367 : vector<512x256xf32>
    %convert_element_type3A_369 = arith.truncf %max3A_368 : vector<512x256xf32> to vector<512x256xbf16>
    %convert_element_type3A_370 = arith.extf %convert_element_type3A_369 : vector<512x256xbf16> to vector<512x256xf32>
    %sub3A_371 = arith.subf %max3A_368, %convert_element_type3A_370 : vector<512x256xf32>
    %convert_element_type3A_372 = arith.truncf %sub3A_371 : vector<512x256xf32> to vector<512x256xbf16>
    %dot_general3A_373 = arith.constant dense<0.000000e+00> : vector<512x256xf32>
    %dot_general3A_374 = tpu.matmul %convert_element_type3A_369, %get3A_6, %dot_general3A_373 {dimension_numbers = #tpu.dot_dimension_numbers<[1], [0], [0], [1], [0, 0, 1, 1], [], []>, transpose_lhs_hint = false} : vector<512x256xbf16>, vector<256x256xbf16>, vector<512x256xf32> -> vector<512x256xf32>
    %dot_general3A_375 = arith.constant dense<0.000000e+00> : vector<512x256xf32>
    %dot_general3A_376 = tpu.matmul %convert_element_type3A_369, %get3A_9, %dot_general3A_375 {dimension_numbers = #tpu.dot_dimension_numbers<[1], [0], [0], [1], [0, 0, 1, 1], [], []>, transpose_lhs_hint = false} : vector<512x256xbf16>, vector<256x256xbf16>, vector<512x256xf32> -> vector<512x256xf32>
    %add3A_377 = arith.addf %dot_general3A_374, %dot_general3A_376 : vector<512x256xf32>
    %dot_general3A_378 = arith.constant dense<0.000000e+00> : vector<512x256xf32>
    %dot_general3A_379 = tpu.matmul %convert_element_type3A_372, %get3A_6, %dot_general3A_378 {dimension_numbers = #tpu.dot_dimension_numbers<[1], [0], [0], [1], [0, 0, 1, 1], [], []>, transpose_lhs_hint = false} : vector<512x256xbf16>, vector<256x256xbf16>, vector<512x256xf32> -> vector<512x256xf32>
    %add3A_380 = arith.addf %add3A_377, %dot_general3A_379 : vector<512x256xf32>
    %add3A_381 = vector.broadcast %get3A_12 : vector<1x256xf32> to vector<512x256xf32>
    %add3A_382 = arith.addf %add3A_380, %add3A_381 : vector<512x256xf32>
    %max3A_383 = arith.maximumf %max3A_358, %add3A_382 : vector<512x256xf32>
    %get3A_384 = arith.constant 0 : index
    %get3A_385 = arith.constant 15 : index
    %get3A_386 = arith.constant 0 : index
    %get3A_387 = arith.constant 0 : index
    %get3A_388 = vector.load %arg1[%get3A_384, %get3A_385, %get3A_386, %get3A_387] : memref<1x16x512x256xf32, #tpu.memory_space<vmem>>, vector<1x1x512x256xf32>
    %get3A_389 = vector.shape_cast %get3A_388 : vector<1x1x512x256xf32> to vector<512x256xf32>
    %add3A_390 = arith.addf %get3A_389, %get3A_3 : vector<512x256xf32>
    %max3A_391 = arith.constant 0.000000e+00 : f32
    %max3A_392 = vector.broadcast %max3A_391 : f32 to vector<512x256xf32>
    %max3A_393 = arith.maximumf %add3A_390, %max3A_392 : vector<512x256xf32>
    %convert_element_type3A_394 = arith.truncf %max3A_393 : vector<512x256xf32> to vector<512x256xbf16>
    %convert_element_type3A_395 = arith.extf %convert_element_type3A_394 : vector<512x256xbf16> to vector<512x256xf32>
    %sub3A_396 = arith.subf %max3A_393, %convert_element_type3A_395 : vector<512x256xf32>
    %convert_element_type3A_397 = arith.truncf %sub3A_396 : vector<512x256xf32> to vector<512x256xbf16>
    %dot_general3A_398 = arith.constant dense<0.000000e+00> : vector<512x256xf32>
    %dot_general3A_399 = tpu.matmul %convert_element_type3A_394, %get3A_6, %dot_general3A_398 {dimension_numbers = #tpu.dot_dimension_numbers<[1], [0], [0], [1], [0, 0, 1, 1], [], []>, transpose_lhs_hint = false} : vector<512x256xbf16>, vector<256x256xbf16>, vector<512x256xf32> -> vector<512x256xf32>
    %dot_general3A_400 = arith.constant dense<0.000000e+00> : vector<512x256xf32>
    %dot_general3A_401 = tpu.matmul %convert_element_type3A_394, %get3A_9, %dot_general3A_400 {dimension_numbers = #tpu.dot_dimension_numbers<[1], [0], [0], [1], [0, 0, 1, 1], [], []>, transpose_lhs_hint = false} : vector<512x256xbf16>, vector<256x256xbf16>, vector<512x256xf32> -> vector<512x256xf32>
    %add3A_402 = arith.addf %dot_general3A_399, %dot_general3A_401 : vector<512x256xf32>
    %dot_general3A_403 = arith.constant dense<0.000000e+00> : vector<512x256xf32>
    %dot_general3A_404 = tpu.matmul %convert_element_type3A_397, %get3A_6, %dot_general3A_403 {dimension_numbers = #tpu.dot_dimension_numbers<[1], [0], [0], [1], [0, 0, 1, 1], [], []>, transpose_lhs_hint = false} : vector<512x256xbf16>, vector<256x256xbf16>, vector<512x256xf32> -> vector<512x256xf32>
    %add3A_405 = arith.addf %add3A_402, %dot_general3A_404 : vector<512x256xf32>
    %add3A_406 = vector.broadcast %get3A_12 : vector<1x256xf32> to vector<512x256xf32>
    %add3A_407 = arith.addf %add3A_405, %add3A_406 : vector<512x256xf32>
    %max3A_408 = arith.maximumf %max3A_383, %add3A_407 : vector<512x256xf32>
    %max3A_409 = arith.constant 0.000000e+00 : f32
    %max3A_410 = vector.broadcast %max3A_409 : f32 to vector<512x256xf32>
    %max3A_411 = arith.maximumf %max3A_408, %max3A_410 : vector<512x256xf32>
    %swap3A = arith.constant 0 : index
    %swap3A_412 = arith.constant 0 : index
    %swap3A_413 = arith.constant 0 : index
    %swap3A_414 = vector.load %arg6[%swap3A, %swap3A_412, %swap3A_413] : memref<1x512x256xf32, #tpu.memory_space<vmem>>, vector<1x512x256xf32>
    %swap3A_415 = vector.shape_cast %swap3A_414 : vector<1x512x256xf32> to vector<512x256xf32>
    %swap3A_416 = vector.shape_cast %max3A_411 : vector<512x256xf32> to vector<1x512x256xf32>
    tpu.vector_store %arg6[%swap3A, %swap3A_412, %swap3A_413], %swap3A_416 {strides = array<i32>} : memref<1x512x256xf32, #tpu.memory_space<vmem>>, vector<1x512x256xf32>,
    return
  }
  func.func @transform_0(%arg0: i32) -> (i32, i32, i32, i32) {
    %c0_i32 = arith.constant 0 : i32
    %c0_i32_0 = arith.constant 0 : i32
    %c0_i32_1 = arith.constant 0 : i32
    %c0_i32_2 = arith.constant 0 : i32
    return %arg0, %c0_i32, %c0_i32_0, %c0_i32_1 : i32, i32, i32, i32
  }
  func.func @transform_1(%arg0: i32) -> (i32, i32, i32) {
    %c0_i32 = arith.constant 0 : i32
    %c0_i32_0 = arith.constant 0 : i32
    %c0_i32_1 = arith.constant 0 : i32
    return %arg0, %c0_i32, %c0_i32_0 : i32, i32, i32
  }
  func.func @transform_2(%arg0: i32) -> (i32, i32) {
    %c0_i32 = arith.constant 0 : i32
    %c0_i32_0 = arith.constant 0 : i32
    %c0_i32_1 = arith.constant 0 : i32
    return %c0_i32, %c0_i32_0 : i32, i32
  }
  func.func @transform_3(%arg0: i32) -> (i32, i32) {
    %c0_i32 = arith.constant 0 : i32
    %c0_i32_0 = arith.constant 0 : i32
    %c0_i32_1 = arith.constant 0 : i32
    return %c0_i32, %c0_i32_0 : i32, i32
  }
  func.func @transform_4(%arg0: i32) -> (i32, i32) {
    %c0_i32 = arith.constant 0 : i32
    %c0_i32_0 = arith.constant 0 : i32
    %c0_i32_1 = arith.constant 0 : i32
    return %c0_i32, %c0_i32_0 : i32, i32
  }
  func.func @transform_5(%arg0: i32) -> (i32, i32, i32) {
    %c0_i32 = arith.constant 0 : i32
    %c0_i32_0 = arith.constant 0 : i32
    %c0_i32_1 = arith.constant 0 : i32
    return %arg0, %c0_i32, %c0_i32_0 : i32, i32, i32
  }
}

</mosaic_0001>

<sc_bundles>
// kernel: kernel.6.cloned.1.call-start
scs
__scs_entry_jumppad:
0x0: {  	(pc) =	sbr.rel $0x88, $3  }
0x1: {  	(tag) =	ssettag $0x0;
	lr =	simm.s32 $0x1  }
0x2: {  	[smem:$0x3F9B] =	sst lr;
	_ =	strace $0xD0000000  }
0x3: {  	_ = 	snop  }
0x4: {  	_ = 	snop  }
0x5: {  	_ = 	snop  }
0x6: {  	_ = 	snop  }
0x7: {  	_ = 	snop  }
__scs_overlays_trampoline_lowered:
0x8: {  	[smem:$0x3FAA] =	sst s0  }
0x9: {  	[smem:$0x3FAB] =	sst s1  }
0xa: {  	[smem:$0x3FAC] =	sst s2  }
0xb: {  	[smem:$0x3FAD] =	sst s3  }
0xc: {  	[smem:$0x3FAE] =	sst s4  }
0xd: {  	[smem:$0x3FAF] =	sst s5  }
0xe: {  	[smem:$0x3FB0] =	sst s6  }
0xf: {  	[smem:$0x3FB1] =	sst s7  }
0x10: {  	[smem:$0x3FB2] =	sst s8  }
0x11: {  	[smem:$0x3FB3] =	sst s9;
	s0 =	simm.s32 @!p0 $0x0  }
0x12: {  	s1 =	sld [smem:$0x3F99];
	s0 =	simm.s32 @p0 $0x1  }
0x13: {  	[smem:$0x3FB4] =	sst s0;
	s0 =	simm.s32 @!p1 $0x0  }
0x14: {  	s2 =	sld [smem:$0x3F98];
	s0 =	simm.s32 @p1 $0x1  }
0x15: {  	[smem:$0x3FB5] =	sst s0;
	s0 =	simm.s32 @!p2 $0x0  }
0x16: {  	s3 =	sld [smem:$0x3FDB];
	s0 =	simm.s32 @p2 $0x1  }
0x17: {  	s4 =	simm.s32 $0x1BF5;
	[smem:$0x3FB7] =	sst s0  }
0x18: {  	s0 =	sld [smem:$0x3F9A];
	_ =	swait.ge [sflag:s4], $0x0  }
0x19: {  	s7 =	sld [smem:$0x3F9B]  }
0x1a: {  	s8 =	sadd.s32 $0xFFFFE003, lr  }
0x1b: {  	s9 =	sadd.s32 $0xFFFFFEF7, lr;
	s5 =	simm.s32 $0xFFFFFFFF;
	p2 =	slt.u32 s8, $0xFFFFF086  }
0x1c: {  	p1 =	slt.u32 s9, $0xF7A;
	s5 =	simm.s32 @!p2 $0x0  }
0x1d: {  	s5 =	simm.s32 @p1 $0x1;
	p0 =	seq.s32 s7, s2  }
0x1e: {  	s7 =	smul.u32 @!p0 $0xF7A, s2;
	p2 =	seq.s32 @!p0 s5, $0x0  }
0x1f: {  	s9 =	smul.u32 $0xF7A, s1;
	s8 =	simm.s32 @!p0 $0x1BF5;
	p2 =	por !p2, p0  }
0x20: {  	[sflag:s8] =	ssyncset.s32 @!p0 $0xFFFFF086;
	s6 =	sadd.s32 @!p0 s3, s7;
	s7 =	simm.s32 @!p0 $0x108  }
0x21: {  	s3 =	sadd.s32 s3, s9;
	s6 =	sadd.s32 @!p0 $0x88, s6;
	s7 =	simm.s32 @p2 $0x1082  }
0x22: {  	[simem:s7], [sflag:s8] =	dma.local @!p0 [hbm:s6], $0xF7A  }
0x23: {  	s9 =	sor.u32 $0xD0000000, s2;
	s6 =	simm.s32 $0x108;
	_ =	swait.ge @!p0 [sflag:s8], $0x0  }
0x24: {  	s3 =	sadd.s32 $0x88, s3;
	s6 =	simm.s32 @!p1 $0x1082;
	[sflag:s4] =	ssyncset.s32 $0xFFFFF086  }
0x25: {  	[simem:s6], [sflag:s4] =	dma.local [hbm:s3], $0xF7A  }
0x26: {  	[smem:$0x3F9B] =	sst s1;
	(tag) =	ssettag s2;
	_ =	strace s9  }
0x27: {  	s1 =	sld [smem:$0x3FAB]  }
0x28: {  	s2 =	sld [smem:$0x3FAC]  }
0x29: {  	s4 =	sld [smem:$0x3FAE]  }
0x2a: {  	p0 =	seq.s32 s5, $0x0;
	s5 =	sld [smem:$0x3FAF]  }
0x2b: {  	s6 =	sld [smem:$0x3FB0]  }
0x2c: {  	s7 =	sld [smem:$0x3FB1]  }
0x2d: {  	s3 =	simm.s32 $0x108;
	s8 =	sld [smem:$0x3FB2]  }
0x2e: {  	s3 =	simm.s32 @!p0 $0x1082;
	s9 =	sld [smem:$0x3FB3]  }
0x2f: {  	lr =	sadd.s32 s0, s3;
	s0 =	sld [smem:$0x3FAA]  }
0x30: {  	s3 =	sld [smem:$0x3FAD]  }
0x31: {  	[smem:$0x3FB6] =	sst s10  }
0x32: {  	s10 =	sld [smem:$0x3FB4];
	_ =	sdelay $0x3  }
0x33: {  	p0 =	seq.s32 s10, $0x1;
	s10 =	sld [smem:$0x3FB6];
	_ =	sdelay $0x3  }
0x34: {  	[smem:$0x3FB6] =	sst s10  }
0x35: {  	s10 =	sld [smem:$0x3FB5];
	_ =	sdelay $0x3  }
0x36: {  	p1 =	seq.s32 s10, $0x1;
	s10 =	sld [smem:$0x3FB6];
	_ =	sdelay $0x3  }
0x37: {  	[smem:$0x3FB6] =	sst s10  }
0x38: {  	s10 =	sld [smem:$0x3FB7]  }
0x39: {  	_ = 	snop;
	(pc) =	sbr.ind lr, $3  }
0x3a: {  	_ = 	snop  }
0x3b: {  	_ = 	snop  }
0x3c: {  	p2 =	seq.s32 s10, $0x1;
	s10 =	sld [smem:$0x3FB6]  }
0x3d: {  	_ =	shalt  }
0x3e: {  	_ =	shalt  }
0x3f: {  	_ =	shalt  }
0x40: {  	_ =	shalt  }
0x41: {  	_ =	shalt  }
0x42: {  	_ =	shalt  }
0x43: {  	_ =	shalt  }
0x44: {  	_ =	shalt  }
0x45: {  	_ =	shalt  }
0x46: {  	_ =	shalt  }
0x47: {  	_ =	shalt  }
0x48: {  	_ =	shalt  }
0x49: {  	_ =	shalt  }
0x4a: {  	_ =	shalt  }
0x4b: {  	_ =	shalt  }
0x4c: {  	_ =	shalt  }
0x4d: {  	_ =	shalt  }
0x4e: {  	_ =	shalt  }
0x4f: {  	_ =	shalt  }
0x50: {  	_ =	shalt  }
0x51: {  	_ =	shalt  }
0x52: {  	_ =	shalt  }
0x53: {  	_ =	shalt  }
0x54: {  	_ =	shalt  }
0x55: {  	_ =	shalt  }
0x56: {  	_ =	shalt  }
0x57: {  	_ =	shalt  }
0x58: {  	_ =	shalt  }
0x59: {  	_ =	shalt  }
0x5a: {  	_ =	shalt  }
0x5b: {  	_ =	shalt  }
0x5c: {  	_ =	shalt  }
0x5d: {  	_ =	shalt  }
0x5e: {  	_ =	shalt  }
0x5f: {  	_ =	shalt  }
0x60: {  	_ =	shalt  }
0x61: {  	_ =	shalt  }
0x62: {  	_ =	shalt  }
0x63: {  	_ =	shalt  }
0x64: {  	_ =	shalt  }
0x65: {  	_ =	shalt  }
0x66: {  	_ =	shalt  }
0x67: {  	_ =	shalt  }
0x68: {  	_ =	shalt  }
0x69: {  	_ =	shalt  }
0x6a: {  	_ =	shalt  }
0x6b: {  	_ =	shalt  }
0x6c: {  	_ =	shalt  }
0x6d: {  	_ =	shalt  }
0x6e: {  	_ =	shalt  }
0x6f: {  	_ =	shalt  }
0x70: {  	_ =	shalt  }
0x71: {  	_ =	shalt  }
0x72: {  	_ =	shalt  }
0x73: {  	_ =	shalt  }
0x74: {  	_ =	shalt  }
0x75: {  	_ =	shalt  }
0x76: {  	_ =	shalt  }
0x77: {  	_ =	shalt  }
0x78: {  	_ =	shalt  }
0x79: {  	_ =	shalt  }
0x7a: {  	_ =	shalt  }
0x7b: {  	_ =	shalt  }
0x7c: {  	_ =	shalt  }
0x7d: {  	_ =	shalt  }
0x7e: {  	_ =	shalt  }
0x7f: {  	_ =	shalt  }
0x80: {  	_ =	shalt  }
0x81: {  	_ =	shalt  }
0x82: {  	_ =	shalt  }
0x83: {  	_ =	shalt  }
0x84: {  	_ =	shalt  }
0x85: {  	_ =	shalt  }
0x86: {  	_ =	shalt  }
0x87: {  	_ =	shalt  }
.Lfunc_end0:
.L_simem_size_0:
called_computation_lowered:
.L_overlay_start_0:
0x88: {  	s2 =	sld [smem:$0x3FD9]  }
0x89: {  	s3 =	sld [smem:$0x3FFE];
	_ =	sdelay $0x1  }
0x8a: {  	s1 =	srdreg.scid  }
0x8b: {  	s0 =	sand.u32 $0x1, s1  }
0x8c: {  	s14 =	sshll.u32 s0, $0xA;
	s2 =	sadd.s32 s3, s2  }
0x8d: {  	s2 =	sadd.s32 s2, s14  }
0x8e: {  	[smem:$0x3FC2] =	sst s2  }
0x8f: {  	_ = 	snop  }
0x90: {  	s2 =	sld [smem:$0x3FD0];
	_ =	sdelay $0x2  }
0x91: {  	s15 =	simm.s32 $0xA;
	s4 =	simm.s32 $0x10  }
0x92: {  	[smem:s4], [sflag:s15] =	dma.local [hbm:s2], $0x1  }
0x93: {  	_ =	swait.eq [sflag:s15], $0x1  }
0x94: {  	[sflag:s15] =	ssyncset.done $0x0  }
0x95: {  	[sflag:s15] =	ssyncadd.s32 $0xFFFFFFFF  }
0x96: {  	s16 =	sld [smem:$0x11];
	(tm) =	ssettm $0x1  }
0x97: {  	s17 =	sld [smem:$0x3FFB];
	_ =	sdelay $0x3  }
0x98: {  	_ =	strace s17  }
0x99: {  	s3 =	sld [smem:$0x3FFC];
	_ =	sdelay $0x3  }
0x9a: {  	_ =	strace s3  }
0x9b: {  	s3 =	sld [smem:$0x3FFD];
	_ =	sdelay $0x3  }
0x9c: {  	_ =	strace s3  }
0x9d: {  	_ =	strace $0x8FFFFFFF  }
0x9e: {  	s18 =	sld [smem:$0x3FDB];
	_ =	sdelay $0x1  }
0x9f: {  	s19 =	simm.s32 $_scs_section_size  }
0xa0: {  	s5 =	simm.s32 $_size__tile_overlayer_lowered;
	s6 =	simm.s32 $_tile_overlayer_lowered  }
0xa1: {  	s22 =	simm.s32 $0x1BFF;
	s21 =	sshll.u32 s6, $0x1;
	s3 =	sadd.s32 s19, s18  }
0xa2: {  	s7 =	simm.s32 $0x0;
	s20 =	sshll.u32 s5, $0x1;
	s5 =	sadd.s32 s21, s3  }
0xa3: {  	[timem:s7], [sflag:s22] =	dma.local [hbm:s5], s20  }
0xa4: {  	_ =	swait.ge [sflag:s22], s20  }
0xa5: {  	s4 =	ssub.s32 $0x0, s20;
	[sflag:s22] =	ssyncset.done $0x0  }
0xa6: {  	[sflag:s22] =	ssyncadd.s32 s4;
	_ =	sdelay $0x1  }
0xa7: {  	s23 =	simm.s32 $0x1B8B  }
0xa8: {  	_ =	swait.ge [sflag:s23], $0x1  }
0xa9: {  	[sflag:s23] =	ssyncset.done $0x0  }
0xaa: {  	s25 =	simm.s32 $0x1B8E;
	s24 =	sld [smem:$0x3FFE];
	[sflag:s23] =	ssyncadd.s32 $0xFFFFFFFF  }
0xab: {  	s26 =	simm.s32 $execute0_lowered;
	[smem:$0x3FD2] =	sst s25  }
0xac: {  	s5 =	sshll.u32 s26, $0x1;
	_ =	strace $0x80000046;
	[dreg:$0x1] =	wrdreg $0xFFFFFFFF  }
0xad: {  	s28 =	simm.s32 $_size_execute0_lowered;
	s3 =	sadd.s32 s3, s5;
	[dreg:$0x0] =	wrdreg $0x0  }
0xae: {  	s5 =	sshll.u32 s28, $0x1;
	[dreg:$0x2] =	wrdreg s3  }
0xaf: {  	[dreg:$0x3] =	wrdreg s5  }
0xb0: {  	[dreg:$0x4] =	wrdreg $0xC0  }
0xb1: {  	_ =	task [dreg:s7], $0x5FFFF  }
0xb2: {  	[dreg:$0x1] =	wrdreg $0xFFFFFFFF  }
0xb3: {  	[dreg:$0x0] =	wrdreg $0x60  }
0xb4: {  	[dreg:$0x2] =	wrdreg s24  }
0xb5: {  	[dreg:$0x3] =	wrdreg s16  }
0xb6: {  	[dreg:$0x4] =	wrdreg $0x9  }
0xb7: {  	_ =	task.clear_ibuf [dreg:s7], $0x5FFFF;
	_ =	strace $0x90000046  }
0xb8: {  	s29 =	simm.s32 $0x9;
	_ =	strace $0x80000048  }
0xb9: {  	_ =	swait.ge [sflag:s29], $0x1  }
0xba: {  	[sflag:s29] =	ssyncadd.s32 $0xFFFFFFFF  }
0xbb: {  	_ =	strace $0x90000048  }
0xbc: {  	_ =	sfence  }
0xbd: {  	s30 =	sld [smem:$0x0];
	_ =	sdelay $0x2  }
0xbe: {  	s31 =	sshll.u32 s1, $0xD;
	s1 =	sshrl.u32 s1, $0x2  }
0xbf: {  	s3 =	sand.u32 $0x4000, s31;
	s1 =	sadd.s32 s1, s30  }
0xc0: {  	s0 =	sor.u32 s3, s0;
	s1 =	sshll.u32 s1, $0x11  }
0xc1: {  	s0 =	sor.u32 s1, s0  }
0xc2: {  	s0 =	sadd.s32 $0x8F2B, s0  }
0xc3: {  	[sflag:s0] =	ssyncadd.remote.s32 $0x1  }
0xc4: {  	_ =	sfence.sel $0xFFFF  }
0xc5: {  	[dreg:$0x0] =	wrdreg $0xFFFFFFFF;
	(pc) =	sbr.abs _section_cstart, $3  }
0xc6: {  	[dreg:$0x1] =	wrdreg $0xFFFFFFFF  }
0xc7: {  	_ =	task.clear_ibuf [dreg:s7], $0x2FFFF;
	_ =	strace $0x9FFFFFFF  }
0xc8: {  	(tm) =	ssettm $0x7FFFFFFF  }
0xc9: {  	_ =	shalt  }
tec
execute0_lowered:
.L_overlay_start_1:
0x0: {  	(tag) =	ssettag $0x1  }
0x1: {  	s0 =	rddreg [dreg:$0x0]  }
0x2: {  	s1 =	rddreg [dreg:$0x1]  }
0x3: {  	s2 =	srdreg.scid;
	s4 =	stileid.u32  }
0x4: {  	s31 =	simm.s32 $0x100;
	s3 =	sand.u32 $0x1, s2;
	s2 =	simm.s32 $0x0  }
0x5: {  	s4 =	sshll.u32 s4, $0xB;
	s7 =	sadd.s32 $0xC1800, s0;
	s5 =	sshll.u32 s3, $0xA  }
0x6: {  	[smem:$0x7FF] =	sst s2;
	s19 =	ssub.s32 $0x2, s3;
	s4 =	sor.u32 s5, s4  }
0x7: {  	_ =	strace $0x80000047;
	s5 =	sshrl.u32 s4, $0x3;
	s6 =	sor.u32 $0x80, s4  }
0x8: {  	s22 =	sshll.u32 s4, $0x5;
	s24 =	sor.u32 $0x100, s4;
	s9 =	sor.u32 $0x180, s4  }
0x9: {  	s10 =	sor.u32 $0x200, s4;
	s13 =	sor.u32 $0x280, s4;
	s18 =	sor.u32 $0x300, s4  }
0xa: {  	s4 =	sor.u32 $0x380, s4;
	s5 =	sadd.s32 s1, s5;
	s8 =	sshrl.u32 s6, $0x3  }
0xb: {  	s23 =	sadd.s32 s7, s22;
	s25 =	sshrl.u32 s24, $0x3;
	s6 =	sshll.u32 s6, $0x5  }
0xc: {  	s28 =	sshrl.u32 s9, $0x3;
	s30 =	sshll.u32 s24, $0x5;
	s11 =	sshrl.u32 s10, $0x3  }
0xd: {  	s12 =	sshll.u32 s9, $0x5;
	s15 =	sshrl.u32 s13, $0x3;
	[dreg:$0x3] =	wrdreg s5  }
0xe: {  	s20 =	sshrl.u32 s18, $0x3;
	s21 =	sadd.s32 s1, s8;
	[dreg:$0x5] =	wrdreg s23  }
0xf: {  	s24 =	sshll.u32 s18, $0x5;
	s5 =	sadd.s32 s1, s25;
	[dreg:$0x4] =	wrdreg s21  }
0x10: {  	s26 =	sadd.s32 s7, s6;
	s29 =	sadd.s32 s1, s28;
	[dreg:$0x6] =	wrdreg s5  }
0x11: {  	s8 =	sadd.s32 s7, s30;
	s14 =	sadd.s32 s7, s12;
	[dreg:$0x7] =	wrdreg s26  }
0x12: {  	s16 =	sadd.s32 s1, s15;
	s6 =	sshll.u32 s10, $0x5;
	[dreg:$0x8] =	wrdreg s29  }
0x13: {  	s3 =	sadd.s32 s1, s20;
	s23 =	sshrl.u32 s4, $0x3;
	[dreg:$0x9] =	wrdreg s8  }
0x14: {  	s25 =	sadd.s32 s7, s24;
	s28 =	sshrl.u32 s19, $0x1;
	[dreg:$0xb] =	wrdreg s14  }
0x15: {  	s15 =	simm.s32 $0x2;
	s5 =	sadd.s32 s1, s11;
	[dreg:$0xc] =	wrdreg s16  }
0x16: {  	s17 =	sadd.s32 s7, s6;
	s21 =	sshll.u32 s13, $0x5;
	[dreg:$0xe] =	wrdreg s3  }
0x17: {  	s1 =	sadd.s32 s1, s23;
	s26 =	sshll.u32 s4, $0x5;
	[dreg:$0x11] =	wrdreg s25  }
0x18: {  	s3 =	sadd.s32 $0x81800, s0;
	s30 =	ssub.s32 s19, s28;
	[dreg:$0xa] =	wrdreg s5  }
0x19: {  	s23 =	simm.s32 $0x8100;
	s13 =	simm.s32 $0x1;
	[dreg:$0xd] =	wrdreg s17  }
0x1a: {  	v2 =	vlaneseq.u32;
	s14 =	simm.s32 $0x3;
	s22 =	sadd.s32 s7, s21;
	[dreg:$0x10] =	wrdreg s1  }
0x1b: {  	vm0 =	vmmov $0xffff;
	v1 =	vshrl.u32 v2, $0x3;
	s16 =	simm.s32 $0x4;
	s29 =	sadd.s32 s7, s26;
	[dreg:$0xf] =	wrdreg s22  }
0x1c: {  	v0 =	vand.u32 $0x7, v2;
	v2 =	vor.u32 $0x8, v2;
	v1 =	vmul.u32 $0x8, v1;
	s4 =	smax.u32 s30, $0x1;
	s5 =	simm.s32 $0x5;
	[dreg:$0x12] =	wrdreg s29  }
.LBB2_1:
0x1d: {  	s17 =	rddreg [dreg:$0x3]  }
0x1e: {  	[tilespmem:s2], [sflag:$0x5] =	stream.linear.gather [hbm4b:s17+s2], $0x80, $0x38;
	[tilespmem:$0x10100] =	vst v63  }
0x1f: {  	_ =	swait.ge [sflag:s5], $0x80  }
0x20: {  	[sflag:s5] =	ssyncset.done $0x0  }
0x21: {  	[sflag:s5] =	ssyncadd.s32 $0xFFFFFF80  }
0x22: {  	v3 =	vld [tilespmem:$0x0];
	_ =	sdelay $0x4  }
0x23: {  	v4 =	vshll.u32 v3, $0x1  }
0x24: {  	v3 =	vand.u32 $0x7, v3;
	v4 =	vand.u32 $0xFFFFFFF0, v4  }
0x25: {  	v3 =	vor.u32 v3, v4  }
0x26: {  	v4 =	vperm.xlane v3, v0;
	_ =	sdelay $0x1  }
0x27: {  	v3 =	vperm.xlane v3, v2;
	v4 =	vadd.s32 v1, v4;
	_ =	sdelay $0x1  }
0x28: {  	v3 =	vadd.s32 v1, v3;
	_ =	sdelay $0x2  }
0x29: {  	[tilespmem:s31], [sflag:$0x1] =	stream.indirect_vreg.gather [hbm4b:s3+s2], $0x80, v4, vm0, $0xb8;
	[tilespmem:$0x10100] =	vst v63  }
0x2a: {  	s0 =	simm.s32 $0x900  }
0x2b: {  	[tilespmem:s0], [sflag:$0x1] =	stream.indirect_vreg.gather [hbm4b:s3+s2], $0x80, v3, vm0, $0xb8;
	[tilespmem:$0x10100] =	vst v63  }
0x2c: {  	v3 =	vld [tilespmem:$0x10];
	_ =	sdelay $0x4  }
0x2d: {  	v57 =	vshll.u32 v3, $0x1  }
0x2e: {  	v3 =	vand.u32 $0x7, v3;
	v4 =	vand.u32 $0xFFFFFFF0, v57  }
0x2f: {  	v3 =	vor.u32 v3, v4  }
0x30: {  	v4 =	vperm.xlane v3, v0;
	_ =	sdelay $0x1  }
0x31: {  	v3 =	vperm.xlane v3, v2;
	v4 =	vadd.s32 v1, v4;
	_ =	sdelay $0x1  }
0x32: {  	v3 =	vadd.s32 v1, v3;
	_ =	sdelay $0x1  }
0x33: {  	s12 =	simm.s32 $0x1100  }
0x34: {  	[tilespmem:s12], [sflag:$0x1] =	stream.indirect_vreg.gather [hbm4b:s3+s2], $0x80, v4, vm0, $0xb8;
	[tilespmem:$0x10100] =	vst v63  }
0x35: {  	s17 =	simm.s32 $0x1900  }
0x36: {  	[tilespmem:s17], [sflag:$0x1] =	stream.indirect_vreg.gather [hbm4b:s3+s2], $0x80, v3, vm0, $0xb8;
	[tilespmem:$0x10100] =	vst v63  }
0x37: {  	v3 =	vld [tilespmem:$0x20];
	_ =	sdelay $0x4  }
0x38: {  	v58 =	vshll.u32 v3, $0x1  }
0x39: {  	v3 =	vand.u32 $0x7, v3;
	v4 =	vand.u32 $0xFFFFFFF0, v58  }
0x3a: {  	v3 =	vor.u32 v3, v4  }
0x3b: {  	v4 =	vperm.xlane v3, v0;
	_ =	sdelay $0x1  }
0x3c: {  	v3 =	vperm.xlane v3, v2;
	v4 =	vadd.s32 v1, v4;
	_ =	sdelay $0x1  }
0x3d: {  	v3 =	vadd.s32 v1, v3;
	_ =	sdelay $0x1  }
0x3e: {  	s18 =	simm.s32 $0x2100  }
0x3f: {  	[tilespmem:s18], [sflag:$0x1] =	stream.indirect_vreg.gather [hbm4b:s3+s2], $0x80, v4, vm0, $0xb8;
	[tilespmem:$0x10100] =	vst v63  }
0x40: {  	s19 =	simm.s32 $0x2900  }
0x41: {  	[tilespmem:s19], [sflag:$0x1] =	stream.indirect_vreg.gather [hbm4b:s3+s2], $0x80, v3, vm0, $0xb8;
	[tilespmem:$0x10100] =	vst v63  }
0x42: {  	v3 =	vld [tilespmem:$0x30];
	_ =	sdelay $0x4  }
0x43: {  	v59 =	vshll.u32 v3, $0x1  }
0x44: {  	v3 =	vand.u32 $0x7, v3;
	v4 =	vand.u32 $0xFFFFFFF0, v59  }
0x45: {  	v3 =	vor.u32 v3, v4  }
0x46: {  	v4 =	vperm.xlane v3, v0;
	_ =	sdelay $0x1  }
0x47: {  	v3 =	vperm.xlane v3, v2;
	v4 =	vadd.s32 v1, v4;
	_ =	sdelay $0x1  }
0x48: {  	v3 =	vadd.s32 v1, v3;
	_ =	sdelay $0x1  }
0x49: {  	s20 =	simm.s32 $0x3100  }
0x4a: {  	[tilespmem:s20], [sflag:$0x1] =	stream.indirect_vreg.gather [hbm4b:s3+s2], $0x80, v4, vm0, $0xb8;
	[tilespmem:$0x10100] =	vst v63  }
0x4b: {  	s21 =	simm.s32 $0x3900  }
0x4c: {  	[tilespmem:s21], [sflag:$0x1] =	stream.indirect_vreg.gather [hbm4b:s3+s2], $0x80, v3, vm0, $0xb8;
	[tilespmem:$0x10100] =	vst v63  }
0x4d: {  	v3 =	vld [tilespmem:$0x40];
	_ =	sdelay $0x4  }
0x4e: {  	v60 =	vshll.u32 v3, $0x1  }
0x4f: {  	v3 =	vand.u32 $0x7, v3;
	v4 =	vand.u32 $0xFFFFFFF0, v60  }
0x50: {  	v3 =	vor.u32 v3, v4  }
0x51: {  	v4 =	vperm.xlane v3, v0;
	_ =	sdelay $0x1  }
0x52: {  	v3 =	vperm.xlane v3, v2;
	v4 =	vadd.s32 v1, v4;
	_ =	sdelay $0x1  }
0x53: {  	v3 =	vadd.s32 v1, v3;
	_ =	sdelay $0x1  }
0x54: {  	s22 =	simm.s32 $0x4100  }
0x55: {  	[tilespmem:s22], [sflag:$0x1] =	stream.indirect_vreg.gather [hbm4b:s3+s2], $0x80, v4, vm0, $0xb8;
	[tilespmem:$0x10100] =	vst v63  }
0x56: {  	s24 =	simm.s32 $0x4900  }
0x57: {  	[tilespmem:s24], [sflag:$0x1] =	stream.indirect_vreg.gather [hbm4b:s3+s2], $0x80, v3, vm0, $0xb8;
	[tilespmem:$0x10100] =	vst v63  }
0x58: {  	v3 =	vld [tilespmem:$0x50];
	_ =	sdelay $0x4  }
0x59: {  	v61 =	vshll.u32 v3, $0x1  }
0x5a: {  	v3 =	vand.u32 $0x7, v3;
	v4 =	vand.u32 $0xFFFFFFF0, v61  }
0x5b: {  	v3 =	vor.u32 v3, v4  }
0x5c: {  	v4 =	vperm.xlane v3, v0;
	_ =	sdelay $0x1  }
0x5d: {  	v3 =	vperm.xlane v3, v2;
	v4 =	vadd.s32 v1, v4;
	_ =	sdelay $0x1  }
0x5e: {  	v3 =	vadd.s32 v1, v3;
	_ =	sdelay $0x1  }
0x5f: {  	s25 =	simm.s32 $0x5100  }
0x60: {  	[tilespmem:s25], [sflag:$0x1] =	stream.indirect_vreg.gather [hbm4b:s3+s2], $0x80, v4, vm0, $0xb8;
	[tilespmem:$0x10100] =	vst v63  }
0x61: {  	s26 =	simm.s32 $0x5900  }
0x62: {  	[tilespmem:s26], [sflag:$0x1] =	stream.indirect_vreg.gather [hbm4b:s3+s2], $0x80, v3, vm0, $0xb8;
	[tilespmem:$0x10100] =	vst v63  }
0x63: {  	v3 =	vld [tilespmem:$0x60];
	_ =	sdelay $0x4  }
0x64: {  	v62 =	vshll.u32 v3, $0x1  }
0x65: {  	v3 =	vand.u32 $0x7, v3;
	v4 =	vand.u32 $0xFFFFFFF0, v62  }
0x66: {  	v3 =	vor.u32 v3, v4  }
0x67: {  	v4 =	vperm.xlane v3, v0;
	_ =	sdelay $0x1  }
0x68: {  	v3 =	vperm.xlane v3, v2;
	v4 =	vadd.s32 v1, v4;
	_ =	sdelay $0x1  }
0x69: {  	v3 =	vadd.s32 v1, v3;
	_ =	sdelay $0x1  }
0x6a: {  	s28 =	simm.s32 $0x6100  }
0x6b: {  	[tilespmem:s28], [sflag:$0x1] =	stream.indirect_vreg.gather [hbm4b:s3+s2], $0x80, v4, vm0, $0xb8;
	[tilespmem:$0x10100] =	vst v63  }
0x6c: {  	s29 =	simm.s32 $0x6900  }
0x6d: {  	[tilespmem:s29], [sflag:$0x1] =	stream.indirect_vreg.gather [hbm4b:s3+s2], $0x80, v3, vm0, $0xb8;
	[tilespmem:$0x10100] =	vst v63  }
0x6e: {  	v3 =	vld [tilespmem:$0x70];
	_ =	sdelay $0x4  }
0x6f: {  	v63 =	vshll.u32 v3, $0x1  }
0x70: {  	v3 =	vand.u32 $0x7, v3;
	v4 =	vand.u32 $0xFFFFFFF0, v63  }
0x71: {  	v3 =	vor.u32 v3, v4  }
0x72: {  	v4 =	vperm.xlane v3, v0;
	_ =	sdelay $0x1  }
0x73: {  	v3 =	vperm.xlane v3, v2;
	v4 =	vadd.s32 v1, v4;
	_ =	sdelay $0x1  }
0x74: {  	v3 =	vadd.s32 v1, v3;
	_ =	sdelay $0x1  }
0x75: {  	s30 =	simm.s32 $0x7100  }
0x76: {  	[tilespmem:s30], [sflag:$0x1] =	stream.indirect_vreg.gather [hbm4b:s3+s2], $0x80, v4, vm0, $0xb8;
	[tilespmem:$0x10100] =	vst v63  }
0x77: {  	s18 =	simm.s32 $0x7900  }
0x78: {  	[tilespmem:s18], [sflag:$0x1] =	stream.indirect_vreg.gather [hbm4b:s3+s2], $0x80, v3, vm0, $0xb8;
	[tilespmem:$0x10100] =	vst v63  }
0x79: {  	s11 =	rddreg [dreg:$0x4];
	s19 =	simm.s32 $0x80  }
0x7a: {  	[tilespmem:s19], [sflag:$0x5] =	stream.linear.gather [hbm4b:s11+s2], $0x80, $0x38;
	[tilespmem:$0x10100] =	vst v63  }
0x7b: {  	_ =	swait.ge [sflag:s5], $0x80  }
0x7c: {  	[sflag:s5] =	ssyncset.done $0x0  }
0x7d: {  	[sflag:s5] =	ssyncadd.s32 $0xFFFFFF80  }
0x7e: {  	v3 =	vld [tilespmem:$0x80];
	_ =	sdelay $0x4  }
0x7f: {  	v8 =	vshll.u32 v3, $0x1  }
0x80: {  	v3 =	vand.u32 $0x7, v3;
	v4 =	vand.u32 $0xFFFFFFF0, v8  }
0x81: {  	v3 =	vor.u32 v3, v4  }
0x82: {  	v4 =	vperm.xlane v3, v0;
	_ =	sdelay $0x1  }
0x83: {  	v3 =	vperm.xlane v3, v2;
	v4 =	vadd.s32 v1, v4;
	_ =	sdelay $0x1  }
0x84: {  	v3 =	vadd.s32 v1, v3;
	_ =	sdelay $0x2  }
0x85: {  	[tilespmem:s23], [sflag:$0x2] =	stream.indirect_vreg.gather [hbm4b:s3+s2], $0x80, v4, vm0, $0xb8;
	[tilespmem:$0x10100] =	vst v63  }
0x86: {  	s20 =	simm.s32 $0x8900  }
0x87: {  	[tilespmem:s20], [sflag:$0x2] =	stream.indirect_vreg.gather [hbm4b:s3+s2], $0x80, v3, vm0, $0xb8;
	[tilespmem:$0x10100] =	vst v63  }
0x88: {  	v3 =	vld [tilespmem:$0x90];
	_ =	sdelay $0x4  }
0x89: {  	v9 =	vshll.u32 v3, $0x1  }
0x8a: {  	v3 =	vand.u32 $0x7, v3;
	v4 =	vand.u32 $0xFFFFFFF0, v9  }
0x8b: {  	v3 =	vor.u32 v3, v4  }
0x8c: {  	v4 =	vperm.xlane v3, v0;
	_ =	sdelay $0x1  }
0x8d: {  	v3 =	vperm.xlane v3, v2;
	v4 =	vadd.s32 v1, v4;
	_ =	sdelay $0x1  }
0x8e: {  	v3 =	vadd.s32 v1, v3;
	_ =	sdelay $0x1  }
0x8f: {  	s21 =	simm.s32 $0x9100  }
0x90: {  	[tilespmem:s21], [sflag:$0x2] =	stream.indirect_vreg.gather [hbm4b:s3+s2], $0x80, v4, vm0, $0xb8;
	[tilespmem:$0x10100] =	vst v63  }
0x91: {  	s22 =	simm.s32 $0x9900  }
0x92: {  	[tilespmem:s22], [sflag:$0x2] =	stream.indirect_vreg.gather [hbm4b:s3+s2], $0x80, v3, vm0, $0xb8;
	[tilespmem:$0x10100] =	vst v63  }
0x93: {  	v3 =	vld [tilespmem:$0xA0];
	_ =	sdelay $0x4  }
0x94: {  	v10 =	vshll.u32 v3, $0x1  }
0x95: {  	v3 =	vand.u32 $0x7, v3;
	v4 =	vand.u32 $0xFFFFFFF0, v10  }
0x96: {  	v3 =	vor.u32 v3, v4  }
0x97: {  	v4 =	vperm.xlane v3, v0;
	_ =	sdelay $0x1  }
0x98: {  	v3 =	vperm.xlane v3, v2;
	v4 =	vadd.s32 v1, v4;
	_ =	sdelay $0x1  }
0x99: {  	v3 =	vadd.s32 v1, v3;
	_ =	sdelay $0x1  }
0x9a: {  	s24 =	simm.s32 $0xA100  }
0x9b: {  	[tilespmem:s24], [sflag:$0x2] =	stream.indirect_vreg.gather [hbm4b:s3+s2], $0x80, v4, vm0, $0xb8;
	[tilespmem:$0x10100] =	vst v63  }
0x9c: {  	s25 =	simm.s32 $0xA900  }
0x9d: {  	[tilespmem:s25], [sflag:$0x2] =	stream.indirect_vreg.gather [hbm4b:s3+s2], $0x80, v3, vm0, $0xb8;
	[tilespmem:$0x10100] =	vst v63  }
0x9e: {  	v3 =	vld [tilespmem:$0xB0];
	_ =	sdelay $0x4  }
0x9f: {  	v11 =	vshll.u32 v3, $0x1  }
0xa0: {  	v3 =	vand.u32 $0x7, v3;
	v4 =	vand.u32 $0xFFFFFFF0, v11  }
0xa1: {  	v3 =	vor.u32 v3, v4  }
0xa2: {  	v4 =	vperm.xlane v3, v0;
	_ =	sdelay $0x1  }
0xa3: {  	v3 =	vperm.xlane v3, v2;
	v4 =	vadd.s32 v1, v4;
	_ =	sdelay $0x1  }
0xa4: {  	v3 =	vadd.s32 v1, v3;
	_ =	sdelay $0x1  }
0xa5: {  	s26 =	simm.s32 $0xB100  }
0xa6: {  	[tilespmem:s26], [sflag:$0x2] =	stream.indirect_vreg.gather [hbm4b:s3+s2], $0x80, v4, vm0, $0xb8;
	[tilespmem:$0x10100] =	vst v63  }
0xa7: {  	s28 =	simm.s32 $0xB900  }
0xa8: {  	[tilespmem:s28], [sflag:$0x2] =	stream.indirect_vreg.gather [hbm4b:s3+s2], $0x80, v3, vm0, $0xb8;
	[tilespmem:$0x10100] =	vst v63  }
0xa9: {  	v3 =	vld [tilespmem:$0xC0];
	_ =	sdelay $0x4  }
0xaa: {  	v12 =	vshll.u32 v3, $0x1  }
0xab: {  	v3 =	vand.u32 $0x7, v3;
	v4 =	vand.u32 $0xFFFFFFF0, v12  }
0xac: {  	v3 =	vor.u32 v3, v4  }
0xad: {  	v4 =	vperm.xlane v3, v0;
	_ =	sdelay $0x1  }
0xae: {  	v3 =	vperm.xlane v3, v2;
	v4 =	vadd.s32 v1, v4;
	_ =	sdelay $0x1  }
0xaf: {  	v3 =	vadd.s32 v1, v3;
	_ =	sdelay $0x1  }
0xb0: {  	s30 =	simm.s32 $0xC100  }
0xb1: {  	[tilespmem:s30], [sflag:$0x2] =	stream.indirect_vreg.gather [hbm4b:s3+s2], $0x80, v4, vm0, $0xb8;
	[tilespmem:$0x10100] =	vst v63  }
0xb2: {  	s0 =	simm.s32 $0xC900  }
0xb3: {  	[tilespmem:s0], [sflag:$0x2] =	stream.indirect_vreg.gather [hbm4b:s3+s2], $0x80, v3, vm0, $0xb8;
	[tilespmem:$0x10100] =	vst v63  }
0xb4: {  	v3 =	vld [tilespmem:$0xD0];
	_ =	sdelay $0x4  }
0xb5: {  	v13 =	vshll.u32 v3, $0x1  }
0xb6: {  	v3 =	vand.u32 $0x7, v3;
	v4 =	vand.u32 $0xFFFFFFF0, v13  }
0xb7: {  	v3 =	vor.u32 v3, v4  }
0xb8: {  	v4 =	vperm.xlane v3, v0;
	_ =	sdelay $0x1  }
0xb9: {  	v3 =	vperm.xlane v3, v2;
	v4 =	vadd.s32 v1, v4;
	_ =	sdelay $0x1  }
0xba: {  	v3 =	vadd.s32 v1, v3;
	_ =	sdelay $0x1  }
0xbb: {  	s11 =	simm.s32 $0xD100  }
0xbc: {  	[tilespmem:s11], [sflag:$0x2] =	stream.indirect_vreg.gather [hbm4b:s3+s2], $0x80, v4, vm0, $0xb8;
	[tilespmem:$0x10100] =	vst v63  }
0xbd: {  	s18 =	simm.s32 $0xD900  }
0xbe: {  	[tilespmem:s18], [sflag:$0x2] =	stream.indirect_vreg.gather [hbm4b:s3+s2], $0x80, v3, vm0, $0xb8;
	[tilespmem:$0x10100] =	vst v63  }
0xbf: {  	v3 =	vld [tilespmem:$0xE0];
	_ =	sdelay $0x4  }
0xc0: {  	v14 =	vshll.u32 v3, $0x1  }
0xc1: {  	v3 =	vand.u32 $0x7, v3;
	v4 =	vand.u32 $0xFFFFFFF0, v14  }
0xc2: {  	v3 =	vor.u32 v3, v4  }
0xc3: {  	v4 =	vperm.xlane v3, v0;
	_ =	sdelay $0x1  }
0xc4: {  	v3 =	vperm.xlane v3, v2;
	v4 =	vadd.s32 v1, v4;
	_ =	sdelay $0x1  }
0xc5: {  	v3 =	vadd.s32 v1, v3;
	_ =	sdelay $0x1  }
0xc6: {  	s19 =	simm.s32 $0xE100  }
0xc7: {  	[tilespmem:s19], [sflag:$0x2] =	stream.indirect_vreg.gather [hbm4b:s3+s2], $0x80, v4, vm0, $0xb8;
	[tilespmem:$0x10100] =	vst v63  }
0xc8: {  	s21 =	simm.s32 $0xE900  }
0xc9: {  	[tilespmem:s21], [sflag:$0x2] =	stream.indirect_vreg.gather [hbm4b:s3+s2], $0x80, v3, vm0, $0xb8;
	[tilespmem:$0x10100] =	vst v63  }
0xca: {  	v3 =	vld [tilespmem:$0xF0];
	_ =	sdelay $0x4  }
0xcb: {  	v15 =	vshll.u32 v3, $0x1  }
0xcc: {  	v3 =	vand.u32 $0x7, v3;
	v4 =	vand.u32 $0xFFFFFFF0, v15  }
0xcd: {  	v3 =	vor.u32 v3, v4  }
0xce: {  	v4 =	vperm.xlane v3, v0;
	_ =	sdelay $0x1  }
0xcf: {  	v3 =	vperm.xlane v3, v2;
	v4 =	vadd.s32 v1, v4;
	_ =	sdelay $0x1  }
0xd0: {  	v3 =	vadd.s32 v1, v3;
	_ =	sdelay $0x1  }
0xd1: {  	s22 =	simm.s32 $0xF100  }
0xd2: {  	[tilespmem:s22], [sflag:$0x2] =	stream.indirect_vreg.gather [hbm4b:s3+s2], $0x80, v4, vm0, $0xb8;
	[tilespmem:$0x10100] =	vst v63  }
0xd3: {  	s26 =	simm.s32 $0xF900  }
0xd4: {  	[tilespmem:s26], [sflag:$0x2] =	stream.indirect_vreg.gather [hbm4b:s3+s2], $0x80, v3, vm0, $0xb8;
	[tilespmem:$0x10100] =	vst v63  }
0xd5: {  	_ =	swait.ge [sflag:s13], $0x8000  }
0xd6: {  	[sflag:s13] =	ssyncset.done $0x0  }
0xd7: {  	s30 =	rddreg [dreg:$0x5];
	[sflag:s13] =	ssyncadd.s32 $0xFFFF8000  }
0xd8: {  	[hbm4b:s30+s2] =	stream.linear.scatter [tilespmem:s31], [sflag:$0x3], $0x8000, $0x38;
	[tilespmem:$0x10100] =	vst v63  }
0xd9: {  	_ =	swait.ge [sflag:s14], $0x8000  }
0xda: {  	[sflag:s14] =	ssyncset.done $0x0  }
0xdb: {  	s0 =	rddreg [dreg:$0x6];
	[sflag:s14] =	ssyncadd.s32 $0xFFFF8000  }
0xdc: {  	[tilespmem:s2], [sflag:$0x5] =	stream.linear.gather [hbm4b:s0+s2], $0x80, $0x38;
	[tilespmem:$0x10100] =	vst v63  }
0xdd: {  	_ =	swait.ge [sflag:s5], $0x80  }
0xde: {  	[sflag:s5] =	ssyncset.done $0x0  }
0xdf: {  	[sflag:s5] =	ssyncadd.s32 $0xFFFFFF80  }
0xe0: {  	v3 =	vld [tilespmem:$0x0];
	_ =	sdelay $0x4  }
0xe1: {  	v16 =	vshll.u32 v3, $0x1  }
0xe2: {  	v3 =	vand.u32 $0x7, v3;
	v4 =	vand.u32 $0xFFFFFFF0, v16  }
0xe3: {  	v3 =	vor.u32 v3, v4  }
0xe4: {  	v4 =	vperm.xlane v3, v0;
	_ =	sdelay $0x1  }
0xe5: {  	v3 =	vperm.xlane v3, v2;
	v4 =	vadd.s32 v1, v4;
	_ =	sdelay $0x1  }
0xe6: {  	v3 =	vadd.s32 v1, v3;
	_ =	sdelay $0x2  }
0xe7: {  	[tilespmem:s31], [sflag:$0x1] =	stream.indirect_vreg.gather [hbm4b:s3+s2], $0x80, v4, vm0, $0xb8;
	[tilespmem:$0x10100] =	vst v63  }
0xe8: {  	s8 =	simm.s32 $0x900  }
0xe9: {  	[tilespmem:s8], [sflag:$0x1] =	stream.indirect_vreg.gather [hbm4b:s3+s2], $0x80, v3, vm0, $0xb8;
	[tilespmem:$0x10100] =	vst v63  }
0xea: {  	v3 =	vld [tilespmem:$0x10];
	_ =	sdelay $0x4  }
0xeb: {  	v17 =	vshll.u32 v3, $0x1  }
0xec: {  	v3 =	vand.u32 $0x7, v3;
	v4 =	vand.u32 $0xFFFFFFF0, v17  }
0xed: {  	v3 =	vor.u32 v3, v4  }
0xee: {  	v4 =	vperm.xlane v3, v0;
	_ =	sdelay $0x1  }
0xef: {  	v3 =	vperm.xlane v3, v2;
	v4 =	vadd.s32 v1, v4;
	_ =	sdelay $0x1  }
0xf0: {  	v3 =	vadd.s32 v1, v3;
	_ =	sdelay $0x1  }
0xf1: {  	s1 =	simm.s32 $0x1100  }
0xf2: {  	[tilespmem:s1], [sflag:$0x1] =	stream.indirect_vreg.gather [hbm4b:s3+s2], $0x80, v4, vm0, $0xb8;
	[tilespmem:$0x10100] =	vst v63  }
0xf3: {  	s9 =	simm.s32 $0x1900  }
0xf4: {  	[tilespmem:s9], [sflag:$0x1] =	stream.indirect_vreg.gather [hbm4b:s3+s2], $0x80, v3, vm0, $0xb8;
	[tilespmem:$0x10100] =	vst v63  }
0xf5: {  	v3 =	vld [tilespmem:$0x20];
	_ =	sdelay $0x4  }
0xf6: {  	v18 =	vshll.u32 v3, $0x1  }
0xf7: {  	v3 =	vand.u32 $0x7, v3;
	v4 =	vand.u32 $0xFFFFFFF0, v18  }
0xf8: {  	v3 =	vor.u32 v3, v4  }
0xf9: {  	v4 =	vperm.xlane v3, v0;
	_ =	sdelay $0x1  }
0xfa: {  	v3 =	vperm.xlane v3, v2;
	v4 =	vadd.s32 v1, v4;
	_ =	sdelay $0x1  }
0xfb: {  	v3 =	vadd.s32 v1, v3;
	_ =	sdelay $0x1  }
0xfc: {  	s6 =	simm.s32 $0x2100  }
0xfd: {  	[tilespmem:s6], [sflag:$0x1] =	stream.indirect_vreg.gather [hbm4b:s3+s2], $0x80, v4, vm0, $0xb8;
	[tilespmem:$0x10100] =	vst v63  }
0xfe: {  	s26 =	simm.s32 $0x2900  }
0xff: {  	[tilespmem:s26], [sflag:$0x1] =	stream.indirect_vreg.gather [hbm4b:s3+s2], $0x80, v3, vm0, $0xb8;
	[tilespmem:$0x10100] =	vst v63  }
0x100: {  	v3 =	vld [tilespmem:$0x30];
	_ =	sdelay $0x4  }
0x101: {  	v19 =	vshll.u32 v3, $0x1  }
0x102: {  	v3 =	vand.u32 $0x7, v3;
	v4 =	vand.u32 $0xFFFFFFF0, v19  }
0x103: {  	v3 =	vor.u32 v3, v4  }
0x104: {  	v4 =	vperm.xlane v3, v0;
	_ =	sdelay $0x1  }
0x105: {  	v3 =	vperm.xlane v3, v2;
	v4 =	vadd.s32 v1, v4;
	_ =	sdelay $0x1  }
0x106: {  	v3 =	vadd.s32 v1, v3;
	_ =	sdelay $0x1  }
0x107: {  	s7 =	simm.s32 $0x3100  }
0x108: {  	[tilespmem:s7], [sflag:$0x1] =	stream.indirect_vreg.gather [hbm4b:s3+s2], $0x80, v4, vm0, $0xb8;
	[tilespmem:$0x10100] =	vst v63  }
0x109: {  	s10 =	simm.s32 $0x3900  }
0x10a: {  	[tilespmem:s10], [sflag:$0x1] =	stream.indirect_vreg.gather [hbm4b:s3+s2], $0x80, v3, vm0, $0xb8;
	[tilespmem:$0x10100] =	vst v63  }
0x10b: {  	v3 =	vld [tilespmem:$0x40];
	_ =	sdelay $0x4  }
0x10c: {  	v20 =	vshll.u32 v3, $0x1  }
0x10d: {  	v3 =	vand.u32 $0x7, v3;
	v4 =	vand.u32 $0xFFFFFFF0, v20  }
0x10e: {  	v3 =	vor.u32 v3, v4  }
0x10f: {  	v4 =	vperm.xlane v3, v0;
	_ =	sdelay $0x1  }
0x110: {  	v3 =	vperm.xlane v3, v2;
	v4 =	vadd.s32 v1, v4;
	_ =	sdelay $0x1  }
0x111: {  	v3 =	vadd.s32 v1, v3;
	_ =	sdelay $0x1  }
0x112: {  	s8 =	simm.s32 $0x4100  }
0x113: {  	[tilespmem:s8], [sflag:$0x1] =	stream.indirect_vreg.gather [hbm4b:s3+s2], $0x80, v4, vm0, $0xb8;
	[tilespmem:$0x10100] =	vst v63  }
0x114: {  	s11 =	simm.s32 $0x4900  }
0x115: {  	[tilespmem:s11], [sflag:$0x1] =	stream.indirect_vreg.gather [hbm4b:s3+s2], $0x80, v3, vm0, $0xb8;
	[tilespmem:$0x10100] =	vst v63  }
0x116: {  	v3 =	vld [tilespmem:$0x50];
	_ =	sdelay $0x4  }
0x117: {  	v21 =	vshll.u32 v3, $0x1  }
0x118: {  	v3 =	vand.u32 $0x7, v3;
	v4 =	vand.u32 $0xFFFFFFF0, v21  }
0x119: {  	v3 =	vor.u32 v3, v4  }
0x11a: {  	v4 =	vperm.xlane v3, v0;
	_ =	sdelay $0x1  }
0x11b: {  	v3 =	vperm.xlane v3, v2;
	v4 =	vadd.s32 v1, v4;
	_ =	sdelay $0x1  }
0x11c: {  	v3 =	vadd.s32 v1, v3;
	_ =	sdelay $0x1  }
0x11d: {  	s9 =	simm.s32 $0x5100  }
0x11e: {  	[tilespmem:s9], [sflag:$0x1] =	stream.indirect_vreg.gather [hbm4b:s3+s2], $0x80, v4, vm0, $0xb8;
	[tilespmem:$0x10100] =	vst v63  }
0x11f: {  	s12 =	simm.s32 $0x5900  }
0x120: {  	[tilespmem:s12], [sflag:$0x1] =	stream.indirect_vreg.gather [hbm4b:s3+s2], $0x80, v3, vm0, $0xb8;
	[tilespmem:$0x10100] =	vst v63  }
0x121: {  	v3 =	vld [tilespmem:$0x60];
	_ =	sdelay $0x4  }
0x122: {  	v22 =	vshll.u32 v3, $0x1  }
0x123: {  	v3 =	vand.u32 $0x7, v3;
	v4 =	vand.u32 $0xFFFFFFF0, v22  }
0x124: {  	v3 =	vor.u32 v3, v4  }
0x125: {  	v4 =	vperm.xlane v3, v0;
	_ =	sdelay $0x1  }
0x126: {  	v3 =	vperm.xlane v3, v2;
	v4 =	vadd.s32 v1, v4;
	_ =	sdelay $0x1  }
0x127: {  	v3 =	vadd.s32 v1, v3;
	_ =	sdelay $0x1  }
0x128: {  	s10 =	simm.s32 $0x6100  }
0x129: {  	[tilespmem:s10], [sflag:$0x1] =	stream.indirect_vreg.gather [hbm4b:s3+s2], $0x80, v4, vm0, $0xb8;
	[tilespmem:$0x10100] =	vst v63  }
0x12a: {  	s12 =	simm.s32 $0x6900  }
0x12b: {  	[tilespmem:s12], [sflag:$0x1] =	stream.indirect_vreg.gather [hbm4b:s3+s2], $0x80, v3, vm0, $0xb8;
	[tilespmem:$0x10100] =	vst v63  }
0x12c: {  	v3 =	vld [tilespmem:$0x70];
	_ =	sdelay $0x4  }
0x12d: {  	v23 =	vshll.u32 v3, $0x1  }
0x12e: {  	v3 =	vand.u32 $0x7, v3;
	v4 =	vand.u32 $0xFFFFFFF0, v23  }
0x12f: {  	v3 =	vor.u32 v3, v4  }
0x130: {  	v4 =	vperm.xlane v3, v0;
	_ =	sdelay $0x1  }
0x131: {  	v3 =	vperm.xlane v3, v2;
	v4 =	vadd.s32 v1, v4;
	_ =	sdelay $0x1  }
0x132: {  	v3 =	vadd.s32 v1, v3;
	_ =	sdelay $0x1  }
0x133: {  	s18 =	simm.s32 $0x7100  }
0x134: {  	[tilespmem:s18], [sflag:$0x1] =	stream.indirect_vreg.gather [hbm4b:s3+s2], $0x80, v4, vm0, $0xb8;
	[tilespmem:$0x10100] =	vst v63  }
0x135: {  	s19 =	simm.s32 $0x7900  }
0x136: {  	[tilespmem:s19], [sflag:$0x1] =	stream.indirect_vreg.gather [hbm4b:s3+s2], $0x80, v3, vm0, $0xb8;
	[tilespmem:$0x10100] =	vst v63  }
0x137: {  	_ =	swait.ge [sflag:s15], $0x8000  }
0x138: {  	[sflag:s15] =	ssyncset.done $0x0  }
0x139: {  	s6 =	rddreg [dreg:$0x7];
	[sflag:s15] =	ssyncadd.s32 $0xFFFF8000  }
0x13a: {  	[hbm4b:s6+s2] =	stream.linear.scatter [tilespmem:s23], [sflag:$0x4], $0x8000, $0x38;
	[tilespmem:$0x10100] =	vst v63  }
0x13b: {  	_ =	swait.ge [sflag:s16], $0x8000  }
0x13c: {  	[sflag:s16] =	ssyncset.done $0x0  }
0x13d: {  	s1 =	simm.s32 $0x80;
	s7 =	rddreg [dreg:$0x8];
	[sflag:s16] =	ssyncadd.s32 $0xFFFF8000  }
0x13e: {  	[tilespmem:s1], [sflag:$0x5] =	stream.linear.gather [hbm4b:s7+s2], $0x80, $0x38;
	[tilespmem:$0x10100] =	vst v63  }
0x13f: {  	_ =	swait.ge [sflag:s5], $0x80  }
0x140: {  	[sflag:s5] =	ssyncset.done $0x0  }
0x141: {  	[sflag:s5] =	ssyncadd.s32 $0xFFFFFF80  }
0x142: {  	v3 =	vld [tilespmem:$0x80];
	_ =	sdelay $0x4  }
0x143: {  	v24 =	vshll.u32 v3, $0x1  }
0x144: {  	v3 =	vand.u32 $0x7, v3;
	v4 =	vand.u32 $0xFFFFFFF0, v24  }
0x145: {  	v3 =	vor.u32 v3, v4  }
0x146: {  	v4 =	vperm.xlane v3, v0;
	_ =	sdelay $0x1  }
0x147: {  	v3 =	vperm.xlane v3, v2;
	v4 =	vadd.s32 v1, v4;
	_ =	sdelay $0x1  }
0x148: {  	v3 =	vadd.s32 v1, v3;
	_ =	sdelay $0x2  }
0x149: {  	[tilespmem:s23], [sflag:$0x2] =	stream.indirect_vreg.gather [hbm4b:s3+s2], $0x80, v4, vm0, $0xb8;
	[tilespmem:$0x10100] =	vst v63  }
0x14a: {  	s6 =	simm.s32 $0x8900  }
0x14b: {  	[tilespmem:s6], [sflag:$0x2] =	stream.indirect_vreg.gather [hbm4b:s3+s2], $0x80, v3, vm0, $0xb8;
	[tilespmem:$0x10100] =	vst v63  }
0x14c: {  	v3 =	vld [tilespmem:$0x90];
	_ =	sdelay $0x4  }
0x14d: {  	v25 =	vshll.u32 v3, $0x1  }
0x14e: {  	v3 =	vand.u32 $0x7, v3;
	v4 =	vand.u32 $0xFFFFFFF0, v25  }
0x14f: {  	v3 =	vor.u32 v3, v4  }
0x150: {  	v4 =	vperm.xlane v3, v0;
	_ =	sdelay $0x1  }
0x151: {  	v3 =	vperm.xlane v3, v2;
	v4 =	vadd.s32 v1, v4;
	_ =	sdelay $0x1  }
0x152: {  	v3 =	vadd.s32 v1, v3;
	_ =	sdelay $0x1  }
0x153: {  	s0 =	simm.s32 $0x9100  }
0x154: {  	[tilespmem:s0], [sflag:$0x2] =	stream.indirect_vreg.gather [hbm4b:s3+s2], $0x80, v4, vm0, $0xb8;
	[tilespmem:$0x10100] =	vst v63  }
0x155: {  	s7 =	simm.s32 $0x9900  }
0x156: {  	[tilespmem:s7], [sflag:$0x2] =	stream.indirect_vreg.gather [hbm4b:s3+s2], $0x80, v3, vm0, $0xb8;
	[tilespmem:$0x10100] =	vst v63  }
0x157: {  	v3 =	vld [tilespmem:$0xA0];
	_ =	sdelay $0x4  }
0x158: {  	v26 =	vshll.u32 v3, $0x1  }
0x159: {  	v3 =	vand.u32 $0x7, v3;
	v4 =	vand.u32 $0xFFFFFFF0, v26  }
0x15a: {  	v3 =	vor.u32 v3, v4  }
0x15b: {  	v4 =	vperm.xlane v3, v0;
	_ =	sdelay $0x1  }
0x15c: {  	v3 =	vperm.xlane v3, v2;
	v4 =	vadd.s32 v1, v4;
	_ =	sdelay $0x1  }
0x15d: {  	v3 =	vadd.s32 v1, v3;
	_ =	sdelay $0x1  }
0x15e: {  	s29 =	simm.s32 $0xA100  }
0x15f: {  	[tilespmem:s29], [sflag:$0x2] =	stream.indirect_vreg.gather [hbm4b:s3+s2], $0x80, v4, vm0, $0xb8;
	[tilespmem:$0x10100] =	vst v63  }
0x160: {  	s24 =	simm.s32 $0xA900  }
0x161: {  	[tilespmem:s24], [sflag:$0x2] =	stream.indirect_vreg.gather [hbm4b:s3+s2], $0x80, v3, vm0, $0xb8;
	[tilespmem:$0x10100] =	vst v63  }
0x162: {  	v3 =	vld [tilespmem:$0xB0];
	_ =	sdelay $0x4  }
0x163: {  	v27 =	vshll.u32 v3, $0x1  }
0x164: {  	v3 =	vand.u32 $0x7, v3;
	v4 =	vand.u32 $0xFFFFFFF0, v27  }
0x165: {  	v3 =	vor.u32 v3, v4  }
0x166: {  	v4 =	vperm.xlane v3, v0;
	_ =	sdelay $0x1  }
0x167: {  	v3 =	vperm.xlane v3, v2;
	v4 =	vadd.s32 v1, v4;
	_ =	sdelay $0x1  }
0x168: {  	v3 =	vadd.s32 v1, v3;
	_ =	sdelay $0x1  }
0x169: {  	s24 =	simm.s32 $0xB100  }
0x16a: {  	[tilespmem:s24], [sflag:$0x2] =	stream.indirect_vreg.gather [hbm4b:s3+s2], $0x80, v4, vm0, $0xb8;
	[tilespmem:$0x10100] =	vst v63  }
0x16b: {  	s25 =	simm.s32 $0xB900  }
0x16c: {  	[tilespmem:s25], [sflag:$0x2] =	stream.indirect_vreg.gather [hbm4b:s3+s2], $0x80, v3, vm0, $0xb8;
	[tilespmem:$0x10100] =	vst v63  }
0x16d: {  	v3 =	vld [tilespmem:$0xC0];
	_ =	sdelay $0x4  }
0x16e: {  	v28 =	vshll.u32 v3, $0x1  }
0x16f: {  	v3 =	vand.u32 $0x7, v3;
	v4 =	vand.u32 $0xFFFFFFF0, v28  }
0x170: {  	v3 =	vor.u32 v3, v4  }
0x171: {  	v4 =	vperm.xlane v3, v0;
	_ =	sdelay $0x1  }
0x172: {  	v3 =	vperm.xlane v3, v2;
	v4 =	vadd.s32 v1, v4;
	_ =	sdelay $0x1  }
0x173: {  	v3 =	vadd.s32 v1, v3;
	_ =	sdelay $0x1  }
0x174: {  	s25 =	simm.s32 $0xC100  }
0x175: {  	[tilespmem:s25], [sflag:$0x2] =	stream.indirect_vreg.gather [hbm4b:s3+s2], $0x80, v4, vm0, $0xb8;
	[tilespmem:$0x10100] =	vst v63  }
0x176: {  	s28 =	simm.s32 $0xC900  }
0x177: {  	[tilespmem:s28], [sflag:$0x2] =	stream.indirect_vreg.gather [hbm4b:s3+s2], $0x80, v3, vm0, $0xb8;
	[tilespmem:$0x10100] =	vst v63  }
0x178: {  	v3 =	vld [tilespmem:$0xD0];
	_ =	sdelay $0x4  }
0x179: {  	v29 =	vshll.u32 v3, $0x1  }
0x17a: {  	v3 =	vand.u32 $0x7, v3;
	v4 =	vand.u32 $0xFFFFFFF0, v29  }
0x17b: {  	v3 =	vor.u32 v3, v4  }
0x17c: {  	v4 =	vperm.xlane v3, v0;
	_ =	sdelay $0x1  }
0x17d: {  	v3 =	vperm.xlane v3, v2;
	v4 =	vadd.s32 v1, v4;
	_ =	sdelay $0x1  }
0x17e: {  	v3 =	vadd.s32 v1, v3;
	_ =	sdelay $0x1  }
0x17f: {  	s28 =	simm.s32 $0xD100  }
0x180: {  	[tilespmem:s28], [sflag:$0x2] =	stream.indirect_vreg.gather [hbm4b:s3+s2], $0x80, v4, vm0, $0xb8;
	[tilespmem:$0x10100] =	vst v63  }
0x181: {  	s20 =	simm.s32 $0xD900  }
0x182: {  	[tilespmem:s20], [sflag:$0x2] =	stream.indirect_vreg.gather [hbm4b:s3+s2], $0x80, v3, vm0, $0xb8;
	[tilespmem:$0x10100] =	vst v63  }
0x183: {  	v3 =	vld [tilespmem:$0xE0];
	_ =	sdelay $0x4  }
0x184: {  	v30 =	vshll.u32 v3, $0x1  }
0x185: {  	v3 =	vand.u32 $0x7, v3;
	v4 =	vand.u32 $0xFFFFFFF0, v30  }
0x186: {  	v3 =	vor.u32 v3, v4  }
0x187: {  	v4 =	vperm.xlane v3, v0;
	_ =	sdelay $0x1  }
0x188: {  	v3 =	vperm.xlane v3, v2;
	v4 =	vadd.s32 v1, v4;
	_ =	sdelay $0x1  }
0x189: {  	v3 =	vadd.s32 v1, v3;
	_ =	sdelay $0x1  }
0x18a: {  	s20 =	simm.s32 $0xE100  }
0x18b: {  	[tilespmem:s20], [sflag:$0x2] =	stream.indirect_vreg.gather [hbm4b:s3+s2], $0x80, v4, vm0, $0xb8;
	[tilespmem:$0x10100] =	vst v63  }
0x18c: {  	s21 =	simm.s32 $0xE900  }
0x18d: {  	[tilespmem:s21], [sflag:$0x2] =	stream.indirect_vreg.gather [hbm4b:s3+s2], $0x80, v3, vm0, $0xb8;
	[tilespmem:$0x10100] =	vst v63  }
0x18e: {  	v3 =	vld [tilespmem:$0xF0];
	_ =	sdelay $0x4  }
0x18f: {  	v31 =	vshll.u32 v3, $0x1  }
0x190: {  	v3 =	vand.u32 $0x7, v3;
	v4 =	vand.u32 $0xFFFFFFF0, v31  }
0x191: {  	v3 =	vor.u32 v3, v4  }
0x192: {  	v4 =	vperm.xlane v3, v0;
	_ =	sdelay $0x1  }
0x193: {  	v3 =	vperm.xlane v3, v2;
	v4 =	vadd.s32 v1, v4;
	_ =	sdelay $0x1  }
0x194: {  	v3 =	vadd.s32 v1, v3;
	_ =	sdelay $0x1  }
0x195: {  	s21 =	simm.s32 $0xF100  }
0x196: {  	[tilespmem:s21], [sflag:$0x2] =	stream.indirect_vreg.gather [hbm4b:s3+s2], $0x80, v4, vm0, $0xb8;
	[tilespmem:$0x10100] =	vst v63  }
0x197: {  	s22 =	simm.s32 $0xF900  }
0x198: {  	[tilespmem:s22], [sflag:$0x2] =	stream.indirect_vreg.gather [hbm4b:s3+s2], $0x80, v3, vm0, $0xb8;
	[tilespmem:$0x10100] =	vst v63  }
0x199: {  	_ =	swait.ge [sflag:s13], $0x8000  }
0x19a: {  	[sflag:s13] =	ssyncset.done $0x0  }
0x19b: {  	s22 =	rddreg [dreg:$0x9];
	[sflag:s13] =	ssyncadd.s32 $0xFFFF8000  }
0x19c: {  	[hbm4b:s22+s2] =	stream.linear.scatter [tilespmem:s31], [sflag:$0x3], $0x8000, $0x38;
	[tilespmem:$0x10100] =	vst v63  }
0x19d: {  	_ =	swait.ge [sflag:s14], $0x8000  }
0x19e: {  	[sflag:s14] =	ssyncset.done $0x0  }
0x19f: {  	s22 =	rddreg [dreg:$0xa];
	[sflag:s14] =	ssyncadd.s32 $0xFFFF8000  }
0x1a0: {  	[tilespmem:s2], [sflag:$0x5] =	stream.linear.gather [hbm4b:s22+s2], $0x80, $0x38;
	[tilespmem:$0x10100] =	vst v63  }
0x1a1: {  	_ =	swait.ge [sflag:s5], $0x80  }
0x1a2: {  	[sflag:s5] =	ssyncset.done $0x0  }
0x1a3: {  	[sflag:s5] =	ssyncadd.s32 $0xFFFFFF80  }
0x1a4: {  	v3 =	vld [tilespmem:$0x0];
	_ =	sdelay $0x4  }
0x1a5: {  	v32 =	vshll.u32 v3, $0x1  }
0x1a6: {  	v3 =	vand.u32 $0x7, v3;
	v4 =	vand.u32 $0xFFFFFFF0, v32  }
0x1a7: {  	v3 =	vor.u32 v3, v4  }
0x1a8: {  	v4 =	vperm.xlane v3, v0;
	_ =	sdelay $0x1  }
0x1a9: {  	v3 =	vperm.xlane v3, v2;
	v4 =	vadd.s32 v1, v4;
	_ =	sdelay $0x1  }
0x1aa: {  	v3 =	vadd.s32 v1, v3;
	_ =	sdelay $0x2  }
0x1ab: {  	[tilespmem:s31], [sflag:$0x1] =	stream.indirect_vreg.gather [hbm4b:s3+s2], $0x80, v4, vm0, $0xb8;
	[tilespmem:$0x10100] =	vst v63  }
0x1ac: {  	s22 =	simm.s32 $0x900  }
0x1ad: {  	[tilespmem:s22], [sflag:$0x1] =	stream.indirect_vreg.gather [hbm4b:s3+s2], $0x80, v3, vm0, $0xb8;
	[tilespmem:$0x10100] =	vst v63  }
0x1ae: {  	v3 =	vld [tilespmem:$0x10];
	_ =	sdelay $0x4  }
0x1af: {  	v33 =	vshll.u32 v3, $0x1  }
0x1b0: {  	v3 =	vand.u32 $0x7, v3;
	v4 =	vand.u32 $0xFFFFFFF0, v33  }
0x1b1: {  	v3 =	vor.u32 v3, v4  }
0x1b2: {  	v4 =	vperm.xlane v3, v0;
	_ =	sdelay $0x1  }
0x1b3: {  	v3 =	vperm.xlane v3, v2;
	v4 =	vadd.s32 v1, v4;
	_ =	sdelay $0x1  }
0x1b4: {  	v3 =	vadd.s32 v1, v3;
	_ =	sdelay $0x1  }
0x1b5: {  	s22 =	simm.s32 $0x1100  }
0x1b6: {  	[tilespmem:s22], [sflag:$0x1] =	stream.indirect_vreg.gather [hbm4b:s3+s2], $0x80, v4, vm0, $0xb8;
	[tilespmem:$0x10100] =	vst v63  }
0x1b7: {  	s22 =	simm.s32 $0x1900  }
0x1b8: {  	[tilespmem:s22], [sflag:$0x1] =	stream.indirect_vreg.gather [hbm4b:s3+s2], $0x80, v3, vm0, $0xb8;
	[tilespmem:$0x10100] =	vst v63  }
0x1b9: {  	v3 =	vld [tilespmem:$0x20];
	_ =	sdelay $0x4  }
0x1ba: {  	v34 =	vshll.u32 v3, $0x1  }
0x1bb: {  	v3 =	vand.u32 $0x7, v3;
	v4 =	vand.u32 $0xFFFFFFF0, v34  }
0x1bc: {  	v3 =	vor.u32 v3, v4  }
0x1bd: {  	v4 =	vperm.xlane v3, v0;
	_ =	sdelay $0x1  }
0x1be: {  	v3 =	vperm.xlane v3, v2;
	v4 =	vadd.s32 v1, v4;
	_ =	sdelay $0x1  }
0x1bf: {  	v3 =	vadd.s32 v1, v3;
	_ =	sdelay $0x1  }
0x1c0: {  	s22 =	simm.s32 $0x2100  }
0x1c1: {  	[tilespmem:s22], [sflag:$0x1] =	stream.indirect_vreg.gather [hbm4b:s3+s2], $0x80, v4, vm0, $0xb8;
	[tilespmem:$0x10100] =	vst v63  }
0x1c2: {  	_ = 	snop  }
0x1c3: {  	[tilespmem:s26], [sflag:$0x1] =	stream.indirect_vreg.gather [hbm4b:s3+s2], $0x80, v3, vm0, $0xb8;
	[tilespmem:$0x10100] =	vst v63  }
0x1c4: {  	v3 =	vld [tilespmem:$0x30];
	_ =	sdelay $0x4  }
0x1c5: {  	v35 =	vshll.u32 v3, $0x1  }
0x1c6: {  	v3 =	vand.u32 $0x7, v3;
	v4 =	vand.u32 $0xFFFFFFF0, v35  }
0x1c7: {  	v3 =	vor.u32 v3, v4  }
0x1c8: {  	v4 =	vperm.xlane v3, v0;
	_ =	sdelay $0x1  }
0x1c9: {  	v3 =	vperm.xlane v3, v2;
	v4 =	vadd.s32 v1, v4;
	_ =	sdelay $0x1  }
0x1ca: {  	v3 =	vadd.s32 v1, v3;
	_ =	sdelay $0x1  }
0x1cb: {  	s26 =	simm.s32 $0x3100  }
0x1cc: {  	[tilespmem:s26], [sflag:$0x1] =	stream.indirect_vreg.gather [hbm4b:s3+s2], $0x80, v4, vm0, $0xb8;
	[tilespmem:$0x10100] =	vst v63  }
0x1cd: {  	s26 =	simm.s32 $0x3900  }
0x1ce: {  	[tilespmem:s26], [sflag:$0x1] =	stream.indirect_vreg.gather [hbm4b:s3+s2], $0x80, v3, vm0, $0xb8;
	[tilespmem:$0x10100] =	vst v63  }
0x1cf: {  	v3 =	vld [tilespmem:$0x40];
	_ =	sdelay $0x4  }
0x1d0: {  	v36 =	vshll.u32 v3, $0x1  }
0x1d1: {  	v3 =	vand.u32 $0x7, v3;
	v4 =	vand.u32 $0xFFFFFFF0, v36  }
0x1d2: {  	v3 =	vor.u32 v3, v4  }
0x1d3: {  	v4 =	vperm.xlane v3, v0;
	_ =	sdelay $0x1  }
0x1d4: {  	v3 =	vperm.xlane v3, v2;
	v4 =	vadd.s32 v1, v4;
	_ =	sdelay $0x1  }
0x1d5: {  	v3 =	vadd.s32 v1, v3;
	_ =	sdelay $0x2  }
0x1d6: {  	[tilespmem:s8], [sflag:$0x1] =	stream.indirect_vreg.gather [hbm4b:s3+s2], $0x80, v4, vm0, $0xb8;
	[tilespmem:$0x10100] =	vst v63  }
0x1d7: {  	_ = 	snop  }
0x1d8: {  	[tilespmem:s11], [sflag:$0x1] =	stream.indirect_vreg.gather [hbm4b:s3+s2], $0x80, v3, vm0, $0xb8;
	[tilespmem:$0x10100] =	vst v63  }
0x1d9: {  	v3 =	vld [tilespmem:$0x50];
	_ =	sdelay $0x4  }
0x1da: {  	v37 =	vshll.u32 v3, $0x1  }
0x1db: {  	v3 =	vand.u32 $0x7, v3;
	v4 =	vand.u32 $0xFFFFFFF0, v37  }
0x1dc: {  	v3 =	vor.u32 v3, v4  }
0x1dd: {  	v4 =	vperm.xlane v3, v0;
	_ =	sdelay $0x1  }
0x1de: {  	v3 =	vperm.xlane v3, v2;
	v4 =	vadd.s32 v1, v4;
	_ =	sdelay $0x1  }
0x1df: {  	v3 =	vadd.s32 v1, v3;
	_ =	sdelay $0x2  }
0x1e0: {  	[tilespmem:s9], [sflag:$0x1] =	stream.indirect_vreg.gather [hbm4b:s3+s2], $0x80, v4, vm0, $0xb8;
	[tilespmem:$0x10100] =	vst v63  }
0x1e1: {  	s26 =	simm.s32 $0x5900  }
0x1e2: {  	[tilespmem:s26], [sflag:$0x1] =	stream.indirect_vreg.gather [hbm4b:s3+s2], $0x80, v3, vm0, $0xb8;
	[tilespmem:$0x10100] =	vst v63  }
0x1e3: {  	v3 =	vld [tilespmem:$0x60];
	_ =	sdelay $0x4  }
0x1e4: {  	v38 =	vshll.u32 v3, $0x1  }
0x1e5: {  	v3 =	vand.u32 $0x7, v3;
	v4 =	vand.u32 $0xFFFFFFF0, v38  }
0x1e6: {  	v3 =	vor.u32 v3, v4  }
0x1e7: {  	v4 =	vperm.xlane v3, v0;
	_ =	sdelay $0x1  }
0x1e8: {  	v3 =	vperm.xlane v3, v2;
	v4 =	vadd.s32 v1, v4;
	_ =	sdelay $0x1  }
0x1e9: {  	v3 =	vadd.s32 v1, v3;
	_ =	sdelay $0x2  }
0x1ea: {  	[tilespmem:s10], [sflag:$0x1] =	stream.indirect_vreg.gather [hbm4b:s3+s2], $0x80, v4, vm0, $0xb8;
	[tilespmem:$0x10100] =	vst v63  }
0x1eb: {  	_ = 	snop  }
0x1ec: {  	[tilespmem:s12], [sflag:$0x1] =	stream.indirect_vreg.gather [hbm4b:s3+s2], $0x80, v3, vm0, $0xb8;
	[tilespmem:$0x10100] =	vst v63  }
0x1ed: {  	v3 =	vld [tilespmem:$0x70];
	_ =	sdelay $0x4  }
0x1ee: {  	v39 =	vshll.u32 v3, $0x1  }
0x1ef: {  	v3 =	vand.u32 $0x7, v3;
	v4 =	vand.u32 $0xFFFFFFF0, v39  }
0x1f0: {  	v3 =	vor.u32 v3, v4  }
0x1f1: {  	v4 =	vperm.xlane v3, v0;
	_ =	sdelay $0x1  }
0x1f2: {  	v3 =	vperm.xlane v3, v2;
	v4 =	vadd.s32 v1, v4;
	_ =	sdelay $0x1  }
0x1f3: {  	v3 =	vadd.s32 v1, v3;
	_ =	sdelay $0x2  }
0x1f4: {  	[tilespmem:s18], [sflag:$0x1] =	stream.indirect_vreg.gather [hbm4b:s3+s2], $0x80, v4, vm0, $0xb8;
	[tilespmem:$0x10100] =	vst v63  }
0x1f5: {  	_ = 	snop  }
0x1f6: {  	[tilespmem:s19], [sflag:$0x1] =	stream.indirect_vreg.gather [hbm4b:s3+s2], $0x80, v3, vm0, $0xb8;
	[tilespmem:$0x10100] =	vst v63  }
0x1f7: {  	_ =	swait.ge [sflag:s15], $0x8000  }
0x1f8: {  	[sflag:s15] =	ssyncset.done $0x0  }
0x1f9: {  	s26 =	rddreg [dreg:$0xb];
	[sflag:s15] =	ssyncadd.s32 $0xFFFF8000  }
0x1fa: {  	[hbm4b:s26+s2] =	stream.linear.scatter [tilespmem:s23], [sflag:$0x4], $0x8000, $0x38;
	[tilespmem:$0x10100] =	vst v63  }
0x1fb: {  	_ =	swait.ge [sflag:s16], $0x8000  }
0x1fc: {  	[sflag:s16] =	ssyncset.done $0x0  }
0x1fd: {  	s26 =	rddreg [dreg:$0xc];
	[sflag:s16] =	ssyncadd.s32 $0xFFFF8000  }
0x1fe: {  	[tilespmem:s1], [sflag:$0x5] =	stream.linear.gather [hbm4b:s26+s2], $0x80, $0x38;
	[tilespmem:$0x10100] =	vst v63  }
0x1ff: {  	_ =	swait.ge [sflag:s5], $0x80  }
0x200: {  	[sflag:s5] =	ssyncset.done $0x0  }
0x201: {  	[sflag:s5] =	ssyncadd.s32 $0xFFFFFF80  }
0x202: {  	v3 =	vld [tilespmem:$0x80];
	_ =	sdelay $0x4  }
0x203: {  	v40 =	vshll.u32 v3, $0x1  }
0x204: {  	v3 =	vand.u32 $0x7, v3;
	v4 =	vand.u32 $0xFFFFFFF0, v40  }
0x205: {  	v3 =	vor.u32 v3, v4  }
0x206: {  	v4 =	vperm.xlane v3, v0;
	_ =	sdelay $0x1  }
0x207: {  	v3 =	vperm.xlane v3, v2;
	v4 =	vadd.s32 v1, v4;
	_ =	sdelay $0x1  }
0x208: {  	v3 =	vadd.s32 v1, v3;
	_ =	sdelay $0x2  }
0x209: {  	[tilespmem:s23], [sflag:$0x2] =	stream.indirect_vreg.gather [hbm4b:s3+s2], $0x80, v4, vm0, $0xb8;
	[tilespmem:$0x10100] =	vst v63  }
0x20a: {  	_ = 	snop  }
0x20b: {  	[tilespmem:s6], [sflag:$0x2] =	stream.indirect_vreg.gather [hbm4b:s3+s2], $0x80, v3, vm0, $0xb8;
	[tilespmem:$0x10100] =	vst v63  }
0x20c: {  	v3 =	vld [tilespmem:$0x90];
	_ =	sdelay $0x4  }
0x20d: {  	v41 =	vshll.u32 v3, $0x1  }
0x20e: {  	v3 =	vand.u32 $0x7, v3;
	v4 =	vand.u32 $0xFFFFFFF0, v41  }
0x20f: {  	v3 =	vor.u32 v3, v4  }
0x210: {  	v4 =	vperm.xlane v3, v0;
	_ =	sdelay $0x1  }
0x211: {  	v3 =	vperm.xlane v3, v2;
	v4 =	vadd.s32 v1, v4;
	_ =	sdelay $0x1  }
0x212: {  	v3 =	vadd.s32 v1, v3;
	_ =	sdelay $0x2  }
0x213: {  	[tilespmem:s0], [sflag:$0x2] =	stream.indirect_vreg.gather [hbm4b:s3+s2], $0x80, v4, vm0, $0xb8;
	[tilespmem:$0x10100] =	vst v63  }
0x214: {  	_ = 	snop  }
0x215: {  	[tilespmem:s7], [sflag:$0x2] =	stream.indirect_vreg.gather [hbm4b:s3+s2], $0x80, v3, vm0, $0xb8;
	[tilespmem:$0x10100] =	vst v63  }
0x216: {  	v3 =	vld [tilespmem:$0xA0];
	_ =	sdelay $0x4  }
0x217: {  	v42 =	vshll.u32 v3, $0x1  }
0x218: {  	v3 =	vand.u32 $0x7, v3;
	v4 =	vand.u32 $0xFFFFFFF0, v42  }
0x219: {  	v3 =	vor.u32 v3, v4  }
0x21a: {  	v4 =	vperm.xlane v3, v0;
	_ =	sdelay $0x1  }
0x21b: {  	v3 =	vperm.xlane v3, v2;
	v4 =	vadd.s32 v1, v4;
	_ =	sdelay $0x1  }
0x21c: {  	v3 =	vadd.s32 v1, v3;
	_ =	sdelay $0x1  }
0x21d: {  	s29 =	simm.s32 $0xA100  }
0x21e: {  	[tilespmem:s29], [sflag:$0x2] =	stream.indirect_vreg.gather [hbm4b:s3+s2], $0x80, v4, vm0, $0xb8;
	[tilespmem:$0x10100] =	vst v63  }
0x21f: {  	s30 =	simm.s32 $0xA900  }
0x220: {  	[tilespmem:s30], [sflag:$0x2] =	stream.indirect_vreg.gather [hbm4b:s3+s2], $0x80, v3, vm0, $0xb8;
	[tilespmem:$0x10100] =	vst v63  }
0x221: {  	v3 =	vld [tilespmem:$0xB0];
	_ =	sdelay $0x4  }
0x222: {  	v43 =	vshll.u32 v3, $0x1  }
0x223: {  	v3 =	vand.u32 $0x7, v3;
	v4 =	vand.u32 $0xFFFFFFF0, v43  }
0x224: {  	v3 =	vor.u32 v3, v4  }
0x225: {  	v4 =	vperm.xlane v3, v0;
	_ =	sdelay $0x1  }
0x226: {  	v3 =	vperm.xlane v3, v2;
	v4 =	vadd.s32 v1, v4;
	_ =	sdelay $0x1  }
0x227: {  	v3 =	vadd.s32 v1, v3;
	_ =	sdelay $0x1  }
0x228: {  	s24 =	simm.s32 $0xB100  }
0x229: {  	[tilespmem:s24], [sflag:$0x2] =	stream.indirect_vreg.gather [hbm4b:s3+s2], $0x80, v4, vm0, $0xb8;
	[tilespmem:$0x10100] =	vst v63  }
0x22a: {  	s24 =	simm.s32 $0xB900  }
0x22b: {  	[tilespmem:s24], [sflag:$0x2] =	stream.indirect_vreg.gather [hbm4b:s3+s2], $0x80, v3, vm0, $0xb8;
	[tilespmem:$0x10100] =	vst v63  }
0x22c: {  	v3 =	vld [tilespmem:$0xC0];
	_ =	sdelay $0x4  }
0x22d: {  	v44 =	vshll.u32 v3, $0x1  }
0x22e: {  	v3 =	vand.u32 $0x7, v3;
	v4 =	vand.u32 $0xFFFFFFF0, v44  }
0x22f: {  	v3 =	vor.u32 v3, v4  }
0x230: {  	v4 =	vperm.xlane v3, v0;
	_ =	sdelay $0x1  }
0x231: {  	v3 =	vperm.xlane v3, v2;
	v4 =	vadd.s32 v1, v4;
	_ =	sdelay $0x1  }
0x232: {  	v3 =	vadd.s32 v1, v3;
	_ =	sdelay $0x1  }
0x233: {  	s25 =	simm.s32 $0xC100  }
0x234: {  	[tilespmem:s25], [sflag:$0x2] =	stream.indirect_vreg.gather [hbm4b:s3+s2], $0x80, v4, vm0, $0xb8;
	[tilespmem:$0x10100] =	vst v63  }
0x235: {  	s25 =	simm.s32 $0xC900  }
0x236: {  	[tilespmem:s25], [sflag:$0x2] =	stream.indirect_vreg.gather [hbm4b:s3+s2], $0x80, v3, vm0, $0xb8;
	[tilespmem:$0x10100] =	vst v63  }
0x237: {  	v3 =	vld [tilespmem:$0xD0];
	_ =	sdelay $0x4  }
0x238: {  	v45 =	vshll.u32 v3, $0x1  }
0x239: {  	v3 =	vand.u32 $0x7, v3;
	v4 =	vand.u32 $0xFFFFFFF0, v45  }
0x23a: {  	v3 =	vor.u32 v3, v4  }
0x23b: {  	v4 =	vperm.xlane v3, v0;
	_ =	sdelay $0x1  }
0x23c: {  	v3 =	vperm.xlane v3, v2;
	v4 =	vadd.s32 v1, v4;
	_ =	sdelay $0x1  }
0x23d: {  	v3 =	vadd.s32 v1, v3;
	_ =	sdelay $0x1  }
0x23e: {  	s28 =	simm.s32 $0xD100  }
0x23f: {  	[tilespmem:s28], [sflag:$0x2] =	stream.indirect_vreg.gather [hbm4b:s3+s2], $0x80, v4, vm0, $0xb8;
	[tilespmem:$0x10100] =	vst v63  }
0x240: {  	s28 =	simm.s32 $0xD900  }
0x241: {  	[tilespmem:s28], [sflag:$0x2] =	stream.indirect_vreg.gather [hbm4b:s3+s2], $0x80, v3, vm0, $0xb8;
	[tilespmem:$0x10100] =	vst v63  }
0x242: {  	v3 =	vld [tilespmem:$0xE0];
	_ =	sdelay $0x4  }
0x243: {  	v46 =	vshll.u32 v3, $0x1  }
0x244: {  	v3 =	vand.u32 $0x7, v3;
	v4 =	vand.u32 $0xFFFFFFF0, v46  }
0x245: {  	v3 =	vor.u32 v3, v4  }
0x246: {  	v4 =	vperm.xlane v3, v0;
	_ =	sdelay $0x1  }
0x247: {  	v3 =	vperm.xlane v3, v2;
	v4 =	vadd.s32 v1, v4;
	_ =	sdelay $0x1  }
0x248: {  	v3 =	vadd.s32 v1, v3;
	_ =	sdelay $0x1  }
0x249: {  	s20 =	simm.s32 $0xE100  }
0x24a: {  	[tilespmem:s20], [sflag:$0x2] =	stream.indirect_vreg.gather [hbm4b:s3+s2], $0x80, v4, vm0, $0xb8;
	[tilespmem:$0x10100] =	vst v63  }
0x24b: {  	s20 =	simm.s32 $0xE900  }
0x24c: {  	[tilespmem:s20], [sflag:$0x2] =	stream.indirect_vreg.gather [hbm4b:s3+s2], $0x80, v3, vm0, $0xb8;
	[tilespmem:$0x10100] =	vst v63  }
0x24d: {  	v3 =	vld [tilespmem:$0xF0];
	_ =	sdelay $0x4  }
0x24e: {  	v47 =	vshll.u32 v3, $0x1  }
0x24f: {  	v3 =	vand.u32 $0x7, v3;
	v4 =	vand.u32 $0xFFFFFFF0, v47  }
0x250: {  	v3 =	vor.u32 v3, v4  }
0x251: {  	v4 =	vperm.xlane v3, v0;
	_ =	sdelay $0x1  }
0x252: {  	v3 =	vperm.xlane v3, v2;
	v4 =	vadd.s32 v1, v4;
	_ =	sdelay $0x1  }
0x253: {  	v3 =	vadd.s32 v1, v3;
	_ =	sdelay $0x1  }
0x254: {  	s21 =	simm.s32 $0xF100  }
0x255: {  	[tilespmem:s21], [sflag:$0x2] =	stream.indirect_vreg.gather [hbm4b:s3+s2], $0x80, v4, vm0, $0xb8;
	[tilespmem:$0x10100] =	vst v63  }
0x256: {  	s21 =	simm.s32 $0xF900  }
0x257: {  	[tilespmem:s21], [sflag:$0x2] =	stream.indirect_vreg.gather [hbm4b:s3+s2], $0x80, v3, vm0, $0xb8;
	[tilespmem:$0x10100] =	vst v63  }
0x258: {  	_ =	swait.ge [sflag:s13], $0x8000  }
0x259: {  	[sflag:s13] =	ssyncset.done $0x0  }
0x25a: {  	s17 =	rddreg [dreg:$0xd];
	[sflag:s13] =	ssyncadd.s32 $0xFFFF8000  }
0x25b: {  	[hbm4b:s17+s2] =	stream.linear.scatter [tilespmem:s31], [sflag:$0x3], $0x8000, $0x38;
	[tilespmem:$0x10100] =	vst v63  }
0x25c: {  	_ =	swait.ge [sflag:s14], $0x8000  }
0x25d: {  	[sflag:s14] =	ssyncset.done $0x0  }
0x25e: {  	s17 =	rddreg [dreg:$0xe];
	[sflag:s14] =	ssyncadd.s32 $0xFFFF8000  }
0x25f: {  	[tilespmem:s2], [sflag:$0x5] =	stream.linear.gather [hbm4b:s17+s2], $0x80, $0x38;
	[tilespmem:$0x10100] =	vst v63  }
0x260: {  	_ =	swait.ge [sflag:s5], $0x80  }
0x261: {  	[sflag:s5] =	ssyncset.done $0x0  }
0x262: {  	[sflag:s5] =	ssyncadd.s32 $0xFFFFFF80  }
0x263: {  	v3 =	vld [tilespmem:$0x0];
	_ =	sdelay $0x4  }
0x264: {  	v48 =	vshll.u32 v3, $0x1  }
0x265: {  	v3 =	vand.u32 $0x7, v3;
	v4 =	vand.u32 $0xFFFFFFF0, v48  }
0x266: {  	v3 =	vor.u32 v3, v4  }
0x267: {  	v4 =	vperm.xlane v3, v0;
	_ =	sdelay $0x1  }
0x268: {  	v3 =	vperm.xlane v3, v2;
	v4 =	vadd.s32 v1, v4;
	_ =	sdelay $0x1  }
0x269: {  	v3 =	vadd.s32 v1, v3;
	_ =	sdelay $0x2  }
0x26a: {  	[tilespmem:s31], [sflag:$0x1] =	stream.indirect_vreg.gather [hbm4b:s3+s2], $0x80, v4, vm0, $0xb8;
	[tilespmem:$0x10100] =	vst v63  }
0x26b: {  	s17 =	simm.s32 $0x900  }
0x26c: {  	[tilespmem:s17], [sflag:$0x1] =	stream.indirect_vreg.gather [hbm4b:s3+s2], $0x80, v3, vm0, $0xb8;
	[tilespmem:$0x10100] =	vst v63  }
0x26d: {  	v3 =	vld [tilespmem:$0x10];
	_ =	sdelay $0x4  }
0x26e: {  	v49 =	vshll.u32 v3, $0x1  }
0x26f: {  	v3 =	vand.u32 $0x7, v3;
	v4 =	vand.u32 $0xFFFFFFF0, v49  }
0x270: {  	v3 =	vor.u32 v3, v4  }
0x271: {  	v4 =	vperm.xlane v3, v0;
	_ =	sdelay $0x1  }
0x272: {  	v3 =	vperm.xlane v3, v2;
	v4 =	vadd.s32 v1, v4;
	_ =	sdelay $0x1  }
0x273: {  	v3 =	vadd.s32 v1, v3;
	_ =	sdelay $0x1  }
0x274: {  	s17 =	simm.s32 $0x1100  }
0x275: {  	[tilespmem:s17], [sflag:$0x1] =	stream.indirect_vreg.gather [hbm4b:s3+s2], $0x80, v4, vm0, $0xb8;
	[tilespmem:$0x10100] =	vst v63  }
0x276: {  	s17 =	simm.s32 $0x1900  }
0x277: {  	[tilespmem:s17], [sflag:$0x1] =	stream.indirect_vreg.gather [hbm4b:s3+s2], $0x80, v3, vm0, $0xb8;
	[tilespmem:$0x10100] =	vst v63  }
0x278: {  	v3 =	vld [tilespmem:$0x20];
	_ =	sdelay $0x4  }
0x279: {  	v50 =	vshll.u32 v3, $0x1  }
0x27a: {  	v3 =	vand.u32 $0x7, v3;
	v4 =	vand.u32 $0xFFFFFFF0, v50  }
0x27b: {  	v3 =	vor.u32 v3, v4  }
0x27c: {  	v4 =	vperm.xlane v3, v0;
	_ =	sdelay $0x1  }
0x27d: {  	v3 =	vperm.xlane v3, v2;
	v4 =	vadd.s32 v1, v4;
	_ =	sdelay $0x1  }
0x27e: {  	v3 =	vadd.s32 v1, v3;
	_ =	sdelay $0x1  }
0x27f: {  	s17 =	simm.s32 $0x2100  }
0x280: {  	[tilespmem:s17], [sflag:$0x1] =	stream.indirect_vreg.gather [hbm4b:s3+s2], $0x80, v4, vm0, $0xb8;
	[tilespmem:$0x10100] =	vst v63  }
0x281: {  	s22 =	simm.s32 $0x2900  }
0x282: {  	[tilespmem:s22], [sflag:$0x1] =	stream.indirect_vreg.gather [hbm4b:s3+s2], $0x80, v3, vm0, $0xb8;
	[tilespmem:$0x10100] =	vst v63  }
0x283: {  	v3 =	vld [tilespmem:$0x30];
	_ =	sdelay $0x4  }
0x284: {  	v51 =	vshll.u32 v3, $0x1  }
0x285: {  	v3 =	vand.u32 $0x7, v3;
	v4 =	vand.u32 $0xFFFFFFF0, v51  }
0x286: {  	v3 =	vor.u32 v3, v4  }
0x287: {  	v4 =	vperm.xlane v3, v0;
	_ =	sdelay $0x1  }
0x288: {  	v3 =	vperm.xlane v3, v2;
	v4 =	vadd.s32 v1, v4;
	_ =	sdelay $0x1  }
0x289: {  	v3 =	vadd.s32 v1, v3;
	_ =	sdelay $0x1  }
0x28a: {  	s22 =	simm.s32 $0x3100  }
0x28b: {  	[tilespmem:s22], [sflag:$0x1] =	stream.indirect_vreg.gather [hbm4b:s3+s2], $0x80, v4, vm0, $0xb8;
	[tilespmem:$0x10100] =	vst v63  }
0x28c: {  	s22 =	simm.s32 $0x3900  }
0x28d: {  	[tilespmem:s22], [sflag:$0x1] =	stream.indirect_vreg.gather [hbm4b:s3+s2], $0x80, v3, vm0, $0xb8;
	[tilespmem:$0x10100] =	vst v63  }
0x28e: {  	v3 =	vld [tilespmem:$0x40];
	_ =	sdelay $0x4  }
0x28f: {  	v52 =	vshll.u32 v3, $0x1  }
0x290: {  	v3 =	vand.u32 $0x7, v3;
	v4 =	vand.u32 $0xFFFFFFF0, v52  }
0x291: {  	v3 =	vor.u32 v3, v4  }
0x292: {  	v4 =	vperm.xlane v3, v0;
	_ =	sdelay $0x1  }
0x293: {  	v3 =	vperm.xlane v3, v2;
	v4 =	vadd.s32 v1, v4;
	_ =	sdelay $0x1  }
0x294: {  	v3 =	vadd.s32 v1, v3;
	_ =	sdelay $0x1  }
0x295: {  	s8 =	simm.s32 $0x4100  }
0x296: {  	[tilespmem:s8], [sflag:$0x1] =	stream.indirect_vreg.gather [hbm4b:s3+s2], $0x80, v4, vm0, $0xb8;
	[tilespmem:$0x10100] =	vst v63  }
0x297: {  	s11 =	simm.s32 $0x4900  }
0x298: {  	[tilespmem:s11], [sflag:$0x1] =	stream.indirect_vreg.gather [hbm4b:s3+s2], $0x80, v3, vm0, $0xb8;
	[tilespmem:$0x10100] =	vst v63  }
0x299: {  	v3 =	vld [tilespmem:$0x50];
	_ =	sdelay $0x4  }
0x29a: {  	v53 =	vshll.u32 v3, $0x1  }
0x29b: {  	v3 =	vand.u32 $0x7, v3;
	v4 =	vand.u32 $0xFFFFFFF0, v53  }
0x29c: {  	v3 =	vor.u32 v3, v4  }
0x29d: {  	v4 =	vperm.xlane v3, v0;
	_ =	sdelay $0x1  }
0x29e: {  	v3 =	vperm.xlane v3, v2;
	v4 =	vadd.s32 v1, v4;
	_ =	sdelay $0x1  }
0x29f: {  	v3 =	vadd.s32 v1, v3;
	_ =	sdelay $0x1  }
0x2a0: {  	s9 =	simm.s32 $0x5100  }
0x2a1: {  	[tilespmem:s9], [sflag:$0x1] =	stream.indirect_vreg.gather [hbm4b:s3+s2], $0x80, v4, vm0, $0xb8;
	[tilespmem:$0x10100] =	vst v63  }
0x2a2: {  	s17 =	simm.s32 $0x5900  }
0x2a3: {  	[tilespmem:s17], [sflag:$0x1] =	stream.indirect_vreg.gather [hbm4b:s3+s2], $0x80, v3, vm0, $0xb8;
	[tilespmem:$0x10100] =	vst v63  }
0x2a4: {  	v3 =	vld [tilespmem:$0x60];
	_ =	sdelay $0x4  }
0x2a5: {  	v54 =	vshll.u32 v3, $0x1  }
0x2a6: {  	v3 =	vand.u32 $0x7, v3;
	v4 =	vand.u32 $0xFFFFFFF0, v54  }
0x2a7: {  	v3 =	vor.u32 v3, v4  }
0x2a8: {  	v4 =	vperm.xlane v3, v0;
	_ =	sdelay $0x1  }
0x2a9: {  	v3 =	vperm.xlane v3, v2;
	v4 =	vadd.s32 v1, v4;
	_ =	sdelay $0x1  }
0x2aa: {  	v3 =	vadd.s32 v1, v3;
	_ =	sdelay $0x1  }
0x2ab: {  	s10 =	simm.s32 $0x6100  }
0x2ac: {  	[tilespmem:s10], [sflag:$0x1] =	stream.indirect_vreg.gather [hbm4b:s3+s2], $0x80, v4, vm0, $0xb8;
	[tilespmem:$0x10100] =	vst v63  }
0x2ad: {  	s12 =	simm.s32 $0x6900  }
0x2ae: {  	[tilespmem:s12], [sflag:$0x1] =	stream.indirect_vreg.gather [hbm4b:s3+s2], $0x80, v3, vm0, $0xb8;
	[tilespmem:$0x10100] =	vst v63  }
0x2af: {  	v3 =	vld [tilespmem:$0x70];
	_ =	sdelay $0x4  }
0x2b0: {  	v55 =	vshll.u32 v3, $0x1  }
0x2b1: {  	v3 =	vand.u32 $0x7, v3;
	v4 =	vand.u32 $0xFFFFFFF0, v55  }
0x2b2: {  	v3 =	vor.u32 v3, v4  }
0x2b3: {  	v4 =	vperm.xlane v3, v0;
	_ =	sdelay $0x1  }
0x2b4: {  	v3 =	vperm.xlane v3, v2;
	v4 =	vadd.s32 v1, v4;
	_ =	sdelay $0x1  }
0x2b5: {  	v3 =	vadd.s32 v1, v3;
	_ =	sdelay $0x1  }
0x2b6: {  	s18 =	simm.s32 $0x7100  }
0x2b7: {  	[tilespmem:s18], [sflag:$0x1] =	stream.indirect_vreg.gather [hbm4b:s3+s2], $0x80, v4, vm0, $0xb8;
	[tilespmem:$0x10100] =	vst v63  }
0x2b8: {  	s19 =	simm.s32 $0x7900  }
0x2b9: {  	[tilespmem:s19], [sflag:$0x1] =	stream.indirect_vreg.gather [hbm4b:s3+s2], $0x80, v3, vm0, $0xb8;
	[tilespmem:$0x10100] =	vst v63  }
0x2ba: {  	_ =	swait.ge [sflag:s15], $0x8000  }
0x2bb: {  	[sflag:s15] =	ssyncset.done $0x0  }
0x2bc: {  	s18 =	rddreg [dreg:$0xf];
	[sflag:s15] =	ssyncadd.s32 $0xFFFF8000  }
0x2bd: {  	[hbm4b:s18+s2] =	stream.linear.scatter [tilespmem:s23], [sflag:$0x4], $0x8000, $0x38;
	[tilespmem:$0x10100] =	vst v63  }
0x2be: {  	_ =	swait.ge [sflag:s16], $0x8000  }
0x2bf: {  	[sflag:s16] =	ssyncset.done $0x0  }
0x2c0: {  	s1 =	simm.s32 $0x80;
	s19 =	rddreg [dreg:$0x10];
	[sflag:s16] =	ssyncadd.s32 $0xFFFF8000  }
0x2c1: {  	[tilespmem:s1], [sflag:$0x5] =	stream.linear.gather [hbm4b:s19+s2], $0x80, $0x38;
	[tilespmem:$0x10100] =	vst v63  }
0x2c2: {  	_ =	swait.ge [sflag:s5], $0x80  }
0x2c3: {  	[sflag:s5] =	ssyncset.done $0x0  }
0x2c4: {  	[sflag:s5] =	ssyncadd.s32 $0xFFFFFF80  }
0x2c5: {  	v3 =	vld [tilespmem:$0x80];
	_ =	sdelay $0x4  }
0x2c6: {  	v56 =	vshll.u32 v3, $0x1  }
0x2c7: {  	v3 =	vand.u32 $0x7, v3;
	v4 =	vand.u32 $0xFFFFFFF0, v56  }
0x2c8: {  	v3 =	vor.u32 v3, v4  }
0x2c9: {  	v4 =	vperm.xlane v3, v0;
	_ =	sdelay $0x1  }
0x2ca: {  	v3 =	vperm.xlane v3, v2;
	v4 =	vadd.s32 v1, v4;
	_ =	sdelay $0x1  }
0x2cb: {  	v3 =	vadd.s32 v1, v3;
	_ =	sdelay $0x2  }
0x2cc: {  	[tilespmem:s23], [sflag:$0x2] =	stream.indirect_vreg.gather [hbm4b:s3+s2], $0x80, v4, vm0, $0xb8;
	[tilespmem:$0x10100] =	vst v63  }
0x2cd: {  	s6 =	simm.s32 $0x8900  }
0x2ce: {  	[tilespmem:s6], [sflag:$0x2] =	stream.indirect_vreg.gather [hbm4b:s3+s2], $0x80, v3, vm0, $0xb8;
	[tilespmem:$0x10100] =	vst v63  }
0x2cf: {  	v3 =	vld [tilespmem:$0x90];
	_ =	sdelay $0x4  }
0x2d0: {  	v57 =	vshll.u32 v3, $0x1  }
0x2d1: {  	v3 =	vand.u32 $0x7, v3;
	v4 =	vand.u32 $0xFFFFFFF0, v57  }
0x2d2: {  	v3 =	vor.u32 v3, v4  }
0x2d3: {  	v4 =	vperm.xlane v3, v0;
	_ =	sdelay $0x1  }
0x2d4: {  	v3 =	vperm.xlane v3, v2;
	v4 =	vadd.s32 v1, v4;
	_ =	sdelay $0x1  }
0x2d5: {  	v3 =	vadd.s32 v1, v3;
	_ =	sdelay $0x1  }
0x2d6: {  	s0 =	simm.s32 $0x9100  }
0x2d7: {  	[tilespmem:s0], [sflag:$0x2] =	stream.indirect_vreg.gather [hbm4b:s3+s2], $0x80, v4, vm0, $0xb8;
	[tilespmem:$0x10100] =	vst v63  }
0x2d8: {  	s7 =	simm.s32 $0x9900  }
0x2d9: {  	[tilespmem:s7], [sflag:$0x2] =	stream.indirect_vreg.gather [hbm4b:s3+s2], $0x80, v3, vm0, $0xb8;
	[tilespmem:$0x10100] =	vst v63  }
0x2da: {  	v3 =	vld [tilespmem:$0xA0];
	_ =	sdelay $0x4  }
0x2db: {  	v58 =	vshll.u32 v3, $0x1  }
0x2dc: {  	v3 =	vand.u32 $0x7, v3;
	v4 =	vand.u32 $0xFFFFFFF0, v58  }
0x2dd: {  	v3 =	vor.u32 v3, v4  }
0x2de: {  	v4 =	vperm.xlane v3, v0;
	_ =	sdelay $0x1  }
0x2df: {  	v3 =	vperm.xlane v3, v2;
	v4 =	vadd.s32 v1, v4;
	_ =	sdelay $0x1  }
0x2e0: {  	v3 =	vadd.s32 v1, v3;
	_ =	sdelay $0x1  }
0x2e1: {  	s29 =	simm.s32 $0xA100  }
0x2e2: {  	[tilespmem:s29], [sflag:$0x2] =	stream.indirect_vreg.gather [hbm4b:s3+s2], $0x80, v4, vm0, $0xb8;
	[tilespmem:$0x10100] =	vst v63  }
0x2e3: {  	s30 =	simm.s32 $0xA900  }
0x2e4: {  	[tilespmem:s30], [sflag:$0x2] =	stream.indirect_vreg.gather [hbm4b:s3+s2], $0x80, v3, vm0, $0xb8;
	[tilespmem:$0x10100] =	vst v63  }
0x2e5: {  	v3 =	vld [tilespmem:$0xB0];
	_ =	sdelay $0x4  }
0x2e6: {  	v59 =	vshll.u32 v3, $0x1  }
0x2e7: {  	v3 =	vand.u32 $0x7, v3;
	v4 =	vand.u32 $0xFFFFFFF0, v59  }
0x2e8: {  	v3 =	vor.u32 v3, v4  }
0x2e9: {  	v4 =	vperm.xlane v3, v0;
	_ =	sdelay $0x1  }
0x2ea: {  	v3 =	vperm.xlane v3, v2;
	v4 =	vadd.s32 v1, v4;
	_ =	sdelay $0x1  }
0x2eb: {  	v3 =	vadd.s32 v1, v3;
	_ =	sdelay $0x1  }
0x2ec: {  	s26 =	simm.s32 $0xB100  }
0x2ed: {  	[tilespmem:s26], [sflag:$0x2] =	stream.indirect_vreg.gather [hbm4b:s3+s2], $0x80, v4, vm0, $0xb8;
	[tilespmem:$0x10100] =	vst v63  }
0x2ee: {  	s22 =	simm.s32 $0xB900  }
0x2ef: {  	[tilespmem:s22], [sflag:$0x2] =	stream.indirect_vreg.gather [hbm4b:s3+s2], $0x80, v3, vm0, $0xb8;
	[tilespmem:$0x10100] =	vst v63  }
0x2f0: {  	v3 =	vld [tilespmem:$0xC0];
	_ =	sdelay $0x4  }
0x2f1: {  	v60 =	vshll.u32 v3, $0x1  }
0x2f2: {  	v3 =	vand.u32 $0x7, v3;
	v4 =	vand.u32 $0xFFFFFFF0, v60  }
0x2f3: {  	v3 =	vor.u32 v3, v4  }
0x2f4: {  	v4 =	vperm.xlane v3, v0;
	_ =	sdelay $0x1  }
0x2f5: {  	v3 =	vperm.xlane v3, v2;
	v4 =	vadd.s32 v1, v4;
	_ =	sdelay $0x1  }
0x2f6: {  	v3 =	vadd.s32 v1, v3;
	_ =	sdelay $0x1  }
0x2f7: {  	s24 =	simm.s32 $0xC100  }
0x2f8: {  	[tilespmem:s24], [sflag:$0x2] =	stream.indirect_vreg.gather [hbm4b:s3+s2], $0x80, v4, vm0, $0xb8;
	[tilespmem:$0x10100] =	vst v63  }
0x2f9: {  	s24 =	simm.s32 $0xC900  }
0x2fa: {  	[tilespmem:s24], [sflag:$0x2] =	stream.indirect_vreg.gather [hbm4b:s3+s2], $0x80, v3, vm0, $0xb8;
	[tilespmem:$0x10100] =	vst v63  }
0x2fb: {  	v3 =	vld [tilespmem:$0xD0];
	_ =	sdelay $0x4  }
0x2fc: {  	v61 =	vshll.u32 v3, $0x1  }
0x2fd: {  	v3 =	vand.u32 $0x7, v3;
	v4 =	vand.u32 $0xFFFFFFF0, v61  }
0x2fe: {  	v3 =	vor.u32 v3, v4  }
0x2ff: {  	v4 =	vperm.xlane v3, v0;
	_ =	sdelay $0x1  }
0x300: {  	v3 =	vperm.xlane v3, v2;
	v4 =	vadd.s32 v1, v4;
	_ =	sdelay $0x1  }
0x301: {  	v3 =	vadd.s32 v1, v3;
	_ =	sdelay $0x1  }
0x302: {  	s25 =	simm.s32 $0xD100  }
0x303: {  	[tilespmem:s25], [sflag:$0x2] =	stream.indirect_vreg.gather [hbm4b:s3+s2], $0x80, v4, vm0, $0xb8;
	[tilespmem:$0x10100] =	vst v63  }
0x304: {  	s26 =	simm.s32 $0xD900  }
0x305: {  	[tilespmem:s26], [sflag:$0x2] =	stream.indirect_vreg.gather [hbm4b:s3+s2], $0x80, v3, vm0, $0xb8;
	[tilespmem:$0x10100] =	vst v63  }
0x306: {  	v3 =	vld [tilespmem:$0xE0];
	_ =	sdelay $0x4  }
0x307: {  	v62 =	vshll.u32 v3, $0x1  }
0x308: {  	v3 =	vand.u32 $0x7, v3;
	v4 =	vand.u32 $0xFFFFFFF0, v62  }
0x309: {  	v3 =	vor.u32 v3, v4  }
0x30a: {  	v4 =	vperm.xlane v3, v0;
	_ =	sdelay $0x1  }
0x30b: {  	v3 =	vperm.xlane v3, v2;
	v4 =	vadd.s32 v1, v4;
	_ =	sdelay $0x1  }
0x30c: {  	v3 =	vadd.s32 v1, v3;
	_ =	sdelay $0x1  }
0x30d: {  	s28 =	simm.s32 $0xE100  }
0x30e: {  	[tilespmem:s28], [sflag:$0x2] =	stream.indirect_vreg.gather [hbm4b:s3+s2], $0x80, v4, vm0, $0xb8;
	[tilespmem:$0x10100] =	vst v63  }
0x30f: {  	s28 =	simm.s32 $0xE900  }
0x310: {  	[tilespmem:s28], [sflag:$0x2] =	stream.indirect_vreg.gather [hbm4b:s3+s2], $0x80, v3, vm0, $0xb8;
	[tilespmem:$0x10100] =	vst v63  }
0x311: {  	v3 =	vld [tilespmem:$0xF0];
	_ =	sdelay $0x4  }
0x312: {  	v63 =	vshll.u32 v3, $0x1  }
0x313: {  	v3 =	vand.u32 $0x7, v3;
	v4 =	vand.u32 $0xFFFFFFF0, v63  }
0x314: {  	v3 =	vor.u32 v3, v4  }
0x315: {  	v4 =	vperm.xlane v3, v0;
	_ =	sdelay $0x1  }
0x316: {  	v3 =	vperm.xlane v3, v2;
	v4 =	vadd.s32 v1, v4;
	_ =	sdelay $0x1  }
0x317: {  	v3 =	vadd.s32 v1, v3;
	_ =	sdelay $0x1  }
0x318: {  	s20 =	simm.s32 $0xF100  }
0x319: {  	[tilespmem:s20], [sflag:$0x2] =	stream.indirect_vreg.gather [hbm4b:s3+s2], $0x80, v4, vm0, $0xb8;
	[tilespmem:$0x10100] =	vst v63  }
0x31a: {  	s21 =	simm.s32 $0xF900  }
0x31b: {  	[tilespmem:s21], [sflag:$0x2] =	stream.indirect_vreg.gather [hbm4b:s3+s2], $0x80, v3, vm0, $0xb8;
	[tilespmem:$0x10100] =	vst v63  }
0x31c: {  	_ =	swait.ge [sflag:s13], $0x8000  }
0x31d: {  	[sflag:s13] =	ssyncset.done $0x0  }
0x31e: {  	s29 =	rddreg [dreg:$0x11];
	[sflag:s13] =	ssyncadd.s32 $0xFFFF8000  }
0x31f: {  	[hbm4b:s29+s2] =	stream.linear.scatter [tilespmem:s31], [sflag:$0x3], $0x8000, $0x38;
	[tilespmem:$0x10100] =	vst v63  }
0x320: {  	_ =	swait.ge [sflag:s15], $0x8000  }
0x321: {  	[sflag:s15] =	ssyncset.done $0x0  }
0x322: {  	s30 =	rddreg [dreg:$0x12];
	[sflag:s15] =	ssyncadd.s32 $0xFFFF8000  }
0x323: {  	[hbm4b:s30+s2] =	stream.linear.scatter [tilespmem:s23], [sflag:$0x4], $0x8000, $0x38;
	[tilespmem:$0x10100] =	vst v63  }
0x324: {  	p0 =	sne.s32 s4, $0x1;
	_ =	swait.ge [sflag:s14], $0x8000  }
.Ltmp0:
0x325: {  	[sflag:s14] =	ssyncset.done $0x0;
	(pc) =	sbr.rel @p0 .LBB2_1-.Ltmp0, $4  }
0x326: {  	[sflag:s14] =	ssyncadd.s32 $0xFFFF8000  }
0x327: {  	_ =	swait.ge [sflag:s16], $0x8000  }
0x328: {  	[sflag:s16] =	ssyncset.done $0x0  }
0x329: {  	s4 =	sadd.s32 $0xFFFFFFFF, s4;
	[sflag:s16] =	ssyncadd.s32 $0xFFFF8000  }
0x32a: {  	_ =	sfence.sel $0x180000  }
0x32b: {  	[bflag:$0x0] =	sbarrier.arrive $0xFFFF  }
0x32c: {  	_ =	strace $0x90000047  }
0x32d: {  	s0 =	stileid.u32;
	[bflag:$0x2] =	sbarrier.arrive $0xFFFF  }
0x32e: {  	p0 =	sne.s32 s0, $0x0;
	s0 =	rddreg [dreg:$0x2]  }
0x32f: {  	s0 =	sadd.s32 @!p0 $0x100000, s0  }
0x330: {  	[sflag:s0] =	ssyncadd.tile.s32 @!p0 $0x1;
	_ =	shalt  }
.Lfunc_end2:
_tile_overlayer_lowered:
.L_overlay_start_2:
0x331: {  	(tag) =	ssettag $0x2  }
0x332: {  	s0 =	rddreg [dreg:$0x0];
	s2 =	stileid.u32  }
0x333: {  	s1 =	rddreg [dreg:$0x1];
	p0 =	sne.s32 s2, $0x0  }
0x334: {  	s3 =	rddreg [dreg:$0x2];
	[bflag:$0x3] =	sbarrier.arrive $0xFFFF;
	s2 =	simm.s32 @!p0 $0x1C05  }
0x335: {  	[timem:s3], [sflag:s2] =	dma.local @!p0 [hbm:s0], s1  }
0x336: {  	s0 =	simm.s32 @!p0 $0x5  }
0x337: {  	_ =	swait.ge @!p0 [sflag:s0], s1  }
0x338: {  	s1 =	ssub.s32 @!p0 $0x0, s1;
	[sflag:s0] =	ssyncset.done @!p0 $0x0  }
0x339: {  	[sflag:s0] =	ssyncadd.s32 @!p0 s1  }
0x33a: {  	[bflag:$0x3] =	sbarrier.arrive $0xFFFF  }
0x33b: {  	_ =	shalt  }

</sc_bundles>
